<compile_context>
chip_gen: v7x
topology: tpu7x:2x2x1
jax: 0.10.2.dev20260603
libtpu: 0.0.44.dev20260713+nightly
codegen_flags: <defaults>
</compile_context>

<pallas_src>
import jax
import jax.numpy as jnp
from jax import lax
from jax.experimental import pallas as pl
from jax.experimental.pallas import tpu as pltpu
from jax.experimental.pallas import tpu_sc as plsc

NC = 2
NS = 16
NW = NC * NS
PB = 128


def _ds(off):
    return pl.ds(pl.multiple_of(off, PB), PB)


def _deg_kernel(npad, base, extra):
    mesh = plsc.VectorSubcoreMesh(core_axis_name="c", subcore_axis_name="s")
    rpt = npad // NS
    nbmax = base + (1 if extra else 0)

    KD = 4
    sbase = base // KD
    btail = base - sbase * KD

    def body(ei_hbm, deg_out, idx_v, ones_v, zero_v, deg_sh, sem):
        c = lax.axis_index("c")
        s = lax.axis_index("s")
        wid = c * NS + s
        base_blk = wid * base
        take_extra = s * NC + c < extra
        for i in range(KD * PB // 16):
            ones_v[pl.ds(i * 16, 16)] = jnp.ones((16,), jnp.float32)
        for i in range(rpt // 16):
            zero_v[pl.ds(i * 16, 16)] = jnp.zeros((16,), jnp.float32)
        pltpu.sync_copy(zero_v, deg_sh.at[pl.ds(s * rpt, rpt)])
        pltpu.async_copy(
            ei_hbm.at[1, pl.ds(pl.multiple_of(base_blk * PB, PB), base * PB)],
            idx_v.at[pl.ds(0, base * PB)], sem)
        if extra:
            @pl.when(take_extra)
            def _():
                pltpu.async_copy(
                    ei_hbm.at[1, _ds((NW * base + s * NC + c) * PB)],
                    idx_v.at[pl.ds(base * PB, PB)], sem)
            pltpu.make_async_copy(
                ei_hbm.at[1, pl.ds(0, base * PB)],
                idx_v.at[pl.ds(0, base * PB)], sem).wait()
            @pl.when(take_extra)
            def _():
                pltpu.make_async_copy(ei_hbm.at[1, _ds(0)],
                                      idx_v.at[pl.ds(0, PB)], sem).wait()
        else:
            pltpu.make_async_copy(
                ei_hbm.at[1, pl.ds(0, base * PB)],
                idx_v.at[pl.ds(0, base * PB)], sem).wait()
        plsc.subcore_barrier()

        def blk(g, carry):
            pltpu.sync_copy(
                ones_v,
                deg_sh.at[idx_v.at[pl.ds(pl.multiple_of(g * (KD * PB),
                                                        KD * PB), KD * PB)]],
                add=True)
            return carry

        lax.fori_loop(0, sbase, blk, 0)
        for t in range(btail):
            pltpu.sync_copy(
                ones_v.at[pl.ds(0, PB)],
                deg_sh.at[idx_v.at[pl.ds((sbase * KD + t) * PB, PB)]],
                add=True)
        if extra:
            @pl.when(take_extra)
            def _():
                pltpu.sync_copy(
                    ones_v.at[pl.ds(0, PB)],
                    deg_sh.at[idx_v.at[pl.ds(base * PB, PB)]], add=True)
        plsc.subcore_barrier()
        pltpu.sync_copy(deg_sh.at[pl.ds(s * rpt, rpt)],
                        deg_out.at[pl.ds(c * npad + s * rpt, rpt)])

    return pl.kernel(
        body,
        out_type=jax.ShapeDtypeStruct((NC * npad,), jnp.float32),
        mesh=mesh,
        scratch_types=[
            pltpu.VMEM((nbmax * PB,), jnp.int32),
            pltpu.VMEM((KD * PB,), jnp.float32),
            pltpu.VMEM((rpt,), jnp.float32),
            pltpu.VMEM_SHARED((npad,), jnp.float32),
            pltpu.SemaphoreType.DMA,
        ],
    )


def _scatter_kernel(npad, base, extra, d):
    mesh = plsc.VectorSubcoreMesh(core_axis_name="c", subcore_axis_name="s")
    rpt = npad // NS
    nbq = base // 4
    tailq = base - 4 * nbq

    def body(ei_hbm, y_hbm, out_hbm,
             idxr0_v, idxr1_v, idxr2_v, idxr3_v,
             idxc0_v, idxc1_v, idxc2_v, idxc3_v, msg_v, acc_sh,
             sem, semi0, semi1, semi2, semi3):
        idxr = (idxr0_v, idxr1_v, idxr2_v, idxr3_v)
        idxc = (idxc0_v, idxc1_v, idxc2_v, idxc3_v)
        semi = (semi0, semi1, semi2, semi3)
        c = lax.axis_index("c")
        s = lax.axis_index("s")
        wid = c * NS + s
        base_blk = wid * base
        use_y = (c == 0) == (s < NS // 2)

        @pl.when(use_y)
        def _():
            pltpu.sync_copy(y_hbm.at[pl.ds(s * rpt, rpt)],
                            acc_sh.at[pl.ds(s * rpt, rpt)])

        @pl.when(jnp.logical_not(use_y))
        def _():
            def zrow(r, carry):
                for i in range(d // 16):
                    msg_v[0, r, pl.ds(i * 16, 16)] = jnp.zeros(
                        (16,), jnp.float32)
                return carry

            lax.fori_loop(0, PB, zrow, 0)
            for r in range(rpt // PB):
                pltpu.sync_copy(
                    msg_v.at[0], acc_sh.at[pl.ds(s * rpt + r * PB, PB)])

        plsc.subcore_barrier()

        def off(j):
            return pl.multiple_of((base_blk + j) * PB, PB)

        def start_idx(slot, j, sm):
            pltpu.async_copy(ei_hbm.at[0, pl.ds(off(j), PB)], idxr[slot], sm)
            pltpu.async_copy(ei_hbm.at[1, pl.ds(off(j), PB)], idxc[slot], sm)

        def wait_idx(slot, sm):
            pltpu.make_async_copy(ei_hbm.at[0, _ds(0)], idxr[slot], sm).wait()
            pltpu.make_async_copy(ei_hbm.at[1, _ds(0)], idxc[slot], sm).wait()

        for b in range(2):
            pltpu.sync_copy(ei_hbm.at[0, pl.ds(off(b), PB)], idxr[b])
            pltpu.sync_copy(ei_hbm.at[1, pl.ds(off(b), PB)], idxc[b])
            pltpu.async_copy(y_hbm.at[idxr[b]], msg_v.at[b], sem)
        for b in range(2, 4):
            if base > b:
                start_idx(b, b, semi[b])

        def quad(q, carry):
            for b4 in range(4):
                j = 4 * q + b4
                ms = b4 % 2
                pltpu.make_async_copy(y_hbm.at[idxr[b4]], msg_v.at[ms],
                                      sem).wait()
                pltpu.sync_copy(msg_v.at[ms], acc_sh.at[idxc[b4]],
                                add=True)
                i2 = (b4 + 2) % 4

                @pl.when(j + 2 < base)
                def _():
                    wait_idx(i2, semi[i2])
                    pltpu.async_copy(y_hbm.at[idxr[i2]], msg_v.at[ms], sem)

                @pl.when(j + 4 < base)
                def _():
                    start_idx(b4, j + 4, semi[b4])
            return carry

        lax.fori_loop(0, nbq, quad, 0)
        for t in range(tailq):
            pltpu.make_async_copy(y_hbm.at[idxr[t]], msg_v.at[t % 2],
                                  sem).wait()
            pltpu.sync_copy(msg_v.at[t % 2], acc_sh.at[idxc[t]], add=True)

        def do_block(blkidx):
            pltpu.sync_copy(ei_hbm.at[0, _ds(blkidx * PB)], idxr[0])
            pltpu.sync_copy(ei_hbm.at[1, _ds(blkidx * PB)], idxc[0])
            pltpu.async_copy(y_hbm.at[idxr[0]], msg_v.at[0], sem).wait()
            pltpu.sync_copy(msg_v.at[0], acc_sh.at[idxc[0]], add=True)

        if extra:
            @pl.when(s * NC + c < extra)
            def _():
                do_block(NW * base + s * NC + c)
        plsc.subcore_barrier()
        pltpu.sync_copy(acc_sh.at[pl.ds(s * rpt, rpt)],
                        out_hbm.at[pl.ds(c * npad + s * rpt, rpt)])

    return pl.kernel(
        body,
        out_type=jax.ShapeDtypeStruct((NC * npad, d), jnp.float32),
        mesh=mesh,
        scratch_types=(
            [pltpu.VMEM((PB,), jnp.int32)] * 8
            + [
                pltpu.VMEM((2, PB, d), jnp.float32),
                pltpu.VMEM_SHARED((npad, d), jnp.float32),
            ]
            + [pltpu.SemaphoreType.DMA] * 5
        ),
    )


def _transform_kernel(npad, d_in, d_out, br):
    nblk = npad // br

    def body(x_ref, wt_ref, d0_ref, d1_ref, y_ref):
        deg = d0_ref[...] + d1_ref[...] + 1.0
        dinv = lax.rsqrt(deg)
        xw = jnp.dot(x_ref[...], wt_ref[...],
                     preferred_element_type=jnp.float32)
        y_ref[...] = xw * dinv[:, None]

    return pl.pallas_call(
        body,
        grid=(nblk,),
        in_specs=[
            pl.BlockSpec((br, d_in), lambda i: (i, 0)),
            pl.BlockSpec((d_in, d_out), lambda i: (0, 0)),
            pl.BlockSpec((br,), lambda i: (i,)),
            pl.BlockSpec((br,), lambda i: (nblk + i,)),
        ],
        out_specs=pl.BlockSpec((br, d_out), lambda i: (i, 0)),
        out_shape=jax.ShapeDtypeStruct((npad, d_out), jnp.float32),
    )


def _final_kernel(n, npad, d, br):
    nblk = npad // br

    def body(acc0_ref, acc1_ref, d0_ref, d1_ref, o_ref):
        deg = d0_ref[...] + d1_ref[...] + 1.0
        dinv = lax.rsqrt(deg)
        o_ref[...] = (acc0_ref[...] + acc1_ref[...]) * dinv[:, None]

    return pl.pallas_call(
        body,
        grid=(nblk,),
        in_specs=[
            pl.BlockSpec((br, d), lambda i: (i, 0)),
            pl.BlockSpec((br, d), lambda i: (nblk + i, 0)),
            pl.BlockSpec((br,), lambda i: (i,)),
            pl.BlockSpec((br,), lambda i: (nblk + i,)),
        ],
        out_specs=pl.BlockSpec((br, d), lambda i: (i, 0)),
        out_shape=jax.ShapeDtypeStruct((n, d), jnp.float32),
    )


def kernel(x, edge_index, num_nodes, W):
    n, d_in = x.shape
    d_out = W.shape[0]
    e = edge_index.shape[1]
    del num_nodes

    npad = -(-n // (NS * 16)) * (NS * 16)
    if npad == n:
        npad += NS * 16

    rem = e % PB
    if rem:
        padn = PB - rem
        pad_iota = jnp.arange(padn, dtype=edge_index.dtype)
        pad_blk = jnp.stack([pad_iota % n, n + pad_iota % (npad - n)])
        edge_index = jnp.concatenate([edge_index, pad_blk], axis=1)
    nfull = (e + (PB - rem if rem else 0)) // PB
    base = nfull // NW
    extra = nfull % NW
    wt = W.T

    degp = _deg_kernel(npad, base, extra)(edge_index)

    y = _transform_kernel(npad, d_in, d_out, 2048)(x, wt, degp, degp)

    accp = _scatter_kernel(npad, base, extra, d_out)(edge_index, y)

    out = _final_kernel(n, npad, d_out, 2048)(accp, accp, degp, degp)
    return out

# --- scband reference (transcript-rebuilt; emitter-appended) ---
"""Pipeline reference for scband-gcnconv-23802708754517 (READ-ONLY COPY).

The authoritative reference and input builder live on the scoring server;
editing this copy changes nothing except your own understanding.
"""

import jax, jax.numpy as jnp
import numpy as np

N = 10000
E = 320000
D_IN = 128
D_OUT = 128


def setup_inputs(seed: int = 0) -> dict:
    key = jax.random.key(seed)
    k1, k2, k3 = jax.random.split(key, 3)
    x = jax.random.normal(k1, (N, D_IN), dtype=jnp.float32)
    edge_index = jax.random.randint(k2, (2, E), 0, N, dtype=jnp.int32)
    # Linear(in_channels, out_channels, bias=False) weight: [out, in]
    W = (jax.random.normal(k3, (D_OUT, D_IN), dtype=jnp.float32)
         * (1.0 / np.sqrt(D_IN)))
    return {"x": x, "edge_index": edge_index, "num_nodes": N, "W": W}


def reference(x, edge_index, num_nodes, W):
    n = x.shape[0]
    num_nodes = jnp.asarray(num_nodes, dtype=edge_index.dtype)
    # add_self_loops
    loop = jnp.arange(n, dtype=edge_index.dtype) + (num_nodes - n)
    ei = jnp.concatenate([edge_index, jnp.stack([loop, loop], axis=0)], axis=1)
    row, col = ei[0], ei[1]
    # degree of col (dst), float dtype
    deg = jnp.zeros((n,), dtype=x.dtype).at[col].add(1.0)
    deg_inv_sqrt = jnp.power(deg, -0.5)
    deg_inv_sqrt = jnp.where(jnp.isinf(deg_inv_sqrt), 0.0, deg_inv_sqrt)
    norm = deg_inv_sqrt[row] * deg_inv_sqrt[col]
    # x = self.W(x)
    xw = x @ W.T
    # gather source features, scale, scatter-add to dst
    msgs = norm[:, None] * jnp.take(xw, row, axis=0)
    out = jnp.zeros((n, xw.shape[1]), dtype=xw.dtype).at[col].add(msgs)
    return out

if __name__ == "__main__":
    import jax
    _d = setup_inputs()
    print(jax.jit(kernel)(*tuple(_d.values())))

</pallas_src>

<mosaic_0001>
#map = affine_map<(d0, d1) -> (0, 0)>
#map1 = affine_map<(d0, d1) -> (0)>
module attributes {stable_mosaic.version = 14 : i64} {
  func.func @body(%arg0: i32, %arg1: i32, %arg2: memref<2x320000xi32, #tpu.memory_space<hbm>>, %arg3: memref<20480xf32, #tpu.memory_space<hbm>>, %arg4: memref<10112xi32, #tpu.memory_space<vmem>>, %arg5: memref<512xf32, #tpu.memory_space<vmem>>, %arg6: memref<640xf32, #tpu.memory_space<vmem>>, %arg7: memref<10240xf32, #tpu.memory_space<vmem_shared>>, %arg8: memref<!tpu.dma_semaphore, #tpu.memory_space<semaphore_mem>>) attributes {dimension_semantics = [#tpu.dimension_semantics<core_parallel>, #tpu.dimension_semantics<subcore_parallel>], iteration_bounds = array<i64: 2, 16>, scalar_prefetch = 0 : i64, scratch_operands = 5 : i64, tpu.core_type = #tpu.core_type<sc_vector_subcore>, window_params = [{transform_indices = #map}, {transform_indices = #map1}]} {
    %mul3A = arith.constant 16 : i32
    %mul3A_0 = arith.muli %arg0, %mul3A : i32
    %add3A = arith.addi %mul3A_0, %arg1 : i32
    %mul3A_1 = arith.constant 78 : i32
    %mul3A_2 = arith.muli %add3A, %mul3A_1 : i32
    %mul3A_3 = arith.constant 2 : i32
    %mul3A_4 = arith.muli %arg1, %mul3A_3 : i32
    %add3A_5 = arith.addi %mul3A_4, %arg0 : i32
    %lt3A = arith.constant 4 : i32
    %lt3A_6 = arith.cmpi slt, %add3A_5, %lt3A : i32
    %broadcast_in_dim3A = arith.constant 1.000000e+00 : f32
    %broadcast_in_dim3A_7 = vector.broadcast %broadcast_in_dim3A : f32 to vector<16xf32>
    %swap3A = arith.constant 0 : index
    %swap3A_8 = tpu.vector_load %arg5[%swap3A] {strides = array<i32>} : memref<512xf32, #tpu.memory_space<vmem>>, vector<16xf32>,
    %swap3A_9 = vector.shape_cast %swap3A_8 : vector<16xf32> to vector<16xf32>
    %swap3A_10 = vector.shape_cast %broadcast_in_dim3A_7 : vector<16xf32> to vector<16xf32>
    tpu.vector_store %arg5[%swap3A], %swap3A_10 {strides = array<i32>} : memref<512xf32, #tpu.memory_space<vmem>>, vector<16xf32>,
    %broadcast_in_dim3A_11 = arith.constant 1.000000e+00 : f32
    %broadcast_in_dim3A_12 = vector.broadcast %broadcast_in_dim3A_11 : f32 to vector<16xf32>
    %swap3A_13 = arith.constant 16 : index
    %swap3A_14 = tpu.vector_load %arg5[%swap3A_13] {strides = array<i32>} : memref<512xf32, #tpu.memory_space<vmem>>, vector<16xf32>,
    %swap3A_15 = vector.shape_cast %swap3A_14 : vector<16xf32> to vector<16xf32>
    %swap3A_16 = vector.shape_cast %broadcast_in_dim3A_12 : vector<16xf32> to vector<16xf32>
    tpu.vector_store %arg5[%swap3A_13], %swap3A_16 {strides = array<i32>} : memref<512xf32, #tpu.memory_space<vmem>>, vector<16xf32>,
    %broadcast_in_dim3A_17 = arith.constant 1.000000e+00 : f32
    %broadcast_in_dim3A_18 = vector.broadcast %broadcast_in_dim3A_17 : f32 to vector<16xf32>
    %swap3A_19 = arith.constant 32 : index
    %swap3A_20 = tpu.vector_load %arg5[%swap3A_19] {strides = array<i32>} : memref<512xf32, #tpu.memory_space<vmem>>, vector<16xf32>,
    %swap3A_21 = vector.shape_cast %swap3A_20 : vector<16xf32> to vector<16xf32>
    %swap3A_22 = vector.shape_cast %broadcast_in_dim3A_18 : vector<16xf32> to vector<16xf32>
    tpu.vector_store %arg5[%swap3A_19], %swap3A_22 {strides = array<i32>} : memref<512xf32, #tpu.memory_space<vmem>>, vector<16xf32>,
    %broadcast_in_dim3A_23 = arith.constant 1.000000e+00 : f32
    %broadcast_in_dim3A_24 = vector.broadcast %broadcast_in_dim3A_23 : f32 to vector<16xf32>
    %swap3A_25 = arith.constant 48 : index
    %swap3A_26 = tpu.vector_load %arg5[%swap3A_25] {strides = array<i32>} : memref<512xf32, #tpu.memory_space<vmem>>, vector<16xf32>,
    %swap3A_27 = vector.shape_cast %swap3A_26 : vector<16xf32> to vector<16xf32>
    %swap3A_28 = vector.shape_cast %broadcast_in_dim3A_24 : vector<16xf32> to vector<16xf32>
    tpu.vector_store %arg5[%swap3A_25], %swap3A_28 {strides = array<i32>} : memref<512xf32, #tpu.memory_space<vmem>>, vector<16xf32>,
    %broadcast_in_dim3A_29 = arith.constant 1.000000e+00 : f32
    %broadcast_in_dim3A_30 = vector.broadcast %broadcast_in_dim3A_29 : f32 to vector<16xf32>
    %swap3A_31 = arith.constant 64 : index
    %swap3A_32 = tpu.vector_load %arg5[%swap3A_31] {strides = array<i32>} : memref<512xf32, #tpu.memory_space<vmem>>, vector<16xf32>,
    %swap3A_33 = vector.shape_cast %swap3A_32 : vector<16xf32> to vector<16xf32>
    %swap3A_34 = vector.shape_cast %broadcast_in_dim3A_30 : vector<16xf32> to vector<16xf32>
    tpu.vector_store %arg5[%swap3A_31], %swap3A_34 {strides = array<i32>} : memref<512xf32, #tpu.memory_space<vmem>>, vector<16xf32>,
    %broadcast_in_dim3A_35 = arith.constant 1.000000e+00 : f32
    %broadcast_in_dim3A_36 = vector.broadcast %broadcast_in_dim3A_35 : f32 to vector<16xf32>
    %swap3A_37 = arith.constant 80 : index
    %swap3A_38 = tpu.vector_load %arg5[%swap3A_37] {strides = array<i32>} : memref<512xf32, #tpu.memory_space<vmem>>, vector<16xf32>,
    %swap3A_39 = vector.shape_cast %swap3A_38 : vector<16xf32> to vector<16xf32>
    %swap3A_40 = vector.shape_cast %broadcast_in_dim3A_36 : vector<16xf32> to vector<16xf32>
    tpu.vector_store %arg5[%swap3A_37], %swap3A_40 {strides = array<i32>} : memref<512xf32, #tpu.memory_space<vmem>>, vector<16xf32>,
    %broadcast_in_dim3A_41 = arith.constant 1.000000e+00 : f32
    %broadcast_in_dim3A_42 = vector.broadcast %broadcast_in_dim3A_41 : f32 to vector<16xf32>
    %swap3A_43 = arith.constant 96 : index
    %swap3A_44 = tpu.vector_load %arg5[%swap3A_43] {strides = array<i32>} : memref<512xf32, #tpu.memory_space<vmem>>, vector<16xf32>,
    %swap3A_45 = vector.shape_cast %swap3A_44 : vector<16xf32> to vector<16xf32>
    %swap3A_46 = vector.shape_cast %broadcast_in_dim3A_42 : vector<16xf32> to vector<16xf32>
    tpu.vector_store %arg5[%swap3A_43], %swap3A_46 {strides = array<i32>} : memref<512xf32, #tpu.memory_space<vmem>>, vector<16xf32>,
    %broadcast_in_dim3A_47 = arith.constant 1.000000e+00 : f32
    %broadcast_in_dim3A_48 = vector.broadcast %broadcast_in_dim3A_47 : f32 to vector<16xf32>
    %swap3A_49 = arith.constant 112 : index
    %swap3A_50 = tpu.vector_load %arg5[%swap3A_49] {strides = array<i32>} : memref<512xf32, #tpu.memory_space<vmem>>, vector<16xf32>,
    %swap3A_51 = vector.shape_cast %swap3A_50 : vector<16xf32> to vector<16xf32>
    %swap3A_52 = vector.shape_cast %broadcast_in_dim3A_48 : vector<16xf32> to vector<16xf32>
    tpu.vector_store %arg5[%swap3A_49], %swap3A_52 {strides = array<i32>} : memref<512xf32, #tpu.memory_space<vmem>>, vector<16xf32>,
    %broadcast_in_dim3A_53 = arith.constant 1.000000e+00 : f32
    %broadcast_in_dim3A_54 = vector.broadcast %broadcast_in_dim3A_53 : f32 to vector<16xf32>
    %swap3A_55 = arith.constant 128 : index
    %swap3A_56 = tpu.vector_load %arg5[%swap3A_55] {strides = array<i32>} : memref<512xf32, #tpu.memory_space<vmem>>, vector<16xf32>,
    %swap3A_57 = vector.shape_cast %swap3A_56 : vector<16xf32> to vector<16xf32>
    %swap3A_58 = vector.shape_cast %broadcast_in_dim3A_54 : vector<16xf32> to vector<16xf32>
    tpu.vector_store %arg5[%swap3A_55], %swap3A_58 {strides = array<i32>} : memref<512xf32, #tpu.memory_space<vmem>>, vector<16xf32>,
    %broadcast_in_dim3A_59 = arith.constant 1.000000e+00 : f32
    %broadcast_in_dim3A_60 = vector.broadcast %broadcast_in_dim3A_59 : f32 to vector<16xf32>
    %swap3A_61 = arith.constant 144 : index
    %swap3A_62 = tpu.vector_load %arg5[%swap3A_61] {strides = array<i32>} : memref<512xf32, #tpu.memory_space<vmem>>, vector<16xf32>,
    %swap3A_63 = vector.shape_cast %swap3A_62 : vector<16xf32> to vector<16xf32>
    %swap3A_64 = vector.shape_cast %broadcast_in_dim3A_60 : vector<16xf32> to vector<16xf32>
    tpu.vector_store %arg5[%swap3A_61], %swap3A_64 {strides = array<i32>} : memref<512xf32, #tpu.memory_space<vmem>>, vector<16xf32>,
    %broadcast_in_dim3A_65 = arith.constant 1.000000e+00 : f32
    %broadcast_in_dim3A_66 = vector.broadcast %broadcast_in_dim3A_65 : f32 to vector<16xf32>
    %swap3A_67 = arith.constant 160 : index
    %swap3A_68 = tpu.vector_load %arg5[%swap3A_67] {strides = array<i32>} : memref<512xf32, #tpu.memory_space<vmem>>, vector<16xf32>,
    %swap3A_69 = vector.shape_cast %swap3A_68 : vector<16xf32> to vector<16xf32>
    %swap3A_70 = vector.shape_cast %broadcast_in_dim3A_66 : vector<16xf32> to vector<16xf32>
    tpu.vector_store %arg5[%swap3A_67], %swap3A_70 {strides = array<i32>} : memref<512xf32, #tpu.memory_space<vmem>>, vector<16xf32>,
    %broadcast_in_dim3A_71 = arith.constant 1.000000e+00 : f32
    %broadcast_in_dim3A_72 = vector.broadcast %broadcast_in_dim3A_71 : f32 to vector<16xf32>
    %swap3A_73 = arith.constant 176 : index
    %swap3A_74 = tpu.vector_load %arg5[%swap3A_73] {strides = array<i32>} : memref<512xf32, #tpu.memory_space<vmem>>, vector<16xf32>,
    %swap3A_75 = vector.shape_cast %swap3A_74 : vector<16xf32> to vector<16xf32>
    %swap3A_76 = vector.shape_cast %broadcast_in_dim3A_72 : vector<16xf32> to vector<16xf32>
    tpu.vector_store %arg5[%swap3A_73], %swap3A_76 {strides = array<i32>} : memref<512xf32, #tpu.memory_space<vmem>>, vector<16xf32>,
    %broadcast_in_dim3A_77 = arith.constant 1.000000e+00 : f32
    %broadcast_in_dim3A_78 = vector.broadcast %broadcast_in_dim3A_77 : f32 to vector<16xf32>
    %swap3A_79 = arith.constant 192 : index
    %swap3A_80 = tpu.vector_load %arg5[%swap3A_79] {strides = array<i32>} : memref<512xf32, #tpu.memory_space<vmem>>, vector<16xf32>,
    %swap3A_81 = vector.shape_cast %swap3A_80 : vector<16xf32> to vector<16xf32>
    %swap3A_82 = vector.shape_cast %broadcast_in_dim3A_78 : vector<16xf32> to vector<16xf32>
    tpu.vector_store %arg5[%swap3A_79], %swap3A_82 {strides = array<i32>} : memref<512xf32, #tpu.memory_space<vmem>>, vector<16xf32>,
    %broadcast_in_dim3A_83 = arith.constant 1.000000e+00 : f32
    %broadcast_in_dim3A_84 = vector.broadcast %broadcast_in_dim3A_83 : f32 to vector<16xf32>
    %swap3A_85 = arith.constant 208 : index
    %swap3A_86 = tpu.vector_load %arg5[%swap3A_85] {strides = array<i32>} : memref<512xf32, #tpu.memory_space<vmem>>, vector<16xf32>,
    %swap3A_87 = vector.shape_cast %swap3A_86 : vector<16xf32> to vector<16xf32>
    %swap3A_88 = vector.shape_cast %broadcast_in_dim3A_84 : vector<16xf32> to vector<16xf32>
    tpu.vector_store %arg5[%swap3A_85], %swap3A_88 {strides = array<i32>} : memref<512xf32, #tpu.memory_space<vmem>>, vector<16xf32>,
    %broadcast_in_dim3A_89 = arith.constant 1.000000e+00 : f32
    %broadcast_in_dim3A_90 = vector.broadcast %broadcast_in_dim3A_89 : f32 to vector<16xf32>
    %swap3A_91 = arith.constant 224 : index
    %swap3A_92 = tpu.vector_load %arg5[%swap3A_91] {strides = array<i32>} : memref<512xf32, #tpu.memory_space<vmem>>, vector<16xf32>,
    %swap3A_93 = vector.shape_cast %swap3A_92 : vector<16xf32> to vector<16xf32>
    %swap3A_94 = vector.shape_cast %broadcast_in_dim3A_90 : vector<16xf32> to vector<16xf32>
    tpu.vector_store %arg5[%swap3A_91], %swap3A_94 {strides = array<i32>} : memref<512xf32, #tpu.memory_space<vmem>>, vector<16xf32>,
    %broadcast_in_dim3A_95 = arith.constant 1.000000e+00 : f32
    %broadcast_in_dim3A_96 = vector.broadcast %broadcast_in_dim3A_95 : f32 to vector<16xf32>
    %swap3A_97 = arith.constant 240 : index
    %swap3A_98 = tpu.vector_load %arg5[%swap3A_97] {strides = array<i32>} : memref<512xf32, #tpu.memory_space<vmem>>, vector<16xf32>,
    %swap3A_99 = vector.shape_cast %swap3A_98 : vector<16xf32> to vector<16xf32>
    %swap3A_100 = vector.shape_cast %broadcast_in_dim3A_96 : vector<16xf32> to vector<16xf32>
    tpu.vector_store %arg5[%swap3A_97], %swap3A_100 {strides = array<i32>} : memref<512xf32, #tpu.memory_space<vmem>>, vector<16xf32>,
    %broadcast_in_dim3A_101 = arith.constant 1.000000e+00 : f32
    %broadcast_in_dim3A_102 = vector.broadcast %broadcast_in_dim3A_101 : f32 to vector<16xf32>
    %swap3A_103 = arith.constant 256 : index
    %swap3A_104 = tpu.vector_load %arg5[%swap3A_103] {strides = array<i32>} : memref<512xf32, #tpu.memory_space<vmem>>, vector<16xf32>,
    %swap3A_105 = vector.shape_cast %swap3A_104 : vector<16xf32> to vector<16xf32>
    %swap3A_106 = vector.shape_cast %broadcast_in_dim3A_102 : vector<16xf32> to vector<16xf32>
    tpu.vector_store %arg5[%swap3A_103], %swap3A_106 {strides = array<i32>} : memref<512xf32, #tpu.memory_space<vmem>>, vector<16xf32>,
    %broadcast_in_dim3A_107 = arith.constant 1.000000e+00 : f32
    %broadcast_in_dim3A_108 = vector.broadcast %broadcast_in_dim3A_107 : f32 to vector<16xf32>
    %swap3A_109 = arith.constant 272 : index
    %swap3A_110 = tpu.vector_load %arg5[%swap3A_109] {strides = array<i32>} : memref<512xf32, #tpu.memory_space<vmem>>, vector<16xf32>,
    %swap3A_111 = vector.shape_cast %swap3A_110 : vector<16xf32> to vector<16xf32>
    %swap3A_112 = vector.shape_cast %broadcast_in_dim3A_108 : vector<16xf32> to vector<16xf32>
    tpu.vector_store %arg5[%swap3A_109], %swap3A_112 {strides = array<i32>} : memref<512xf32, #tpu.memory_space<vmem>>, vector<16xf32>,
    %broadcast_in_dim3A_113 = arith.constant 1.000000e+00 : f32
    %broadcast_in_dim3A_114 = vector.broadcast %broadcast_in_dim3A_113 : f32 to vector<16xf32>
    %swap3A_115 = arith.constant 288 : index
    %swap3A_116 = tpu.vector_load %arg5[%swap3A_115] {strides = array<i32>} : memref<512xf32, #tpu.memory_space<vmem>>, vector<16xf32>,
    %swap3A_117 = vector.shape_cast %swap3A_116 : vector<16xf32> to vector<16xf32>
    %swap3A_118 = vector.shape_cast %broadcast_in_dim3A_114 : vector<16xf32> to vector<16xf32>
    tpu.vector_store %arg5[%swap3A_115], %swap3A_118 {strides = array<i32>} : memref<512xf32, #tpu.memory_space<vmem>>, vector<16xf32>,
    %broadcast_in_dim3A_119 = arith.constant 1.000000e+00 : f32
    %broadcast_in_dim3A_120 = vector.broadcast %broadcast_in_dim3A_119 : f32 to vector<16xf32>
    %swap3A_121 = arith.constant 304 : index
    %swap3A_122 = tpu.vector_load %arg5[%swap3A_121] {strides = array<i32>} : memref<512xf32, #tpu.memory_space<vmem>>, vector<16xf32>,
    %swap3A_123 = vector.shape_cast %swap3A_122 : vector<16xf32> to vector<16xf32>
    %swap3A_124 = vector.shape_cast %broadcast_in_dim3A_120 : vector<16xf32> to vector<16xf32>
    tpu.vector_store %arg5[%swap3A_121], %swap3A_124 {strides = array<i32>} : memref<512xf32, #tpu.memory_space<vmem>>, vector<16xf32>,
    %broadcast_in_dim3A_125 = arith.constant 1.000000e+00 : f32
    %broadcast_in_dim3A_126 = vector.broadcast %broadcast_in_dim3A_125 : f32 to vector<16xf32>
    %swap3A_127 = arith.constant 320 : index
    %swap3A_128 = tpu.vector_load %arg5[%swap3A_127] {strides = array<i32>} : memref<512xf32, #tpu.memory_space<vmem>>, vector<16xf32>,
    %swap3A_129 = vector.shape_cast %swap3A_128 : vector<16xf32> to vector<16xf32>
    %swap3A_130 = vector.shape_cast %broadcast_in_dim3A_126 : vector<16xf32> to vector<16xf32>
    tpu.vector_store %arg5[%swap3A_127], %swap3A_130 {strides = array<i32>} : memref<512xf32, #tpu.memory_space<vmem>>, vector<16xf32>,
    %broadcast_in_dim3A_131 = arith.constant 1.000000e+00 : f32
    %broadcast_in_dim3A_132 = vector.broadcast %broadcast_in_dim3A_131 : f32 to vector<16xf32>
    %swap3A_133 = arith.constant 336 : index
    %swap3A_134 = tpu.vector_load %arg5[%swap3A_133] {strides = array<i32>} : memref<512xf32, #tpu.memory_space<vmem>>, vector<16xf32>,
    %swap3A_135 = vector.shape_cast %swap3A_134 : vector<16xf32> to vector<16xf32>
    %swap3A_136 = vector.shape_cast %broadcast_in_dim3A_132 : vector<16xf32> to vector<16xf32>
    tpu.vector_store %arg5[%swap3A_133], %swap3A_136 {strides = array<i32>} : memref<512xf32, #tpu.memory_space<vmem>>, vector<16xf32>,
    %broadcast_in_dim3A_137 = arith.constant 1.000000e+00 : f32
    %broadcast_in_dim3A_138 = vector.broadcast %broadcast_in_dim3A_137 : f32 to vector<16xf32>
    %swap3A_139 = arith.constant 352 : index
    %swap3A_140 = tpu.vector_load %arg5[%swap3A_139] {strides = array<i32>} : memref<512xf32, #tpu.memory_space<vmem>>, vector<16xf32>,
    %swap3A_141 = vector.shape_cast %swap3A_140 : vector<16xf32> to vector<16xf32>
    %swap3A_142 = vector.shape_cast %broadcast_in_dim3A_138 : vector<16xf32> to vector<16xf32>
    tpu.vector_store %arg5[%swap3A_139], %swap3A_142 {strides = array<i32>} : memref<512xf32, #tpu.memory_space<vmem>>, vector<16xf32>,
    %broadcast_in_dim3A_143 = arith.constant 1.000000e+00 : f32
    %broadcast_in_dim3A_144 = vector.broadcast %broadcast_in_dim3A_143 : f32 to vector<16xf32>
    %swap3A_145 = arith.constant 368 : index
    %swap3A_146 = tpu.vector_load %arg5[%swap3A_145] {strides = array<i32>} : memref<512xf32, #tpu.memory_space<vmem>>, vector<16xf32>,
    %swap3A_147 = vector.shape_cast %swap3A_146 : vector<16xf32> to vector<16xf32>
    %swap3A_148 = vector.shape_cast %broadcast_in_dim3A_144 : vector<16xf32> to vector<16xf32>
    tpu.vector_store %arg5[%swap3A_145], %swap3A_148 {strides = array<i32>} : memref<512xf32, #tpu.memory_space<vmem>>, vector<16xf32>,
    %broadcast_in_dim3A_149 = arith.constant 1.000000e+00 : f32
    %broadcast_in_dim3A_150 = vector.broadcast %broadcast_in_dim3A_149 : f32 to vector<16xf32>
    %swap3A_151 = arith.constant 384 : index
    %swap3A_152 = tpu.vector_load %arg5[%swap3A_151] {strides = array<i32>} : memref<512xf32, #tpu.memory_space<vmem>>, vector<16xf32>,
    %swap3A_153 = vector.shape_cast %swap3A_152 : vector<16xf32> to vector<16xf32>
    %swap3A_154 = vector.shape_cast %broadcast_in_dim3A_150 : vector<16xf32> to vector<16xf32>
    tpu.vector_store %arg5[%swap3A_151], %swap3A_154 {strides = array<i32>} : memref<512xf32, #tpu.memory_space<vmem>>, vector<16xf32>,
    %broadcast_in_dim3A_155 = arith.constant 1.000000e+00 : f32
    %broadcast_in_dim3A_156 = vector.broadcast %broadcast_in_dim3A_155 : f32 to vector<16xf32>
    %swap3A_157 = arith.constant 400 : index
    %swap3A_158 = tpu.vector_load %arg5[%swap3A_157] {strides = array<i32>} : memref<512xf32, #tpu.memory_space<vmem>>, vector<16xf32>,
    %swap3A_159 = vector.shape_cast %swap3A_158 : vector<16xf32> to vector<16xf32>
    %swap3A_160 = vector.shape_cast %broadcast_in_dim3A_156 : vector<16xf32> to vector<16xf32>
    tpu.vector_store %arg5[%swap3A_157], %swap3A_160 {strides = array<i32>} : memref<512xf32, #tpu.memory_space<vmem>>, vector<16xf32>,
    %broadcast_in_dim3A_161 = arith.constant 1.000000e+00 : f32
    %broadcast_in_dim3A_162 = vector.broadcast %broadcast_in_dim3A_161 : f32 to vector<16xf32>
    %swap3A_163 = arith.constant 416 : index
    %swap3A_164 = tpu.vector_load %arg5[%swap3A_163] {strides = array<i32>} : memref<512xf32, #tpu.memory_space<vmem>>, vector<16xf32>,
    %swap3A_165 = vector.shape_cast %swap3A_164 : vector<16xf32> to vector<16xf32>
    %swap3A_166 = vector.shape_cast %broadcast_in_dim3A_162 : vector<16xf32> to vector<16xf32>
    tpu.vector_store %arg5[%swap3A_163], %swap3A_166 {strides = array<i32>} : memref<512xf32, #tpu.memory_space<vmem>>, vector<16xf32>,
    %broadcast_in_dim3A_167 = arith.constant 1.000000e+00 : f32
    %broadcast_in_dim3A_168 = vector.broadcast %broadcast_in_dim3A_167 : f32 to vector<16xf32>
    %swap3A_169 = arith.constant 432 : index
    %swap3A_170 = tpu.vector_load %arg5[%swap3A_169] {strides = array<i32>} : memref<512xf32, #tpu.memory_space<vmem>>, vector<16xf32>,
    %swap3A_171 = vector.shape_cast %swap3A_170 : vector<16xf32> to vector<16xf32>
    %swap3A_172 = vector.shape_cast %broadcast_in_dim3A_168 : vector<16xf32> to vector<16xf32>
    tpu.vector_store %arg5[%swap3A_169], %swap3A_172 {strides = array<i32>} : memref<512xf32, #tpu.memory_space<vmem>>, vector<16xf32>,
    %broadcast_in_dim3A_173 = arith.constant 1.000000e+00 : f32
    %broadcast_in_dim3A_174 = vector.broadcast %broadcast_in_dim3A_173 : f32 to vector<16xf32>
    %swap3A_175 = arith.constant 448 : index
    %swap3A_176 = tpu.vector_load %arg5[%swap3A_175] {strides = array<i32>} : memref<512xf32, #tpu.memory_space<vmem>>, vector<16xf32>,
    %swap3A_177 = vector.shape_cast %swap3A_176 : vector<16xf32> to vector<16xf32>
    %swap3A_178 = vector.shape_cast %broadcast_in_dim3A_174 : vector<16xf32> to vector<16xf32>
    tpu.vector_store %arg5[%swap3A_175], %swap3A_178 {strides = array<i32>} : memref<512xf32, #tpu.memory_space<vmem>>, vector<16xf32>,
    %broadcast_in_dim3A_179 = arith.constant 1.000000e+00 : f32
    %broadcast_in_dim3A_180 = vector.broadcast %broadcast_in_dim3A_179 : f32 to vector<16xf32>
    %swap3A_181 = arith.constant 464 : index
    %swap3A_182 = tpu.vector_load %arg5[%swap3A_181] {strides = array<i32>} : memref<512xf32, #tpu.memory_space<vmem>>, vector<16xf32>,
    %swap3A_183 = vector.shape_cast %swap3A_182 : vector<16xf32> to vector<16xf32>
    %swap3A_184 = vector.shape_cast %broadcast_in_dim3A_180 : vector<16xf32> to vector<16xf32>
    tpu.vector_store %arg5[%swap3A_181], %swap3A_184 {strides = array<i32>} : memref<512xf32, #tpu.memory_space<vmem>>, vector<16xf32>,
    %broadcast_in_dim3A_185 = arith.constant 1.000000e+00 : f32
    %broadcast_in_dim3A_186 = vector.broadcast %broadcast_in_dim3A_185 : f32 to vector<16xf32>
    %swap3A_187 = arith.constant 480 : index
    %swap3A_188 = tpu.vector_load %arg5[%swap3A_187] {strides = array<i32>} : memref<512xf32, #tpu.memory_space<vmem>>, vector<16xf32>,
    %swap3A_189 = vector.shape_cast %swap3A_188 : vector<16xf32> to vector<16xf32>
    %swap3A_190 = vector.shape_cast %broadcast_in_dim3A_186 : vector<16xf32> to vector<16xf32>
    tpu.vector_store %arg5[%swap3A_187], %swap3A_190 {strides = array<i32>} : memref<512xf32, #tpu.memory_space<vmem>>, vector<16xf32>,
    %broadcast_in_dim3A_191 = arith.constant 1.000000e+00 : f32
    %broadcast_in_dim3A_192 = vector.broadcast %broadcast_in_dim3A_191 : f32 to vector<16xf32>
    %swap3A_193 = arith.constant 496 : index
    %swap3A_194 = tpu.vector_load %arg5[%swap3A_193] {strides = array<i32>} : memref<512xf32, #tpu.memory_space<vmem>>, vector<16xf32>,
    %swap3A_195 = vector.shape_cast %swap3A_194 : vector<16xf32> to vector<16xf32>
    %swap3A_196 = vector.shape_cast %broadcast_in_dim3A_192 : vector<16xf32> to vector<16xf32>
    tpu.vector_store %arg5[%swap3A_193], %swap3A_196 {strides = array<i32>} : memref<512xf32, #tpu.memory_space<vmem>>, vector<16xf32>,
    %broadcast_in_dim3A_197 = arith.constant 0.000000e+00 : f32
    %broadcast_in_dim3A_198 = vector.broadcast %broadcast_in_dim3A_197 : f32 to vector<16xf32>
    %swap3A_199 = arith.constant 0 : index
    %swap3A_200 = tpu.vector_load %arg6[%swap3A_199] {strides = array<i32>} : memref<640xf32, #tpu.memory_space<vmem>>, vector<16xf32>,
    %swap3A_201 = vector.shape_cast %swap3A_200 : vector<16xf32> to vector<16xf32>
    %swap3A_202 = vector.shape_cast %broadcast_in_dim3A_198 : vector<16xf32> to vector<16xf32>
    tpu.vector_store %arg6[%swap3A_199], %swap3A_202 {strides = array<i32>} : memref<640xf32, #tpu.memory_space<vmem>>, vector<16xf32>,
    %broadcast_in_dim3A_203 = arith.constant 0.000000e+00 : f32
    %broadcast_in_dim3A_204 = vector.broadcast %broadcast_in_dim3A_203 : f32 to vector<16xf32>
    %swap3A_205 = arith.constant 16 : index
    %swap3A_206 = tpu.vector_load %arg6[%swap3A_205] {strides = array<i32>} : memref<640xf32, #tpu.memory_space<vmem>>, vector<16xf32>,
    %swap3A_207 = vector.shape_cast %swap3A_206 : vector<16xf32> to vector<16xf32>
    %swap3A_208 = vector.shape_cast %broadcast_in_dim3A_204 : vector<16xf32> to vector<16xf32>
    tpu.vector_store %arg6[%swap3A_205], %swap3A_208 {strides = array<i32>} : memref<640xf32, #tpu.memory_space<vmem>>, vector<16xf32>,
    %broadcast_in_dim3A_209 = arith.constant 0.000000e+00 : f32
    %broadcast_in_dim3A_210 = vector.broadcast %broadcast_in_dim3A_209 : f32 to vector<16xf32>
    %swap3A_211 = arith.constant 32 : index
    %swap3A_212 = tpu.vector_load %arg6[%swap3A_211] {strides = array<i32>} : memref<640xf32, #tpu.memory_space<vmem>>, vector<16xf32>,
    %swap3A_213 = vector.shape_cast %swap3A_212 : vector<16xf32> to vector<16xf32>
    %swap3A_214 = vector.shape_cast %broadcast_in_dim3A_210 : vector<16xf32> to vector<16xf32>
    tpu.vector_store %arg6[%swap3A_211], %swap3A_214 {strides = array<i32>} : memref<640xf32, #tpu.memory_space<vmem>>, vector<16xf32>,
    %broadcast_in_dim3A_215 = arith.constant 0.000000e+00 : f32
    %broadcast_in_dim3A_216 = vector.broadcast %broadcast_in_dim3A_215 : f32 to vector<16xf32>
    %swap3A_217 = arith.constant 48 : index
    %swap3A_218 = tpu.vector_load %arg6[%swap3A_217] {strides = array<i32>} : memref<640xf32, #tpu.memory_space<vmem>>, vector<16xf32>,
    %swap3A_219 = vector.shape_cast %swap3A_218 : vector<16xf32> to vector<16xf32>
    %swap3A_220 = vector.shape_cast %broadcast_in_dim3A_216 : vector<16xf32> to vector<16xf32>
    tpu.vector_store %arg6[%swap3A_217], %swap3A_220 {strides = array<i32>} : memref<640xf32, #tpu.memory_space<vmem>>, vector<16xf32>,
    %broadcast_in_dim3A_221 = arith.constant 0.000000e+00 : f32
    %broadcast_in_dim3A_222 = vector.broadcast %broadcast_in_dim3A_221 : f32 to vector<16xf32>
    %swap3A_223 = arith.constant 64 : index
    %swap3A_224 = tpu.vector_load %arg6[%swap3A_223] {strides = array<i32>} : memref<640xf32, #tpu.memory_space<vmem>>, vector<16xf32>,
    %swap3A_225 = vector.shape_cast %swap3A_224 : vector<16xf32> to vector<16xf32>
    %swap3A_226 = vector.shape_cast %broadcast_in_dim3A_222 : vector<16xf32> to vector<16xf32>
    tpu.vector_store %arg6[%swap3A_223], %swap3A_226 {strides = array<i32>} : memref<640xf32, #tpu.memory_space<vmem>>, vector<16xf32>,
    %broadcast_in_dim3A_227 = arith.constant 0.000000e+00 : f32
    %broadcast_in_dim3A_228 = vector.broadcast %broadcast_in_dim3A_227 : f32 to vector<16xf32>
    %swap3A_229 = arith.constant 80 : index
    %swap3A_230 = tpu.vector_load %arg6[%swap3A_229] {strides = array<i32>} : memref<640xf32, #tpu.memory_space<vmem>>, vector<16xf32>,
    %swap3A_231 = vector.shape_cast %swap3A_230 : vector<16xf32> to vector<16xf32>
    %swap3A_232 = vector.shape_cast %broadcast_in_dim3A_228 : vector<16xf32> to vector<16xf32>
    tpu.vector_store %arg6[%swap3A_229], %swap3A_232 {strides = array<i32>} : memref<640xf32, #tpu.memory_space<vmem>>, vector<16xf32>,
    %broadcast_in_dim3A_233 = arith.constant 0.000000e+00 : f32
    %broadcast_in_dim3A_234 = vector.broadcast %broadcast_in_dim3A_233 : f32 to vector<16xf32>
    %swap3A_235 = arith.constant 96 : index
    %swap3A_236 = tpu.vector_load %arg6[%swap3A_235] {strides = array<i32>} : memref<640xf32, #tpu.memory_space<vmem>>, vector<16xf32>,
    %swap3A_237 = vector.shape_cast %swap3A_236 : vector<16xf32> to vector<16xf32>
    %swap3A_238 = vector.shape_cast %broadcast_in_dim3A_234 : vector<16xf32> to vector<16xf32>
    tpu.vector_store %arg6[%swap3A_235], %swap3A_238 {strides = array<i32>} : memref<640xf32, #tpu.memory_space<vmem>>, vector<16xf32>,
    %broadcast_in_dim3A_239 = arith.constant 0.000000e+00 : f32
    %broadcast_in_dim3A_240 = vector.broadcast %broadcast_in_dim3A_239 : f32 to vector<16xf32>
    %swap3A_241 = arith.constant 112 : index
    %swap3A_242 = tpu.vector_load %arg6[%swap3A_241] {strides = array<i32>} : memref<640xf32, #tpu.memory_space<vmem>>, vector<16xf32>,
    %swap3A_243 = vector.shape_cast %swap3A_242 : vector<16xf32> to vector<16xf32>
    %swap3A_244 = vector.shape_cast %broadcast_in_dim3A_240 : vector<16xf32> to vector<16xf32>
    tpu.vector_store %arg6[%swap3A_241], %swap3A_244 {strides = array<i32>} : memref<640xf32, #tpu.memory_space<vmem>>, vector<16xf32>,
    %broadcast_in_dim3A_245 = arith.constant 0.000000e+00 : f32
    %broadcast_in_dim3A_246 = vector.broadcast %broadcast_in_dim3A_245 : f32 to vector<16xf32>
    %swap3A_247 = arith.constant 128 : index
    %swap3A_248 = tpu.vector_load %arg6[%swap3A_247] {strides = array<i32>} : memref<640xf32, #tpu.memory_space<vmem>>, vector<16xf32>,
    %swap3A_249 = vector.shape_cast %swap3A_248 : vector<16xf32> to vector<16xf32>
    %swap3A_250 = vector.shape_cast %broadcast_in_dim3A_246 : vector<16xf32> to vector<16xf32>
    tpu.vector_store %arg6[%swap3A_247], %swap3A_250 {strides = array<i32>} : memref<640xf32, #tpu.memory_space<vmem>>, vector<16xf32>,
    %broadcast_in_dim3A_251 = arith.constant 0.000000e+00 : f32
    %broadcast_in_dim3A_252 = vector.broadcast %broadcast_in_dim3A_251 : f32 to vector<16xf32>
    %swap3A_253 = arith.constant 144 : index
    %swap3A_254 = tpu.vector_load %arg6[%swap3A_253] {strides = array<i32>} : memref<640xf32, #tpu.memory_space<vmem>>, vector<16xf32>,
    %swap3A_255 = vector.shape_cast %swap3A_254 : vector<16xf32> to vector<16xf32>
    %swap3A_256 = vector.shape_cast %broadcast_in_dim3A_252 : vector<16xf32> to vector<16xf32>
    tpu.vector_store %arg6[%swap3A_253], %swap3A_256 {strides = array<i32>} : memref<640xf32, #tpu.memory_space<vmem>>, vector<16xf32>,
    %broadcast_in_dim3A_257 = arith.constant 0.000000e+00 : f32
    %broadcast_in_dim3A_258 = vector.broadcast %broadcast_in_dim3A_257 : f32 to vector<16xf32>
    %swap3A_259 = arith.constant 160 : index
    %swap3A_260 = tpu.vector_load %arg6[%swap3A_259] {strides = array<i32>} : memref<640xf32, #tpu.memory_space<vmem>>, vector<16xf32>,
    %swap3A_261 = vector.shape_cast %swap3A_260 : vector<16xf32> to vector<16xf32>
    %swap3A_262 = vector.shape_cast %broadcast_in_dim3A_258 : vector<16xf32> to vector<16xf32>
    tpu.vector_store %arg6[%swap3A_259], %swap3A_262 {strides = array<i32>} : memref<640xf32, #tpu.memory_space<vmem>>, vector<16xf32>,
    %broadcast_in_dim3A_263 = arith.constant 0.000000e+00 : f32
    %broadcast_in_dim3A_264 = vector.broadcast %broadcast_in_dim3A_263 : f32 to vector<16xf32>
    %swap3A_265 = arith.constant 176 : index
    %swap3A_266 = tpu.vector_load %arg6[%swap3A_265] {strides = array<i32>} : memref<640xf32, #tpu.memory_space<vmem>>, vector<16xf32>,
    %swap3A_267 = vector.shape_cast %swap3A_266 : vector<16xf32> to vector<16xf32>
    %swap3A_268 = vector.shape_cast %broadcast_in_dim3A_264 : vector<16xf32> to vector<16xf32>
    tpu.vector_store %arg6[%swap3A_265], %swap3A_268 {strides = array<i32>} : memref<640xf32, #tpu.memory_space<vmem>>, vector<16xf32>,
    %broadcast_in_dim3A_269 = arith.constant 0.000000e+00 : f32
    %broadcast_in_dim3A_270 = vector.broadcast %broadcast_in_dim3A_269 : f32 to vector<16xf32>
    %swap3A_271 = arith.constant 192 : index
    %swap3A_272 = tpu.vector_load %arg6[%swap3A_271] {strides = array<i32>} : memref<640xf32, #tpu.memory_space<vmem>>, vector<16xf32>,
    %swap3A_273 = vector.shape_cast %swap3A_272 : vector<16xf32> to vector<16xf32>
    %swap3A_274 = vector.shape_cast %broadcast_in_dim3A_270 : vector<16xf32> to vector<16xf32>
    tpu.vector_store %arg6[%swap3A_271], %swap3A_274 {strides = array<i32>} : memref<640xf32, #tpu.memory_space<vmem>>, vector<16xf32>,
    %broadcast_in_dim3A_275 = arith.constant 0.000000e+00 : f32
    %broadcast_in_dim3A_276 = vector.broadcast %broadcast_in_dim3A_275 : f32 to vector<16xf32>
    %swap3A_277 = arith.constant 208 : index
    %swap3A_278 = tpu.vector_load %arg6[%swap3A_277] {strides = array<i32>} : memref<640xf32, #tpu.memory_space<vmem>>, vector<16xf32>,
    %swap3A_279 = vector.shape_cast %swap3A_278 : vector<16xf32> to vector<16xf32>
    %swap3A_280 = vector.shape_cast %broadcast_in_dim3A_276 : vector<16xf32> to vector<16xf32>
    tpu.vector_store %arg6[%swap3A_277], %swap3A_280 {strides = array<i32>} : memref<640xf32, #tpu.memory_space<vmem>>, vector<16xf32>,
    %broadcast_in_dim3A_281 = arith.constant 0.000000e+00 : f32
    %broadcast_in_dim3A_282 = vector.broadcast %broadcast_in_dim3A_281 : f32 to vector<16xf32>
    %swap3A_283 = arith.constant 224 : index
    %swap3A_284 = tpu.vector_load %arg6[%swap3A_283] {strides = array<i32>} : memref<640xf32, #tpu.memory_space<vmem>>, vector<16xf32>,
    %swap3A_285 = vector.shape_cast %swap3A_284 : vector<16xf32> to vector<16xf32>
    %swap3A_286 = vector.shape_cast %broadcast_in_dim3A_282 : vector<16xf32> to vector<16xf32>
    tpu.vector_store %arg6[%swap3A_283], %swap3A_286 {strides = array<i32>} : memref<640xf32, #tpu.memory_space<vmem>>, vector<16xf32>,
    %broadcast_in_dim3A_287 = arith.constant 0.000000e+00 : f32
    %broadcast_in_dim3A_288 = vector.broadcast %broadcast_in_dim3A_287 : f32 to vector<16xf32>
    %swap3A_289 = arith.constant 240 : index
    %swap3A_290 = tpu.vector_load %arg6[%swap3A_289] {strides = array<i32>} : memref<640xf32, #tpu.memory_space<vmem>>, vector<16xf32>,
    %swap3A_291 = vector.shape_cast %swap3A_290 : vector<16xf32> to vector<16xf32>
    %swap3A_292 = vector.shape_cast %broadcast_in_dim3A_288 : vector<16xf32> to vector<16xf32>
    tpu.vector_store %arg6[%swap3A_289], %swap3A_292 {strides = array<i32>} : memref<640xf32, #tpu.memory_space<vmem>>, vector<16xf32>,
    %broadcast_in_dim3A_293 = arith.constant 0.000000e+00 : f32
    %broadcast_in_dim3A_294 = vector.broadcast %broadcast_in_dim3A_293 : f32 to vector<16xf32>
    %swap3A_295 = arith.constant 256 : index
    %swap3A_296 = tpu.vector_load %arg6[%swap3A_295] {strides = array<i32>} : memref<640xf32, #tpu.memory_space<vmem>>, vector<16xf32>,
    %swap3A_297 = vector.shape_cast %swap3A_296 : vector<16xf32> to vector<16xf32>
    %swap3A_298 = vector.shape_cast %broadcast_in_dim3A_294 : vector<16xf32> to vector<16xf32>
    tpu.vector_store %arg6[%swap3A_295], %swap3A_298 {strides = array<i32>} : memref<640xf32, #tpu.memory_space<vmem>>, vector<16xf32>,
    %broadcast_in_dim3A_299 = arith.constant 0.000000e+00 : f32
    %broadcast_in_dim3A_300 = vector.broadcast %broadcast_in_dim3A_299 : f32 to vector<16xf32>
    %swap3A_301 = arith.constant 272 : index
    %swap3A_302 = tpu.vector_load %arg6[%swap3A_301] {strides = array<i32>} : memref<640xf32, #tpu.memory_space<vmem>>, vector<16xf32>,
    %swap3A_303 = vector.shape_cast %swap3A_302 : vector<16xf32> to vector<16xf32>
    %swap3A_304 = vector.shape_cast %broadcast_in_dim3A_300 : vector<16xf32> to vector<16xf32>
    tpu.vector_store %arg6[%swap3A_301], %swap3A_304 {strides = array<i32>} : memref<640xf32, #tpu.memory_space<vmem>>, vector<16xf32>,
    %broadcast_in_dim3A_305 = arith.constant 0.000000e+00 : f32
    %broadcast_in_dim3A_306 = vector.broadcast %broadcast_in_dim3A_305 : f32 to vector<16xf32>
    %swap3A_307 = arith.constant 288 : index
    %swap3A_308 = tpu.vector_load %arg6[%swap3A_307] {strides = array<i32>} : memref<640xf32, #tpu.memory_space<vmem>>, vector<16xf32>,
    %swap3A_309 = vector.shape_cast %swap3A_308 : vector<16xf32> to vector<16xf32>
    %swap3A_310 = vector.shape_cast %broadcast_in_dim3A_306 : vector<16xf32> to vector<16xf32>
    tpu.vector_store %arg6[%swap3A_307], %swap3A_310 {strides = array<i32>} : memref<640xf32, #tpu.memory_space<vmem>>, vector<16xf32>,
    %broadcast_in_dim3A_311 = arith.constant 0.000000e+00 : f32
    %broadcast_in_dim3A_312 = vector.broadcast %broadcast_in_dim3A_311 : f32 to vector<16xf32>
    %swap3A_313 = arith.constant 304 : index
    %swap3A_314 = tpu.vector_load %arg6[%swap3A_313] {strides = array<i32>} : memref<640xf32, #tpu.memory_space<vmem>>, vector<16xf32>,
    %swap3A_315 = vector.shape_cast %swap3A_314 : vector<16xf32> to vector<16xf32>
    %swap3A_316 = vector.shape_cast %broadcast_in_dim3A_312 : vector<16xf32> to vector<16xf32>
    tpu.vector_store %arg6[%swap3A_313], %swap3A_316 {strides = array<i32>} : memref<640xf32, #tpu.memory_space<vmem>>, vector<16xf32>,
    %broadcast_in_dim3A_317 = arith.constant 0.000000e+00 : f32
    %broadcast_in_dim3A_318 = vector.broadcast %broadcast_in_dim3A_317 : f32 to vector<16xf32>
    %swap3A_319 = arith.constant 320 : index
    %swap3A_320 = tpu.vector_load %arg6[%swap3A_319] {strides = array<i32>} : memref<640xf32, #tpu.memory_space<vmem>>, vector<16xf32>,
    %swap3A_321 = vector.shape_cast %swap3A_320 : vector<16xf32> to vector<16xf32>
    %swap3A_322 = vector.shape_cast %broadcast_in_dim3A_318 : vector<16xf32> to vector<16xf32>
    tpu.vector_store %arg6[%swap3A_319], %swap3A_322 {strides = array<i32>} : memref<640xf32, #tpu.memory_space<vmem>>, vector<16xf32>,
    %broadcast_in_dim3A_323 = arith.constant 0.000000e+00 : f32
    %broadcast_in_dim3A_324 = vector.broadcast %broadcast_in_dim3A_323 : f32 to vector<16xf32>
    %swap3A_325 = arith.constant 336 : index
    %swap3A_326 = tpu.vector_load %arg6[%swap3A_325] {strides = array<i32>} : memref<640xf32, #tpu.memory_space<vmem>>, vector<16xf32>,
    %swap3A_327 = vector.shape_cast %swap3A_326 : vector<16xf32> to vector<16xf32>
    %swap3A_328 = vector.shape_cast %broadcast_in_dim3A_324 : vector<16xf32> to vector<16xf32>
    tpu.vector_store %arg6[%swap3A_325], %swap3A_328 {strides = array<i32>} : memref<640xf32, #tpu.memory_space<vmem>>, vector<16xf32>,
    %broadcast_in_dim3A_329 = arith.constant 0.000000e+00 : f32
    %broadcast_in_dim3A_330 = vector.broadcast %broadcast_in_dim3A_329 : f32 to vector<16xf32>
    %swap3A_331 = arith.constant 352 : index
    %swap3A_332 = tpu.vector_load %arg6[%swap3A_331] {strides = array<i32>} : memref<640xf32, #tpu.memory_space<vmem>>, vector<16xf32>,
    %swap3A_333 = vector.shape_cast %swap3A_332 : vector<16xf32> to vector<16xf32>
    %swap3A_334 = vector.shape_cast %broadcast_in_dim3A_330 : vector<16xf32> to vector<16xf32>
    tpu.vector_store %arg6[%swap3A_331], %swap3A_334 {strides = array<i32>} : memref<640xf32, #tpu.memory_space<vmem>>, vector<16xf32>,
    %broadcast_in_dim3A_335 = arith.constant 0.000000e+00 : f32
    %broadcast_in_dim3A_336 = vector.broadcast %broadcast_in_dim3A_335 : f32 to vector<16xf32>
    %swap3A_337 = arith.constant 368 : index
    %swap3A_338 = tpu.vector_load %arg6[%swap3A_337] {strides = array<i32>} : memref<640xf32, #tpu.memory_space<vmem>>, vector<16xf32>,
    %swap3A_339 = vector.shape_cast %swap3A_338 : vector<16xf32> to vector<16xf32>
    %swap3A_340 = vector.shape_cast %broadcast_in_dim3A_336 : vector<16xf32> to vector<16xf32>
    tpu.vector_store %arg6[%swap3A_337], %swap3A_340 {strides = array<i32>} : memref<640xf32, #tpu.memory_space<vmem>>, vector<16xf32>,
    %broadcast_in_dim3A_341 = arith.constant 0.000000e+00 : f32
    %broadcast_in_dim3A_342 = vector.broadcast %broadcast_in_dim3A_341 : f32 to vector<16xf32>
    %swap3A_343 = arith.constant 384 : index
    %swap3A_344 = tpu.vector_load %arg6[%swap3A_343] {strides = array<i32>} : memref<640xf32, #tpu.memory_space<vmem>>, vector<16xf32>,
    %swap3A_345 = vector.shape_cast %swap3A_344 : vector<16xf32> to vector<16xf32>
    %swap3A_346 = vector.shape_cast %broadcast_in_dim3A_342 : vector<16xf32> to vector<16xf32>
    tpu.vector_store %arg6[%swap3A_343], %swap3A_346 {strides = array<i32>} : memref<640xf32, #tpu.memory_space<vmem>>, vector<16xf32>,
    %broadcast_in_dim3A_347 = arith.constant 0.000000e+00 : f32
    %broadcast_in_dim3A_348 = vector.broadcast %broadcast_in_dim3A_347 : f32 to vector<16xf32>
    %swap3A_349 = arith.constant 400 : index
    %swap3A_350 = tpu.vector_load %arg6[%swap3A_349] {strides = array<i32>} : memref<640xf32, #tpu.memory_space<vmem>>, vector<16xf32>,
    %swap3A_351 = vector.shape_cast %swap3A_350 : vector<16xf32> to vector<16xf32>
    %swap3A_352 = vector.shape_cast %broadcast_in_dim3A_348 : vector<16xf32> to vector<16xf32>
    tpu.vector_store %arg6[%swap3A_349], %swap3A_352 {strides = array<i32>} : memref<640xf32, #tpu.memory_space<vmem>>, vector<16xf32>,
    %broadcast_in_dim3A_353 = arith.constant 0.000000e+00 : f32
    %broadcast_in_dim3A_354 = vector.broadcast %broadcast_in_dim3A_353 : f32 to vector<16xf32>
    %swap3A_355 = arith.constant 416 : index
    %swap3A_356 = tpu.vector_load %arg6[%swap3A_355] {strides = array<i32>} : memref<640xf32, #tpu.memory_space<vmem>>, vector<16xf32>,
    %swap3A_357 = vector.shape_cast %swap3A_356 : vector<16xf32> to vector<16xf32>
    %swap3A_358 = vector.shape_cast %broadcast_in_dim3A_354 : vector<16xf32> to vector<16xf32>
    tpu.vector_store %arg6[%swap3A_355], %swap3A_358 {strides = array<i32>} : memref<640xf32, #tpu.memory_space<vmem>>, vector<16xf32>,
    %broadcast_in_dim3A_359 = arith.constant 0.000000e+00 : f32
    %broadcast_in_dim3A_360 = vector.broadcast %broadcast_in_dim3A_359 : f32 to vector<16xf32>
    %swap3A_361 = arith.constant 432 : index
    %swap3A_362 = tpu.vector_load %arg6[%swap3A_361] {strides = array<i32>} : memref<640xf32, #tpu.memory_space<vmem>>, vector<16xf32>,
    %swap3A_363 = vector.shape_cast %swap3A_362 : vector<16xf32> to vector<16xf32>
    %swap3A_364 = vector.shape_cast %broadcast_in_dim3A_360 : vector<16xf32> to vector<16xf32>
    tpu.vector_store %arg6[%swap3A_361], %swap3A_364 {strides = array<i32>} : memref<640xf32, #tpu.memory_space<vmem>>, vector<16xf32>,
    %broadcast_in_dim3A_365 = arith.constant 0.000000e+00 : f32
    %broadcast_in_dim3A_366 = vector.broadcast %broadcast_in_dim3A_365 : f32 to vector<16xf32>
    %swap3A_367 = arith.constant 448 : index
    %swap3A_368 = tpu.vector_load %arg6[%swap3A_367] {strides = array<i32>} : memref<640xf32, #tpu.memory_space<vmem>>, vector<16xf32>,
    %swap3A_369 = vector.shape_cast %swap3A_368 : vector<16xf32> to vector<16xf32>
    %swap3A_370 = vector.shape_cast %broadcast_in_dim3A_366 : vector<16xf32> to vector<16xf32>
    tpu.vector_store %arg6[%swap3A_367], %swap3A_370 {strides = array<i32>} : memref<640xf32, #tpu.memory_space<vmem>>, vector<16xf32>,
    %broadcast_in_dim3A_371 = arith.constant 0.000000e+00 : f32
    %broadcast_in_dim3A_372 = vector.broadcast %broadcast_in_dim3A_371 : f32 to vector<16xf32>
    %swap3A_373 = arith.constant 464 : index
    %swap3A_374 = tpu.vector_load %arg6[%swap3A_373] {strides = array<i32>} : memref<640xf32, #tpu.memory_space<vmem>>, vector<16xf32>,
    %swap3A_375 = vector.shape_cast %swap3A_374 : vector<16xf32> to vector<16xf32>
    %swap3A_376 = vector.shape_cast %broadcast_in_dim3A_372 : vector<16xf32> to vector<16xf32>
    tpu.vector_store %arg6[%swap3A_373], %swap3A_376 {strides = array<i32>} : memref<640xf32, #tpu.memory_space<vmem>>, vector<16xf32>,
    %broadcast_in_dim3A_377 = arith.constant 0.000000e+00 : f32
    %broadcast_in_dim3A_378 = vector.broadcast %broadcast_in_dim3A_377 : f32 to vector<16xf32>
    %swap3A_379 = arith.constant 480 : index
    %swap3A_380 = tpu.vector_load %arg6[%swap3A_379] {strides = array<i32>} : memref<640xf32, #tpu.memory_space<vmem>>, vector<16xf32>,
    %swap3A_381 = vector.shape_cast %swap3A_380 : vector<16xf32> to vector<16xf32>
    %swap3A_382 = vector.shape_cast %broadcast_in_dim3A_378 : vector<16xf32> to vector<16xf32>
    tpu.vector_store %arg6[%swap3A_379], %swap3A_382 {strides = array<i32>} : memref<640xf32, #tpu.memory_space<vmem>>, vector<16xf32>,
    %broadcast_in_dim3A_383 = arith.constant 0.000000e+00 : f32
    %broadcast_in_dim3A_384 = vector.broadcast %broadcast_in_dim3A_383 : f32 to vector<16xf32>
    %swap3A_385 = arith.constant 496 : index
    %swap3A_386 = tpu.vector_load %arg6[%swap3A_385] {strides = array<i32>} : memref<640xf32, #tpu.memory_space<vmem>>, vector<16xf32>,
    %swap3A_387 = vector.shape_cast %swap3A_386 : vector<16xf32> to vector<16xf32>
    %swap3A_388 = vector.shape_cast %broadcast_in_dim3A_384 : vector<16xf32> to vector<16xf32>
    tpu.vector_store %arg6[%swap3A_385], %swap3A_388 {strides = array<i32>} : memref<640xf32, #tpu.memory_space<vmem>>, vector<16xf32>,
    %broadcast_in_dim3A_389 = arith.constant 0.000000e+00 : f32
    %broadcast_in_dim3A_390 = vector.broadcast %broadcast_in_dim3A_389 : f32 to vector<16xf32>
    %swap3A_391 = arith.constant 512 : index
    %swap3A_392 = tpu.vector_load %arg6[%swap3A_391] {strides = array<i32>} : memref<640xf32, #tpu.memory_space<vmem>>, vector<16xf32>,
    %swap3A_393 = vector.shape_cast %swap3A_392 : vector<16xf32> to vector<16xf32>
    %swap3A_394 = vector.shape_cast %broadcast_in_dim3A_390 : vector<16xf32> to vector<16xf32>
    tpu.vector_store %arg6[%swap3A_391], %swap3A_394 {strides = array<i32>} : memref<640xf32, #tpu.memory_space<vmem>>, vector<16xf32>,
    %broadcast_in_dim3A_395 = arith.constant 0.000000e+00 : f32
    %broadcast_in_dim3A_396 = vector.broadcast %broadcast_in_dim3A_395 : f32 to vector<16xf32>
    %swap3A_397 = arith.constant 528 : index
    %swap3A_398 = tpu.vector_load %arg6[%swap3A_397] {strides = array<i32>} : memref<640xf32, #tpu.memory_space<vmem>>, vector<16xf32>,
    %swap3A_399 = vector.shape_cast %swap3A_398 : vector<16xf32> to vector<16xf32>
    %swap3A_400 = vector.shape_cast %broadcast_in_dim3A_396 : vector<16xf32> to vector<16xf32>
    tpu.vector_store %arg6[%swap3A_397], %swap3A_400 {strides = array<i32>} : memref<640xf32, #tpu.memory_space<vmem>>, vector<16xf32>,
    %broadcast_in_dim3A_401 = arith.constant 0.000000e+00 : f32
    %broadcast_in_dim3A_402 = vector.broadcast %broadcast_in_dim3A_401 : f32 to vector<16xf32>
    %swap3A_403 = arith.constant 544 : index
    %swap3A_404 = tpu.vector_load %arg6[%swap3A_403] {strides = array<i32>} : memref<640xf32, #tpu.memory_space<vmem>>, vector<16xf32>,
    %swap3A_405 = vector.shape_cast %swap3A_404 : vector<16xf32> to vector<16xf32>
    %swap3A_406 = vector.shape_cast %broadcast_in_dim3A_402 : vector<16xf32> to vector<16xf32>
    tpu.vector_store %arg6[%swap3A_403], %swap3A_406 {strides = array<i32>} : memref<640xf32, #tpu.memory_space<vmem>>, vector<16xf32>,
    %broadcast_in_dim3A_407 = arith.constant 0.000000e+00 : f32
    %broadcast_in_dim3A_408 = vector.broadcast %broadcast_in_dim3A_407 : f32 to vector<16xf32>
    %swap3A_409 = arith.constant 560 : index
    %swap3A_410 = tpu.vector_load %arg6[%swap3A_409] {strides = array<i32>} : memref<640xf32, #tpu.memory_space<vmem>>, vector<16xf32>,
    %swap3A_411 = vector.shape_cast %swap3A_410 : vector<16xf32> to vector<16xf32>
    %swap3A_412 = vector.shape_cast %broadcast_in_dim3A_408 : vector<16xf32> to vector<16xf32>
    tpu.vector_store %arg6[%swap3A_409], %swap3A_412 {strides = array<i32>} : memref<640xf32, #tpu.memory_space<vmem>>, vector<16xf32>,
    %broadcast_in_dim3A_413 = arith.constant 0.000000e+00 : f32
    %broadcast_in_dim3A_414 = vector.broadcast %broadcast_in_dim3A_413 : f32 to vector<16xf32>
    %swap3A_415 = arith.constant 576 : index
    %swap3A_416 = tpu.vector_load %arg6[%swap3A_415] {strides = array<i32>} : memref<640xf32, #tpu.memory_space<vmem>>, vector<16xf32>,
    %swap3A_417 = vector.shape_cast %swap3A_416 : vector<16xf32> to vector<16xf32>
    %swap3A_418 = vector.shape_cast %broadcast_in_dim3A_414 : vector<16xf32> to vector<16xf32>
    tpu.vector_store %arg6[%swap3A_415], %swap3A_418 {strides = array<i32>} : memref<640xf32, #tpu.memory_space<vmem>>, vector<16xf32>,
    %broadcast_in_dim3A_419 = arith.constant 0.000000e+00 : f32
    %broadcast_in_dim3A_420 = vector.broadcast %broadcast_in_dim3A_419 : f32 to vector<16xf32>
    %swap3A_421 = arith.constant 592 : index
    %swap3A_422 = tpu.vector_load %arg6[%swap3A_421] {strides = array<i32>} : memref<640xf32, #tpu.memory_space<vmem>>, vector<16xf32>,
    %swap3A_423 = vector.shape_cast %swap3A_422 : vector<16xf32> to vector<16xf32>
    %swap3A_424 = vector.shape_cast %broadcast_in_dim3A_420 : vector<16xf32> to vector<16xf32>
    tpu.vector_store %arg6[%swap3A_421], %swap3A_424 {strides = array<i32>} : memref<640xf32, #tpu.memory_space<vmem>>, vector<16xf32>,
    %broadcast_in_dim3A_425 = arith.constant 0.000000e+00 : f32
    %broadcast_in_dim3A_426 = vector.broadcast %broadcast_in_dim3A_425 : f32 to vector<16xf32>
    %swap3A_427 = arith.constant 608 : index
    %swap3A_428 = tpu.vector_load %arg6[%swap3A_427] {strides = array<i32>} : memref<640xf32, #tpu.memory_space<vmem>>, vector<16xf32>,
    %swap3A_429 = vector.shape_cast %swap3A_428 : vector<16xf32> to vector<16xf32>
    %swap3A_430 = vector.shape_cast %broadcast_in_dim3A_426 : vector<16xf32> to vector<16xf32>
    tpu.vector_store %arg6[%swap3A_427], %swap3A_430 {strides = array<i32>} : memref<640xf32, #tpu.memory_space<vmem>>, vector<16xf32>,
    %broadcast_in_dim3A_431 = arith.constant 0.000000e+00 : f32
    %broadcast_in_dim3A_432 = vector.broadcast %broadcast_in_dim3A_431 : f32 to vector<16xf32>
    %swap3A_433 = arith.constant 624 : index
    %swap3A_434 = tpu.vector_load %arg6[%swap3A_433] {strides = array<i32>} : memref<640xf32, #tpu.memory_space<vmem>>, vector<16xf32>,
    %swap3A_435 = vector.shape_cast %swap3A_434 : vector<16xf32> to vector<16xf32>
    %swap3A_436 = vector.shape_cast %broadcast_in_dim3A_432 : vector<16xf32> to vector<16xf32>
    tpu.vector_store %arg6[%swap3A_433], %swap3A_436 {strides = array<i32>} : memref<640xf32, #tpu.memory_space<vmem>>, vector<16xf32>,
    %mul3A_437 = arith.constant 640 : i32
    %mul3A_438 = arith.muli %arg1, %mul3A_437 : i32
    "tpu.region"() ({
      %run_scoped3A = tpu.sem_alloc : memref<!tpu.dma_semaphore, #tpu.memory_space<semaphore_mem>>
      %dma_start3A_479 = tpu.memref_slice %arg7[%mul3A_438] : memref<10240xf32, #tpu.memory_space<vmem_shared>> -> memref<640xf32, #tpu.memory_space<vmem_shared>>
      %dma_start3A_480 = tpu.memref_slice %arg7[%mul3A_438] : memref<10240xf32, #tpu.memory_space<vmem_shared>> -> memref<640xf32, #tpu.memory_space<vmem_shared>>
      tpu.enqueue_dma source(%arg6 : memref<640xf32, #tpu.memory_space<vmem>>) target(%dma_start3A_480 : memref<640xf32, #tpu.memory_space<vmem_shared>>) target_semaphore(%run_scoped3A : memref<!tpu.dma_semaphore, #tpu.memory_space<semaphore_mem>>)
      %dma_wait3A_481 = tpu.memref_slice %arg7[%mul3A_438] : memref<10240xf32, #tpu.memory_space<vmem_shared>> -> memref<640xf32, #tpu.memory_space<vmem_shared>>
      %dma_wait3A_482 = tpu.memref_slice %arg7[%mul3A_438] : memref<10240xf32, #tpu.memory_space<vmem_shared>> -> memref<640xf32, #tpu.memory_space<vmem_shared>>
      tpu.wait_dma2 semaphore(%run_scoped3A : memref<!tpu.dma_semaphore, #tpu.memory_space<semaphore_mem>>) src(%arg6 : memref<640xf32, #tpu.memory_space<vmem>>) dst(%dma_wait3A_482 : memref<640xf32, #tpu.memory_space<vmem_shared>>)
      tpu.yield
    }) : () -> ()
    %mul3A_439 = arith.constant 128 : i32
    %mul3A_440 = arith.muli %mul3A_2, %mul3A_439 : i32
    %multiple_of3A = tpu.assume_multiple %mul3A_440, 128 : i32
    %dma_start3A = arith.constant 1 : i32
    %dma_start3A_441 = arith.constant 0 : i32
    %dma_start3A_442 = tpu.memref_slice %arg4[%dma_start3A_441] : memref<10112xi32, #tpu.memory_space<vmem>> -> memref<9984xi32, #tpu.memory_space<vmem>>
    %dma_start3A_443 = tpu.memref_slice %arg2[%dma_start3A, %multiple_of3A] : memref<2x320000xi32, #tpu.memory_space<hbm>> -> memref<1x9984xi32, #tpu.memory_space<hbm>>
    %dma_start3A_444 = tpu.memref_squeeze %dma_start3A_443 : memref<1x9984xi32, #tpu.memory_space<hbm>> -> memref<9984xi32, #tpu.memory_space<hbm>>
    %dma_start3A_445 = arith.constant 0 : i32
    %dma_start3A_446 = tpu.memref_slice %arg4[%dma_start3A_445] : memref<10112xi32, #tpu.memory_space<vmem>> -> memref<9984xi32, #tpu.memory_space<vmem>>
    %dma_start3A_447 = tpu.memref_slice %arg2[%dma_start3A, %multiple_of3A] : memref<2x320000xi32, #tpu.memory_space<hbm>> -> memref<1x9984xi32, #tpu.memory_space<hbm>>
    %dma_start3A_448 = tpu.memref_squeeze %dma_start3A_447 : memref<1x9984xi32, #tpu.memory_space<hbm>> -> memref<9984xi32, #tpu.memory_space<hbm>>
    tpu.enqueue_dma source(%dma_start3A_448 : memref<9984xi32, #tpu.memory_space<hbm>>) target(%dma_start3A_446 : memref<9984xi32, #tpu.memory_space<vmem>>) target_semaphore(%arg8 : memref<!tpu.dma_semaphore, #tpu.memory_space<semaphore_mem>>)
    %convert_element_type3A = arith.extui %lt3A_6 : i1 to i32
    %cond3A = arith.constant 0 : i32
    %cond3A_449 = arith.cmpi ne, %convert_element_type3A, %cond3A : i32
    scf.if %cond3A_449 {
      %mul3A_479 = arith.constant 2 : i32
      %mul3A_480 = arith.muli %arg1, %mul3A_479 : i32
      %add3A_481 = arith.constant 2496 : i32
      %add3A_482 = arith.addi %add3A_481, %mul3A_480 : i32
      %add3A_483 = arith.addi %add3A_482, %arg0 : i32
      %mul3A_484 = arith.constant 128 : i32
      %mul3A_485 = arith.muli %add3A_483, %mul3A_484 : i32
      %multiple_of3A_486 = tpu.assume_multiple %mul3A_485, 128 : i32
      %dma_start3A_487 = arith.constant 1 : i32
      %dma_start3A_488 = arith.constant 9984 : i32
      %dma_start3A_489 = tpu.memref_slice %arg4[%dma_start3A_488] : memref<10112xi32, #tpu.memory_space<vmem>> -> memref<128xi32, #tpu.memory_space<vmem>>
      %dma_start3A_490 = tpu.memref_slice %arg2[%dma_start3A_487, %multiple_of3A_486] : memref<2x320000xi32, #tpu.memory_space<hbm>> -> memref<1x128xi32, #tpu.memory_space<hbm>>
      %dma_start3A_491 = tpu.memref_squeeze %dma_start3A_490 : memref<1x128xi32, #tpu.memory_space<hbm>> -> memref<128xi32, #tpu.memory_space<hbm>>
      %dma_start3A_492 = arith.constant 9984 : i32
      %dma_start3A_493 = tpu.memref_slice %arg4[%dma_start3A_492] : memref<10112xi32, #tpu.memory_space<vmem>> -> memref<128xi32, #tpu.memory_space<vmem>>
      %dma_start3A_494 = tpu.memref_slice %arg2[%dma_start3A_487, %multiple_of3A_486] : memref<2x320000xi32, #tpu.memory_space<hbm>> -> memref<1x128xi32, #tpu.memory_space<hbm>>
      %dma_start3A_495 = tpu.memref_squeeze %dma_start3A_494 : memref<1x128xi32, #tpu.memory_space<hbm>> -> memref<128xi32, #tpu.memory_space<hbm>>
      tpu.enqueue_dma source(%dma_start3A_495 : memref<128xi32, #tpu.memory_space<hbm>>) target(%dma_start3A_493 : memref<128xi32, #tpu.memory_space<vmem>>) target_semaphore(%arg8 : memref<!tpu.dma_semaphore, #tpu.memory_space<semaphore_mem>>)
    } else {
    }
    %dma_wait3A = arith.constant 1 : i32
    %dma_wait3A_450 = arith.constant 0 : i32
    %dma_wait3A_451 = tpu.memref_slice %arg4[%dma_wait3A_450] : memref<10112xi32, #tpu.memory_space<vmem>> -> memref<9984xi32, #tpu.memory_space<vmem>>
    %dma_wait3A_452 = arith.constant 0 : i32
    %dma_wait3A_453 = tpu.memref_slice %arg2[%dma_wait3A, %dma_wait3A_452] : memref<2x320000xi32, #tpu.memory_space<hbm>> -> memref<1x9984xi32, #tpu.memory_space<hbm>>
    %dma_wait3A_454 = tpu.memref_squeeze %dma_wait3A_453 : memref<1x9984xi32, #tpu.memory_space<hbm>> -> memref<9984xi32, #tpu.memory_space<hbm>>
    %dma_wait3A_455 = arith.constant 0 : i32
    %dma_wait3A_456 = tpu.memref_slice %arg4[%dma_wait3A_455] : memref<10112xi32, #tpu.memory_space<vmem>> -> memref<9984xi32, #tpu.memory_space<vmem>>
    %dma_wait3A_457 = arith.constant 0 : i32
    %dma_wait3A_458 = tpu.memref_slice %arg2[%dma_wait3A, %dma_wait3A_457] : memref<2x320000xi32, #tpu.memory_space<hbm>> -> memref<1x9984xi32, #tpu.memory_space<hbm>>
    %dma_wait3A_459 = tpu.memref_squeeze %dma_wait3A_458 : memref<1x9984xi32, #tpu.memory_space<hbm>> -> memref<9984xi32, #tpu.memory_space<hbm>>
    tpu.wait_dma2 semaphore(%arg8 : memref<!tpu.dma_semaphore, #tpu.memory_space<semaphore_mem>>) src(%dma_wait3A_459 : memref<9984xi32, #tpu.memory_space<hbm>>) dst(%dma_wait3A_456 : memref<9984xi32, #tpu.memory_space<vmem>>)
    %convert_element_type3A_460 = arith.extui %lt3A_6 : i1 to i32
    %cond3A_461 = arith.constant 0 : i32
    %cond3A_462 = arith.cmpi ne, %convert_element_type3A_460, %cond3A_461 : i32
    scf.if %cond3A_462 {
      %multiple_of3A_479 = arith.constant 0 : i32
      %multiple_of3A_480 = tpu.assume_multiple %multiple_of3A_479, 128 : i32
      %dma_wait3A_481 = arith.constant 1 : i32
      %dma_wait3A_482 = arith.constant 0 : i32
      %dma_wait3A_483 = tpu.memref_slice %arg4[%dma_wait3A_482] : memref<10112xi32, #tpu.memory_space<vmem>> -> memref<128xi32, #tpu.memory_space<vmem>>
      %dma_wait3A_484 = tpu.memref_slice %arg2[%dma_wait3A_481, %multiple_of3A_480] : memref<2x320000xi32, #tpu.memory_space<hbm>> -> memref<1x128xi32, #tpu.memory_space<hbm>>
      %dma_wait3A_485 = tpu.memref_squeeze %dma_wait3A_484 : memref<1x128xi32, #tpu.memory_space<hbm>> -> memref<128xi32, #tpu.memory_space<hbm>>
      %dma_wait3A_486 = arith.constant 0 : i32
      %dma_wait3A_487 = tpu.memref_slice %arg4[%dma_wait3A_486] : memref<10112xi32, #tpu.memory_space<vmem>> -> memref<128xi32, #tpu.memory_space<vmem>>
      %dma_wait3A_488 = tpu.memref_slice %arg2[%dma_wait3A_481, %multiple_of3A_480] : memref<2x320000xi32, #tpu.memory_space<hbm>> -> memref<1x128xi32, #tpu.memory_space<hbm>>
      %dma_wait3A_489 = tpu.memref_squeeze %dma_wait3A_488 : memref<1x128xi32, #tpu.memory_space<hbm>> -> memref<128xi32, #tpu.memory_space<hbm>>
      tpu.wait_dma2 semaphore(%arg8 : memref<!tpu.dma_semaphore, #tpu.memory_space<semaphore_mem>>) src(%dma_wait3A_489 : memref<128xi32, #tpu.memory_space<hbm>>) dst(%dma_wait3A_487 : memref<128xi32, #tpu.memory_space<vmem>>)
    } else {
    }
    %barrier3A = arith.constant 0 : index
    tpu.barrier barrier_id(%barrier3A)
    %scan3A = arith.constant 0 : i32
    %scan3A_463 = arith.constant 0 : i32
    %scan3A_464 = arith.constant 19 : i32
    %scan3A_465 = arith.addi %scan3A_463, %scan3A_464 : i32
    %scan3A_466 = arith.constant 1 : i32
    scf.for %scan3A_479 = %scan3A_463 to %scan3A_465 step %scan3A_466  : i32 {
      %mul3A_480 = arith.constant 512 : i32
      %mul3A_481 = arith.muli %scan3A_479, %mul3A_480 : i32
      %multiple_of3A_482 = tpu.assume_multiple %mul3A_481, 512 : i32
      "tpu.region"() ({
        %run_scoped3A = tpu.sem_alloc : memref<!tpu.dma_semaphore, #tpu.memory_space<semaphore_mem>>
        %dma_start3A_483 = tpu.memref_slice %arg4[%multiple_of3A_482] : memref<10112xi32, #tpu.memory_space<vmem>> -> memref<512xi32, #tpu.memory_space<vmem>>
        %dma_start3A_484 = arith.constant 0 : i32
        %dma_start3A_485 = tpu.memref_slice %arg7[%dma_start3A_484] : memref<10240xf32, #tpu.memory_space<vmem_shared>> -> memref<10240xf32, #tpu.memory_space<vmem_shared>>
        tpu.enqueue_indirect_dma source(%arg5 : memref<512xf32, #tpu.memory_space<vmem>>) target(%dma_start3A_485 : memref<10240xf32, #tpu.memory_space<vmem_shared>>) offsets(%dma_start3A_483 : memref<512xi32, #tpu.memory_space<vmem>>) semaphore(%run_scoped3A : memref<!tpu.dma_semaphore, #tpu.memory_space<semaphore_mem>>) {add = true}
        %dma_wait3A_486 = tpu.memref_slice %arg4[%multiple_of3A_482] : memref<10112xi32, #tpu.memory_space<vmem>> -> memref<512xi32, #tpu.memory_space<vmem>>
        %dma_wait3A_487 = arith.constant 0 : i32
        %dma_wait3A_488 = tpu.memref_slice %arg7[%dma_wait3A_487] : memref<10240xf32, #tpu.memory_space<vmem_shared>> -> memref<10240xf32, #tpu.memory_space<vmem_shared>>
        tpu.wait_indirect_dma semaphore(%run_scoped3A : memref<!tpu.dma_semaphore, #tpu.memory_space<semaphore_mem>>) src(%arg5 : memref<512xf32, #tpu.memory_space<vmem>>) dst(%dma_wait3A_488 : memref<10240xf32, #tpu.memory_space<vmem_shared>>)
        tpu.yield
      }) : () -> ()
    }
    %scan3A_467 = arith.constant 19 : i32
    "tpu.region"() ({
      %run_scoped3A = tpu.sem_alloc : memref<!tpu.dma_semaphore, #tpu.memory_space<semaphore_mem>>
      %dma_start3A_479 = arith.constant 0 : i32
      %dma_start3A_480 = tpu.memref_slice %arg5[%dma_start3A_479] : memref<512xf32, #tpu.memory_space<vmem>> -> memref<128xf32, #tpu.memory_space<vmem>>
      %dma_start3A_481 = arith.constant 9728 : i32
      %dma_start3A_482 = tpu.memref_slice %arg4[%dma_start3A_481] : memref<10112xi32, #tpu.memory_space<vmem>> -> memref<128xi32, #tpu.memory_space<vmem>>
      %dma_start3A_483 = arith.constant 0 : i32
      %dma_start3A_484 = tpu.memref_slice %arg7[%dma_start3A_483] : memref<10240xf32, #tpu.memory_space<vmem_shared>> -> memref<10240xf32, #tpu.memory_space<vmem_shared>>
      tpu.enqueue_indirect_dma source(%dma_start3A_480 : memref<128xf32, #tpu.memory_space<vmem>>) target(%dma_start3A_484 : memref<10240xf32, #tpu.memory_space<vmem_shared>>) offsets(%dma_start3A_482 : memref<128xi32, #tpu.memory_space<vmem>>) semaphore(%run_scoped3A : memref<!tpu.dma_semaphore, #tpu.memory_space<semaphore_mem>>) {add = true}
      %dma_wait3A_485 = arith.constant 0 : i32
      %dma_wait3A_486 = tpu.memref_slice %arg5[%dma_wait3A_485] : memref<512xf32, #tpu.memory_space<vmem>> -> memref<128xf32, #tpu.memory_space<vmem>>
      %dma_wait3A_487 = arith.constant 9728 : i32
      %dma_wait3A_488 = tpu.memref_slice %arg4[%dma_wait3A_487] : memref<10112xi32, #tpu.memory_space<vmem>> -> memref<128xi32, #tpu.memory_space<vmem>>
      %dma_wait3A_489 = arith.constant 0 : i32
      %dma_wait3A_490 = tpu.memref_slice %arg7[%dma_wait3A_489] : memref<10240xf32, #tpu.memory_space<vmem_shared>> -> memref<10240xf32, #tpu.memory_space<vmem_shared>>
      tpu.wait_indirect_dma semaphore(%run_scoped3A : memref<!tpu.dma_semaphore, #tpu.memory_space<semaphore_mem>>) src(%dma_wait3A_486 : memref<128xf32, #tpu.memory_space<vmem>>) dst(%dma_wait3A_490 : memref<10240xf32, #tpu.memory_space<vmem_shared>>)
      tpu.yield
    }) : () -> ()
    "tpu.region"() ({
      %run_scoped3A = tpu.sem_alloc : memref<!tpu.dma_semaphore, #tpu.memory_space<semaphore_mem>>
      %dma_start3A_479 = arith.constant 0 : i32
      %dma_start3A_480 = tpu.memref_slice %arg5[%dma_start3A_479] : memref<512xf32, #tpu.memory_space<vmem>> -> memref<128xf32, #tpu.memory_space<vmem>>
      %dma_start3A_481 = arith.constant 9856 : i32
      %dma_start3A_482 = tpu.memref_slice %arg4[%dma_start3A_481] : memref<10112xi32, #tpu.memory_space<vmem>> -> memref<128xi32, #tpu.memory_space<vmem>>
      %dma_start3A_483 = arith.constant 0 : i32
      %dma_start3A_484 = tpu.memref_slice %arg7[%dma_start3A_483] : memref<10240xf32, #tpu.memory_space<vmem_shared>> -> memref<10240xf32, #tpu.memory_space<vmem_shared>>
      tpu.enqueue_indirect_dma source(%dma_start3A_480 : memref<128xf32, #tpu.memory_space<vmem>>) target(%dma_start3A_484 : memref<10240xf32, #tpu.memory_space<vmem_shared>>) offsets(%dma_start3A_482 : memref<128xi32, #tpu.memory_space<vmem>>) semaphore(%run_scoped3A : memref<!tpu.dma_semaphore, #tpu.memory_space<semaphore_mem>>) {add = true}
      %dma_wait3A_485 = arith.constant 0 : i32
      %dma_wait3A_486 = tpu.memref_slice %arg5[%dma_wait3A_485] : memref<512xf32, #tpu.memory_space<vmem>> -> memref<128xf32, #tpu.memory_space<vmem>>
      %dma_wait3A_487 = arith.constant 9856 : i32
      %dma_wait3A_488 = tpu.memref_slice %arg4[%dma_wait3A_487] : memref<10112xi32, #tpu.memory_space<vmem>> -> memref<128xi32, #tpu.memory_space<vmem>>
      %dma_wait3A_489 = arith.constant 0 : i32
      %dma_wait3A_490 = tpu.memref_slice %arg7[%dma_wait3A_489] : memref<10240xf32, #tpu.memory_space<vmem_shared>> -> memref<10240xf32, #tpu.memory_space<vmem_shared>>
      tpu.wait_indirect_dma semaphore(%run_scoped3A : memref<!tpu.dma_semaphore, #tpu.memory_space<semaphore_mem>>) src(%dma_wait3A_486 : memref<128xf32, #tpu.memory_space<vmem>>) dst(%dma_wait3A_490 : memref<10240xf32, #tpu.memory_space<vmem_shared>>)
      tpu.yield
    }) : () -> ()
    %convert_element_type3A_468 = arith.extui %lt3A_6 : i1 to i32
    %cond3A_469 = arith.constant 0 : i32
    %cond3A_470 = arith.cmpi ne, %convert_element_type3A_468, %cond3A_469 : i32
    scf.if %cond3A_470 {
      "tpu.region"() ({
        %run_scoped3A = tpu.sem_alloc : memref<!tpu.dma_semaphore, #tpu.memory_space<semaphore_mem>>
        %dma_start3A_479 = arith.constant 0 : i32
        %dma_start3A_480 = tpu.memref_slice %arg5[%dma_start3A_479] : memref<512xf32, #tpu.memory_space<vmem>> -> memref<128xf32, #tpu.memory_space<vmem>>
        %dma_start3A_481 = arith.constant 9984 : i32
        %dma_start3A_482 = tpu.memref_slice %arg4[%dma_start3A_481] : memref<10112xi32, #tpu.memory_space<vmem>> -> memref<128xi32, #tpu.memory_space<vmem>>
        %dma_start3A_483 = arith.constant 0 : i32
        %dma_start3A_484 = tpu.memref_slice %arg7[%dma_start3A_483] : memref<10240xf32, #tpu.memory_space<vmem_shared>> -> memref<10240xf32, #tpu.memory_space<vmem_shared>>
        tpu.enqueue_indirect_dma source(%dma_start3A_480 : memref<128xf32, #tpu.memory_space<vmem>>) target(%dma_start3A_484 : memref<10240xf32, #tpu.memory_space<vmem_shared>>) offsets(%dma_start3A_482 : memref<128xi32, #tpu.memory_space<vmem>>) semaphore(%run_scoped3A : memref<!tpu.dma_semaphore, #tpu.memory_space<semaphore_mem>>) {add = true}
        %dma_wait3A_485 = arith.constant 0 : i32
        %dma_wait3A_486 = tpu.memref_slice %arg5[%dma_wait3A_485] : memref<512xf32, #tpu.memory_space<vmem>> -> memref<128xf32, #tpu.memory_space<vmem>>
        %dma_wait3A_487 = arith.constant 9984 : i32
        %dma_wait3A_488 = tpu.memref_slice %arg4[%dma_wait3A_487] : memref<10112xi32, #tpu.memory_space<vmem>> -> memref<128xi32, #tpu.memory_space<vmem>>
        %dma_wait3A_489 = arith.constant 0 : i32
        %dma_wait3A_490 = tpu.memref_slice %arg7[%dma_wait3A_489] : memref<10240xf32, #tpu.memory_space<vmem_shared>> -> memref<10240xf32, #tpu.memory_space<vmem_shared>>
        tpu.wait_indirect_dma semaphore(%run_scoped3A : memref<!tpu.dma_semaphore, #tpu.memory_space<semaphore_mem>>) src(%dma_wait3A_486 : memref<128xf32, #tpu.memory_space<vmem>>) dst(%dma_wait3A_490 : memref<10240xf32, #tpu.memory_space<vmem_shared>>)
        tpu.yield
      }) : () -> ()
    } else {
    }
    %barrier3A_471 = arith.constant 0 : index
    tpu.barrier barrier_id(%barrier3A_471)
    %mul3A_472 = arith.constant 640 : i32
    %mul3A_473 = arith.muli %arg1, %mul3A_472 : i32
    %mul3A_474 = arith.constant 10240 : i32
    %mul3A_475 = arith.muli %arg0, %mul3A_474 : i32
    %mul3A_476 = arith.constant 640 : i32
    %mul3A_477 = arith.muli %arg1, %mul3A_476 : i32
    %add3A_478 = arith.addi %mul3A_475, %mul3A_477 : i32
    "tpu.region"() ({
      %run_scoped3A = tpu.sem_alloc : memref<!tpu.dma_semaphore, #tpu.memory_space<semaphore_mem>>
      %dma_start3A_479 = tpu.memref_slice %arg3[%add3A_478] : memref<20480xf32, #tpu.memory_space<hbm>> -> memref<640xf32, #tpu.memory_space<hbm>>
      %dma_start3A_480 = tpu.memref_slice %arg7[%mul3A_473] : memref<10240xf32, #tpu.memory_space<vmem_shared>> -> memref<640xf32, #tpu.memory_space<vmem_shared>>
      tpu.enqueue_dma source(%dma_start3A_480 : memref<640xf32, #tpu.memory_space<vmem_shared>>) target(%dma_start3A_479 : memref<640xf32, #tpu.memory_space<hbm>>) target_semaphore(%run_scoped3A : memref<!tpu.dma_semaphore, #tpu.memory_space<semaphore_mem>>)
      %dma_wait3A_481 = tpu.memref_slice %arg3[%add3A_478] : memref<20480xf32, #tpu.memory_space<hbm>> -> memref<640xf32, #tpu.memory_space<hbm>>
      %dma_wait3A_482 = tpu.memref_slice %arg7[%mul3A_473] : memref<10240xf32, #tpu.memory_space<vmem_shared>> -> memref<640xf32, #tpu.memory_space<vmem_shared>>
      tpu.wait_dma2 semaphore(%run_scoped3A : memref<!tpu.dma_semaphore, #tpu.memory_space<semaphore_mem>>) src(%dma_wait3A_482 : memref<640xf32, #tpu.memory_space<vmem_shared>>) dst(%dma_wait3A_481 : memref<640xf32, #tpu.memory_space<hbm>>)
      tpu.yield
    }) : () -> ()
    return
  }
}

#map = affine_map<(d0, d1) -> (0, 0)>
module attributes {stable_mosaic.version = 14 : i64} {
  func.func @body(%arg0: i32, %arg1: i32, %arg2: memref<2x320000xi32, #tpu.memory_space<hbm>>, %arg3: memref<10240x128xf32, #tpu.memory_space<hbm>>, %arg4: memref<20480x128xf32, #tpu.memory_space<hbm>>, %arg5: memref<128xi32, #tpu.memory_space<vmem>>, %arg6: memref<128xi32, #tpu.memory_space<vmem>>, %arg7: memref<128xi32, #tpu.memory_space<vmem>>, %arg8: memref<128xi32, #tpu.memory_space<vmem>>, %arg9: memref<128xi32, #tpu.memory_space<vmem>>, %arg10: memref<128xi32, #tpu.memory_space<vmem>>, %arg11: memref<128xi32, #tpu.memory_space<vmem>>, %arg12: memref<128xi32, #tpu.memory_space<vmem>>, %arg13: memref<2x128x128xf32, #tpu.memory_space<vmem>>, %arg14: memref<10240x128xf32, #tpu.memory_space<vmem_shared>>, %arg15: memref<!tpu.dma_semaphore, #tpu.memory_space<semaphore_mem>>, %arg16: memref<!tpu.dma_semaphore, #tpu.memory_space<semaphore_mem>>, %arg17: memref<!tpu.dma_semaphore, #tpu.memory_space<semaphore_mem>>, %arg18: memref<!tpu.dma_semaphore, #tpu.memory_space<semaphore_mem>>, %arg19: memref<!tpu.dma_semaphore, #tpu.memory_space<semaphore_mem>>) attributes {dimension_semantics = [#tpu.dimension_semantics<core_parallel>, #tpu.dimension_semantics<subcore_parallel>], iteration_bounds = array<i64: 2, 16>, scalar_prefetch = 0 : i64, scratch_operands = 15 : i64, tpu.core_type = #tpu.core_type<sc_vector_subcore>, window_params = [{transform_indices = #map}, {transform_indices = #map}, {transform_indices = #map}]} {
    %mul3A = arith.constant 16 : i32
    %mul3A_0 = arith.muli %arg0, %mul3A : i32
    %add3A = arith.addi %mul3A_0, %arg1 : i32
    %mul3A_1 = arith.constant 78 : i32
    %mul3A_2 = arith.muli %add3A, %mul3A_1 : i32
    %eq3A = arith.constant 0 : i32
    %eq3A_3 = arith.cmpi eq, %arg0, %eq3A : i32
    %lt3A = arith.constant 8 : i32
    %lt3A_4 = arith.cmpi slt, %arg1, %lt3A : i32
    %eq3A_5 = arith.xori %eq3A_3, %lt3A_4 : i1
    %eq3A_6 = arith.constant true
    %eq3A_7 = arith.xori %eq3A_5, %eq3A_6 : i1
    %convert_element_type3A = arith.extui %eq3A_7 : i1 to i32
    %cond3A = arith.constant 0 : i32
    %cond3A_8 = arith.cmpi ne, %convert_element_type3A, %cond3A : i32
    scf.if %cond3A_8 {
      %mul3A_128 = arith.constant 640 : i32
      %mul3A_129 = arith.muli %arg1, %mul3A_128 : i32
      %mul3A_130 = arith.constant 640 : i32
      %mul3A_131 = arith.muli %arg1, %mul3A_130 : i32
      "tpu.region"() ({
        %run_scoped3A_132 = tpu.sem_alloc : memref<!tpu.dma_semaphore, #tpu.memory_space<semaphore_mem>>
        %dma_start3A_133 = arith.constant 0 : i32
        %dma_start3A_134 = tpu.memref_slice %arg14[%mul3A_131, %dma_start3A_133] : memref<10240x128xf32, #tpu.memory_space<vmem_shared>> -> memref<640x128xf32, #tpu.memory_space<vmem_shared>>
        %dma_start3A_135 = arith.constant 0 : i32
        %dma_start3A_136 = tpu.memref_slice %arg3[%mul3A_129, %dma_start3A_135] : memref<10240x128xf32, #tpu.memory_space<hbm>> -> memref<640x128xf32, #tpu.memory_space<hbm>>
        tpu.enqueue_dma source(%dma_start3A_136 : memref<640x128xf32, #tpu.memory_space<hbm>>) target(%dma_start3A_134 : memref<640x128xf32, #tpu.memory_space<vmem_shared>>) target_semaphore(%run_scoped3A_132 : memref<!tpu.dma_semaphore, #tpu.memory_space<semaphore_mem>>)
        %dma_wait3A_137 = arith.constant 0 : i32
        %dma_wait3A_138 = tpu.memref_slice %arg14[%mul3A_131, %dma_wait3A_137] : memref<10240x128xf32, #tpu.memory_space<vmem_shared>> -> memref<640x128xf32, #tpu.memory_space<vmem_shared>>
        %dma_wait3A_139 = arith.constant 0 : i32
        %dma_wait3A_140 = tpu.memref_slice %arg3[%mul3A_129, %dma_wait3A_139] : memref<10240x128xf32, #tpu.memory_space<hbm>> -> memref<640x128xf32, #tpu.memory_space<hbm>>
        tpu.wait_dma2 semaphore(%run_scoped3A_132 : memref<!tpu.dma_semaphore, #tpu.memory_space<semaphore_mem>>) src(%dma_wait3A_140 : memref<640x128xf32, #tpu.memory_space<hbm>>) dst(%dma_wait3A_138 : memref<640x128xf32, #tpu.memory_space<vmem_shared>>)
        tpu.yield
      }) : () -> ()
    } else {
    }
    %not3A = arith.constant true
    %not3A_9 = arith.xori %eq3A_7, %not3A : i1
    %convert_element_type3A_10 = arith.extui %not3A_9 : i1 to i32
    %cond3A_11 = arith.constant 0 : i32
    %cond3A_12 = arith.cmpi ne, %convert_element_type3A_10, %cond3A_11 : i32
    scf.if %cond3A_12 {
      %scan3A_128 = arith.constant 0 : i32
      %scan3A_129 = arith.constant 0 : i32
      %scan3A_130 = arith.constant 128 : i32
      %scan3A_131 = arith.addi %scan3A_129, %scan3A_130 : i32
      %scan3A_132 = arith.constant 1 : i32
      scf.for %scan3A_159 = %scan3A_129 to %scan3A_131 step %scan3A_132  : i32 {
        %broadcast_in_dim3A = arith.constant 0.000000e+00 : f32
        %broadcast_in_dim3A_160 = vector.broadcast %broadcast_in_dim3A : f32 to vector<16xf32>
        %swap3A = arith.constant 0 : i32
        %swap3A_161 = arith.index_cast %swap3A : i32 to index
        %swap3A_162 = arith.index_cast %scan3A_159 : i32 to index
        %swap3A_163 = arith.constant 0 : index
        %swap3A_164 = tpu.vector_load %arg13[%swap3A_161, %swap3A_162, %swap3A_163] {strides = array<i32>} : memref<2x128x128xf32, #tpu.memory_space<vmem>>, vector<1x1x16xf32>,
        %swap3A_165 = vector.shape_cast %swap3A_164 : vector<1x1x16xf32> to vector<16xf32>
        %swap3A_166 = vector.shape_cast %broadcast_in_dim3A_160 : vector<16xf32> to vector<1x1x16xf32>
        tpu.vector_store %arg13[%swap3A_161, %swap3A_162, %swap3A_163], %swap3A_166 {strides = array<i32>} : memref<2x128x128xf32, #tpu.memory_space<vmem>>, vector<1x1x16xf32>,
        %broadcast_in_dim3A_167 = arith.constant 0.000000e+00 : f32
        %broadcast_in_dim3A_168 = vector.broadcast %broadcast_in_dim3A_167 : f32 to vector<16xf32>
        %swap3A_169 = arith.constant 0 : i32
        %swap3A_170 = arith.index_cast %swap3A_169 : i32 to index
        %swap3A_171 = arith.index_cast %scan3A_159 : i32 to index
        %swap3A_172 = arith.constant 16 : index
        %swap3A_173 = tpu.vector_load %arg13[%swap3A_170, %swap3A_171, %swap3A_172] {strides = array<i32>} : memref<2x128x128xf32, #tpu.memory_space<vmem>>, vector<1x1x16xf32>,
        %swap3A_174 = vector.shape_cast %swap3A_173 : vector<1x1x16xf32> to vector<16xf32>
        %swap3A_175 = vector.shape_cast %broadcast_in_dim3A_168 : vector<16xf32> to vector<1x1x16xf32>
        tpu.vector_store %arg13[%swap3A_170, %swap3A_171, %swap3A_172], %swap3A_175 {strides = array<i32>} : memref<2x128x128xf32, #tpu.memory_space<vmem>>, vector<1x1x16xf32>,
        %broadcast_in_dim3A_176 = arith.constant 0.000000e+00 : f32
        %broadcast_in_dim3A_177 = vector.broadcast %broadcast_in_dim3A_176 : f32 to vector<16xf32>
        %swap3A_178 = arith.constant 0 : i32
        %swap3A_179 = arith.index_cast %swap3A_178 : i32 to index
        %swap3A_180 = arith.index_cast %scan3A_159 : i32 to index
        %swap3A_181 = arith.constant 32 : index
        %swap3A_182 = tpu.vector_load %arg13[%swap3A_179, %swap3A_180, %swap3A_181] {strides = array<i32>} : memref<2x128x128xf32, #tpu.memory_space<vmem>>, vector<1x1x16xf32>,
        %swap3A_183 = vector.shape_cast %swap3A_182 : vector<1x1x16xf32> to vector<16xf32>
        %swap3A_184 = vector.shape_cast %broadcast_in_dim3A_177 : vector<16xf32> to vector<1x1x16xf32>
        tpu.vector_store %arg13[%swap3A_179, %swap3A_180, %swap3A_181], %swap3A_184 {strides = array<i32>} : memref<2x128x128xf32, #tpu.memory_space<vmem>>, vector<1x1x16xf32>,
        %broadcast_in_dim3A_185 = arith.constant 0.000000e+00 : f32
        %broadcast_in_dim3A_186 = vector.broadcast %broadcast_in_dim3A_185 : f32 to vector<16xf32>
        %swap3A_187 = arith.constant 0 : i32
        %swap3A_188 = arith.index_cast %swap3A_187 : i32 to index
        %swap3A_189 = arith.index_cast %scan3A_159 : i32 to index
        %swap3A_190 = arith.constant 48 : index
        %swap3A_191 = tpu.vector_load %arg13[%swap3A_188, %swap3A_189, %swap3A_190] {strides = array<i32>} : memref<2x128x128xf32, #tpu.memory_space<vmem>>, vector<1x1x16xf32>,
        %swap3A_192 = vector.shape_cast %swap3A_191 : vector<1x1x16xf32> to vector<16xf32>
        %swap3A_193 = vector.shape_cast %broadcast_in_dim3A_186 : vector<16xf32> to vector<1x1x16xf32>
        tpu.vector_store %arg13[%swap3A_188, %swap3A_189, %swap3A_190], %swap3A_193 {strides = array<i32>} : memref<2x128x128xf32, #tpu.memory_space<vmem>>, vector<1x1x16xf32>,
        %broadcast_in_dim3A_194 = arith.constant 0.000000e+00 : f32
        %broadcast_in_dim3A_195 = vector.broadcast %broadcast_in_dim3A_194 : f32 to vector<16xf32>
        %swap3A_196 = arith.constant 0 : i32
        %swap3A_197 = arith.index_cast %swap3A_196 : i32 to index
        %swap3A_198 = arith.index_cast %scan3A_159 : i32 to index
        %swap3A_199 = arith.constant 64 : index
        %swap3A_200 = tpu.vector_load %arg13[%swap3A_197, %swap3A_198, %swap3A_199] {strides = array<i32>} : memref<2x128x128xf32, #tpu.memory_space<vmem>>, vector<1x1x16xf32>,
        %swap3A_201 = vector.shape_cast %swap3A_200 : vector<1x1x16xf32> to vector<16xf32>
        %swap3A_202 = vector.shape_cast %broadcast_in_dim3A_195 : vector<16xf32> to vector<1x1x16xf32>
        tpu.vector_store %arg13[%swap3A_197, %swap3A_198, %swap3A_199], %swap3A_202 {strides = array<i32>} : memref<2x128x128xf32, #tpu.memory_space<vmem>>, vector<1x1x16xf32>,
        %broadcast_in_dim3A_203 = arith.constant 0.000000e+00 : f32
        %broadcast_in_dim3A_204 = vector.broadcast %broadcast_in_dim3A_203 : f32 to vector<16xf32>
        %swap3A_205 = arith.constant 0 : i32
        %swap3A_206 = arith.index_cast %swap3A_205 : i32 to index
        %swap3A_207 = arith.index_cast %scan3A_159 : i32 to index
        %swap3A_208 = arith.constant 80 : index
        %swap3A_209 = tpu.vector_load %arg13[%swap3A_206, %swap3A_207, %swap3A_208] {strides = array<i32>} : memref<2x128x128xf32, #tpu.memory_space<vmem>>, vector<1x1x16xf32>,
        %swap3A_210 = vector.shape_cast %swap3A_209 : vector<1x1x16xf32> to vector<16xf32>
        %swap3A_211 = vector.shape_cast %broadcast_in_dim3A_204 : vector<16xf32> to vector<1x1x16xf32>
        tpu.vector_store %arg13[%swap3A_206, %swap3A_207, %swap3A_208], %swap3A_211 {strides = array<i32>} : memref<2x128x128xf32, #tpu.memory_space<vmem>>, vector<1x1x16xf32>,
        %broadcast_in_dim3A_212 = arith.constant 0.000000e+00 : f32
        %broadcast_in_dim3A_213 = vector.broadcast %broadcast_in_dim3A_212 : f32 to vector<16xf32>
        %swap3A_214 = arith.constant 0 : i32
        %swap3A_215 = arith.index_cast %swap3A_214 : i32 to index
        %swap3A_216 = arith.index_cast %scan3A_159 : i32 to index
        %swap3A_217 = arith.constant 96 : index
        %swap3A_218 = tpu.vector_load %arg13[%swap3A_215, %swap3A_216, %swap3A_217] {strides = array<i32>} : memref<2x128x128xf32, #tpu.memory_space<vmem>>, vector<1x1x16xf32>,
        %swap3A_219 = vector.shape_cast %swap3A_218 : vector<1x1x16xf32> to vector<16xf32>
        %swap3A_220 = vector.shape_cast %broadcast_in_dim3A_213 : vector<16xf32> to vector<1x1x16xf32>
        tpu.vector_store %arg13[%swap3A_215, %swap3A_216, %swap3A_217], %swap3A_220 {strides = array<i32>} : memref<2x128x128xf32, #tpu.memory_space<vmem>>, vector<1x1x16xf32>,
        %broadcast_in_dim3A_221 = arith.constant 0.000000e+00 : f32
        %broadcast_in_dim3A_222 = vector.broadcast %broadcast_in_dim3A_221 : f32 to vector<16xf32>
        %swap3A_223 = arith.constant 0 : i32
        %swap3A_224 = arith.index_cast %swap3A_223 : i32 to index
        %swap3A_225 = arith.index_cast %scan3A_159 : i32 to index
        %swap3A_226 = arith.constant 112 : index
        %swap3A_227 = tpu.vector_load %arg13[%swap3A_224, %swap3A_225, %swap3A_226] {strides = array<i32>} : memref<2x128x128xf32, #tpu.memory_space<vmem>>, vector<1x1x16xf32>,
        %swap3A_228 = vector.shape_cast %swap3A_227 : vector<1x1x16xf32> to vector<16xf32>
        %swap3A_229 = vector.shape_cast %broadcast_in_dim3A_222 : vector<16xf32> to vector<1x1x16xf32>
        tpu.vector_store %arg13[%swap3A_224, %swap3A_225, %swap3A_226], %swap3A_229 {strides = array<i32>} : memref<2x128x128xf32, #tpu.memory_space<vmem>>, vector<1x1x16xf32>,
      }
      %scan3A_133 = arith.constant 128 : i32
      %mul3A_134 = arith.constant 640 : i32
      %mul3A_135 = arith.muli %arg1, %mul3A_134 : i32
      %add3A_136 = arith.constant 0 : i32
      %add3A_137 = arith.addi %mul3A_135, %add3A_136 : i32
      %run_scoped3A_138 = arith.constant 0 : i32
      "tpu.region"() ({
        %run_scoped3A_159 = tpu.sem_alloc : memref<!tpu.dma_semaphore, #tpu.memory_space<semaphore_mem>>
        %dma_start3A_160 = arith.constant 0 : i32
        %dma_start3A_161 = arith.constant 0 : i32
        %dma_start3A_162 = tpu.memref_slice %arg13[%run_scoped3A_138, %dma_start3A_160, %dma_start3A_161] : memref<2x128x128xf32, #tpu.memory_space<vmem>> -> memref<1x128x128xf32, #tpu.memory_space<vmem>>
        %dma_start3A_163 = tpu.memref_squeeze %dma_start3A_162 : memref<1x128x128xf32, #tpu.memory_space<vmem>> -> memref<128x128xf32, #tpu.memory_space<vmem>>
        %dma_start3A_164 = arith.constant 0 : i32
        %dma_start3A_165 = tpu.memref_slice %arg14[%add3A_137, %dma_start3A_164] : memref<10240x128xf32, #tpu.memory_space<vmem_shared>> -> memref<128x128xf32, #tpu.memory_space<vmem_shared>>
        %dma_start3A_166 = arith.constant 0 : i32
        %dma_start3A_167 = tpu.memref_slice %arg14[%add3A_137, %dma_start3A_166] : memref<10240x128xf32, #tpu.memory_space<vmem_shared>> -> memref<128x128xf32, #tpu.memory_space<vmem_shared>>
        %dma_start3A_168 = arith.constant 0 : i32
        %dma_start3A_169 = arith.constant 0 : i32
        %dma_start3A_170 = tpu.memref_slice %arg13[%run_scoped3A_138, %dma_start3A_168, %dma_start3A_169] : memref<2x128x128xf32, #tpu.memory_space<vmem>> -> memref<1x128x128xf32, #tpu.memory_space<vmem>>
        %dma_start3A_171 = tpu.memref_squeeze %dma_start3A_170 : memref<1x128x128xf32, #tpu.memory_space<vmem>> -> memref<128x128xf32, #tpu.memory_space<vmem>>
        tpu.enqueue_dma source(%dma_start3A_171 : memref<128x128xf32, #tpu.memory_space<vmem>>) target(%dma_start3A_167 : memref<128x128xf32, #tpu.memory_space<vmem_shared>>) target_semaphore(%run_scoped3A_159 : memref<!tpu.dma_semaphore, #tpu.memory_space<semaphore_mem>>)
        %dma_wait3A_172 = arith.constant 0 : i32
        %dma_wait3A_173 = arith.constant 0 : i32
        %dma_wait3A_174 = tpu.memref_slice %arg13[%run_scoped3A_138, %dma_wait3A_172, %dma_wait3A_173] : memref<2x128x128xf32, #tpu.memory_space<vmem>> -> memref<1x128x128xf32, #tpu.memory_space<vmem>>
        %dma_wait3A_175 = tpu.memref_squeeze %dma_wait3A_174 : memref<1x128x128xf32, #tpu.memory_space<vmem>> -> memref<128x128xf32, #tpu.memory_space<vmem>>
        %dma_wait3A_176 = arith.constant 0 : i32
        %dma_wait3A_177 = tpu.memref_slice %arg14[%add3A_137, %dma_wait3A_176] : memref<10240x128xf32, #tpu.memory_space<vmem_shared>> -> memref<128x128xf32, #tpu.memory_space<vmem_shared>>
        %dma_wait3A_178 = arith.constant 0 : i32
        %dma_wait3A_179 = tpu.memref_slice %arg14[%add3A_137, %dma_wait3A_178] : memref<10240x128xf32, #tpu.memory_space<vmem_shared>> -> memref<128x128xf32, #tpu.memory_space<vmem_shared>>
        %dma_wait3A_180 = arith.constant 0 : i32
        %dma_wait3A_181 = arith.constant 0 : i32
        %dma_wait3A_182 = tpu.memref_slice %arg13[%run_scoped3A_138, %dma_wait3A_180, %dma_wait3A_181] : memref<2x128x128xf32, #tpu.memory_space<vmem>> -> memref<1x128x128xf32, #tpu.memory_space<vmem>>
        %dma_wait3A_183 = tpu.memref_squeeze %dma_wait3A_182 : memref<1x128x128xf32, #tpu.memory_space<vmem>> -> memref<128x128xf32, #tpu.memory_space<vmem>>
        tpu.wait_dma2 semaphore(%run_scoped3A_159 : memref<!tpu.dma_semaphore, #tpu.memory_space<semaphore_mem>>) src(%dma_wait3A_183 : memref<128x128xf32, #tpu.memory_space<vmem>>) dst(%dma_wait3A_179 : memref<128x128xf32, #tpu.memory_space<vmem_shared>>)
        tpu.yield
      }) : () -> ()
      %mul3A_139 = arith.constant 640 : i32
      %mul3A_140 = arith.muli %arg1, %mul3A_139 : i32
      %add3A_141 = arith.constant 128 : i32
      %add3A_142 = arith.addi %mul3A_140, %add3A_141 : i32
      %run_scoped3A_143 = arith.constant 0 : i32
      "tpu.region"() ({
        %run_scoped3A_159 = tpu.sem_alloc : memref<!tpu.dma_semaphore, #tpu.memory_space<semaphore_mem>>
        %dma_start3A_160 = arith.constant 0 : i32
        %dma_start3A_161 = arith.constant 0 : i32
        %dma_start3A_162 = tpu.memref_slice %arg13[%run_scoped3A_143, %dma_start3A_160, %dma_start3A_161] : memref<2x128x128xf32, #tpu.memory_space<vmem>> -> memref<1x128x128xf32, #tpu.memory_space<vmem>>
        %dma_start3A_163 = tpu.memref_squeeze %dma_start3A_162 : memref<1x128x128xf32, #tpu.memory_space<vmem>> -> memref<128x128xf32, #tpu.memory_space<vmem>>
        %dma_start3A_164 = arith.constant 0 : i32
        %dma_start3A_165 = tpu.memref_slice %arg14[%add3A_142, %dma_start3A_164] : memref<10240x128xf32, #tpu.memory_space<vmem_shared>> -> memref<128x128xf32, #tpu.memory_space<vmem_shared>>
        %dma_start3A_166 = arith.constant 0 : i32
        %dma_start3A_167 = tpu.memref_slice %arg14[%add3A_142, %dma_start3A_166] : memref<10240x128xf32, #tpu.memory_space<vmem_shared>> -> memref<128x128xf32, #tpu.memory_space<vmem_shared>>
        %dma_start3A_168 = arith.constant 0 : i32
        %dma_start3A_169 = arith.constant 0 : i32
        %dma_start3A_170 = tpu.memref_slice %arg13[%run_scoped3A_143, %dma_start3A_168, %dma_start3A_169] : memref<2x128x128xf32, #tpu.memory_space<vmem>> -> memref<1x128x128xf32, #tpu.memory_space<vmem>>
        %dma_start3A_171 = tpu.memref_squeeze %dma_start3A_170 : memref<1x128x128xf32, #tpu.memory_space<vmem>> -> memref<128x128xf32, #tpu.memory_space<vmem>>
        tpu.enqueue_dma source(%dma_start3A_171 : memref<128x128xf32, #tpu.memory_space<vmem>>) target(%dma_start3A_167 : memref<128x128xf32, #tpu.memory_space<vmem_shared>>) target_semaphore(%run_scoped3A_159 : memref<!tpu.dma_semaphore, #tpu.memory_space<semaphore_mem>>)
        %dma_wait3A_172 = arith.constant 0 : i32
        %dma_wait3A_173 = arith.constant 0 : i32
        %dma_wait3A_174 = tpu.memref_slice %arg13[%run_scoped3A_143, %dma_wait3A_172, %dma_wait3A_173] : memref<2x128x128xf32, #tpu.memory_space<vmem>> -> memref<1x128x128xf32, #tpu.memory_space<vmem>>
        %dma_wait3A_175 = tpu.memref_squeeze %dma_wait3A_174 : memref<1x128x128xf32, #tpu.memory_space<vmem>> -> memref<128x128xf32, #tpu.memory_space<vmem>>
        %dma_wait3A_176 = arith.constant 0 : i32
        %dma_wait3A_177 = tpu.memref_slice %arg14[%add3A_142, %dma_wait3A_176] : memref<10240x128xf32, #tpu.memory_space<vmem_shared>> -> memref<128x128xf32, #tpu.memory_space<vmem_shared>>
        %dma_wait3A_178 = arith.constant 0 : i32
        %dma_wait3A_179 = tpu.memref_slice %arg14[%add3A_142, %dma_wait3A_178] : memref<10240x128xf32, #tpu.memory_space<vmem_shared>> -> memref<128x128xf32, #tpu.memory_space<vmem_shared>>
        %dma_wait3A_180 = arith.constant 0 : i32
        %dma_wait3A_181 = arith.constant 0 : i32
        %dma_wait3A_182 = tpu.memref_slice %arg13[%run_scoped3A_143, %dma_wait3A_180, %dma_wait3A_181] : memref<2x128x128xf32, #tpu.memory_space<vmem>> -> memref<1x128x128xf32, #tpu.memory_space<vmem>>
        %dma_wait3A_183 = tpu.memref_squeeze %dma_wait3A_182 : memref<1x128x128xf32, #tpu.memory_space<vmem>> -> memref<128x128xf32, #tpu.memory_space<vmem>>
        tpu.wait_dma2 semaphore(%run_scoped3A_159 : memref<!tpu.dma_semaphore, #tpu.memory_space<semaphore_mem>>) src(%dma_wait3A_183 : memref<128x128xf32, #tpu.memory_space<vmem>>) dst(%dma_wait3A_179 : memref<128x128xf32, #tpu.memory_space<vmem_shared>>)
        tpu.yield
      }) : () -> ()
      %mul3A_144 = arith.constant 640 : i32
      %mul3A_145 = arith.muli %arg1, %mul3A_144 : i32
      %add3A_146 = arith.constant 256 : i32
      %add3A_147 = arith.addi %mul3A_145, %add3A_146 : i32
      %run_scoped3A_148 = arith.constant 0 : i32
      "tpu.region"() ({
        %run_scoped3A_159 = tpu.sem_alloc : memref<!tpu.dma_semaphore, #tpu.memory_space<semaphore_mem>>
        %dma_start3A_160 = arith.constant 0 : i32
        %dma_start3A_161 = arith.constant 0 : i32
        %dma_start3A_162 = tpu.memref_slice %arg13[%run_scoped3A_148, %dma_start3A_160, %dma_start3A_161] : memref<2x128x128xf32, #tpu.memory_space<vmem>> -> memref<1x128x128xf32, #tpu.memory_space<vmem>>
        %dma_start3A_163 = tpu.memref_squeeze %dma_start3A_162 : memref<1x128x128xf32, #tpu.memory_space<vmem>> -> memref<128x128xf32, #tpu.memory_space<vmem>>
        %dma_start3A_164 = arith.constant 0 : i32
        %dma_start3A_165 = tpu.memref_slice %arg14[%add3A_147, %dma_start3A_164] : memref<10240x128xf32, #tpu.memory_space<vmem_shared>> -> memref<128x128xf32, #tpu.memory_space<vmem_shared>>
        %dma_start3A_166 = arith.constant 0 : i32
        %dma_start3A_167 = tpu.memref_slice %arg14[%add3A_147, %dma_start3A_166] : memref<10240x128xf32, #tpu.memory_space<vmem_shared>> -> memref<128x128xf32, #tpu.memory_space<vmem_shared>>
        %dma_start3A_168 = arith.constant 0 : i32
        %dma_start3A_169 = arith.constant 0 : i32
        %dma_start3A_170 = tpu.memref_slice %arg13[%run_scoped3A_148, %dma_start3A_168, %dma_start3A_169] : memref<2x128x128xf32, #tpu.memory_space<vmem>> -> memref<1x128x128xf32, #tpu.memory_space<vmem>>
        %dma_start3A_171 = tpu.memref_squeeze %dma_start3A_170 : memref<1x128x128xf32, #tpu.memory_space<vmem>> -> memref<128x128xf32, #tpu.memory_space<vmem>>
        tpu.enqueue_dma source(%dma_start3A_171 : memref<128x128xf32, #tpu.memory_space<vmem>>) target(%dma_start3A_167 : memref<128x128xf32, #tpu.memory_space<vmem_shared>>) target_semaphore(%run_scoped3A_159 : memref<!tpu.dma_semaphore, #tpu.memory_space<semaphore_mem>>)
        %dma_wait3A_172 = arith.constant 0 : i32
        %dma_wait3A_173 = arith.constant 0 : i32
        %dma_wait3A_174 = tpu.memref_slice %arg13[%run_scoped3A_148, %dma_wait3A_172, %dma_wait3A_173] : memref<2x128x128xf32, #tpu.memory_space<vmem>> -> memref<1x128x128xf32, #tpu.memory_space<vmem>>
        %dma_wait3A_175 = tpu.memref_squeeze %dma_wait3A_174 : memref<1x128x128xf32, #tpu.memory_space<vmem>> -> memref<128x128xf32, #tpu.memory_space<vmem>>
        %dma_wait3A_176 = arith.constant 0 : i32
        %dma_wait3A_177 = tpu.memref_slice %arg14[%add3A_147, %dma_wait3A_176] : memref<10240x128xf32, #tpu.memory_space<vmem_shared>> -> memref<128x128xf32, #tpu.memory_space<vmem_shared>>
        %dma_wait3A_178 = arith.constant 0 : i32
        %dma_wait3A_179 = tpu.memref_slice %arg14[%add3A_147, %dma_wait3A_178] : memref<10240x128xf32, #tpu.memory_space<vmem_shared>> -> memref<128x128xf32, #tpu.memory_space<vmem_shared>>
        %dma_wait3A_180 = arith.constant 0 : i32
        %dma_wait3A_181 = arith.constant 0 : i32
        %dma_wait3A_182 = tpu.memref_slice %arg13[%run_scoped3A_148, %dma_wait3A_180, %dma_wait3A_181] : memref<2x128x128xf32, #tpu.memory_space<vmem>> -> memref<1x128x128xf32, #tpu.memory_space<vmem>>
        %dma_wait3A_183 = tpu.memref_squeeze %dma_wait3A_182 : memref<1x128x128xf32, #tpu.memory_space<vmem>> -> memref<128x128xf32, #tpu.memory_space<vmem>>
        tpu.wait_dma2 semaphore(%run_scoped3A_159 : memref<!tpu.dma_semaphore, #tpu.memory_space<semaphore_mem>>) src(%dma_wait3A_183 : memref<128x128xf32, #tpu.memory_space<vmem>>) dst(%dma_wait3A_179 : memref<128x128xf32, #tpu.memory_space<vmem_shared>>)
        tpu.yield
      }) : () -> ()
      %mul3A_149 = arith.constant 640 : i32
      %mul3A_150 = arith.muli %arg1, %mul3A_149 : i32
      %add3A_151 = arith.constant 384 : i32
      %add3A_152 = arith.addi %mul3A_150, %add3A_151 : i32
      %run_scoped3A_153 = arith.constant 0 : i32
      "tpu.region"() ({
        %run_scoped3A_159 = tpu.sem_alloc : memref<!tpu.dma_semaphore, #tpu.memory_space<semaphore_mem>>
        %dma_start3A_160 = arith.constant 0 : i32
        %dma_start3A_161 = arith.constant 0 : i32
        %dma_start3A_162 = tpu.memref_slice %arg13[%run_scoped3A_153, %dma_start3A_160, %dma_start3A_161] : memref<2x128x128xf32, #tpu.memory_space<vmem>> -> memref<1x128x128xf32, #tpu.memory_space<vmem>>
        %dma_start3A_163 = tpu.memref_squeeze %dma_start3A_162 : memref<1x128x128xf32, #tpu.memory_space<vmem>> -> memref<128x128xf32, #tpu.memory_space<vmem>>
        %dma_start3A_164 = arith.constant 0 : i32
        %dma_start3A_165 = tpu.memref_slice %arg14[%add3A_152, %dma_start3A_164] : memref<10240x128xf32, #tpu.memory_space<vmem_shared>> -> memref<128x128xf32, #tpu.memory_space<vmem_shared>>
        %dma_start3A_166 = arith.constant 0 : i32
        %dma_start3A_167 = tpu.memref_slice %arg14[%add3A_152, %dma_start3A_166] : memref<10240x128xf32, #tpu.memory_space<vmem_shared>> -> memref<128x128xf32, #tpu.memory_space<vmem_shared>>
        %dma_start3A_168 = arith.constant 0 : i32
        %dma_start3A_169 = arith.constant 0 : i32
        %dma_start3A_170 = tpu.memref_slice %arg13[%run_scoped3A_153, %dma_start3A_168, %dma_start3A_169] : memref<2x128x128xf32, #tpu.memory_space<vmem>> -> memref<1x128x128xf32, #tpu.memory_space<vmem>>
        %dma_start3A_171 = tpu.memref_squeeze %dma_start3A_170 : memref<1x128x128xf32, #tpu.memory_space<vmem>> -> memref<128x128xf32, #tpu.memory_space<vmem>>
        tpu.enqueue_dma source(%dma_start3A_171 : memref<128x128xf32, #tpu.memory_space<vmem>>) target(%dma_start3A_167 : memref<128x128xf32, #tpu.memory_space<vmem_shared>>) target_semaphore(%run_scoped3A_159 : memref<!tpu.dma_semaphore, #tpu.memory_space<semaphore_mem>>)
        %dma_wait3A_172 = arith.constant 0 : i32
        %dma_wait3A_173 = arith.constant 0 : i32
        %dma_wait3A_174 = tpu.memref_slice %arg13[%run_scoped3A_153, %dma_wait3A_172, %dma_wait3A_173] : memref<2x128x128xf32, #tpu.memory_space<vmem>> -> memref<1x128x128xf32, #tpu.memory_space<vmem>>
        %dma_wait3A_175 = tpu.memref_squeeze %dma_wait3A_174 : memref<1x128x128xf32, #tpu.memory_space<vmem>> -> memref<128x128xf32, #tpu.memory_space<vmem>>
        %dma_wait3A_176 = arith.constant 0 : i32
        %dma_wait3A_177 = tpu.memref_slice %arg14[%add3A_152, %dma_wait3A_176] : memref<10240x128xf32, #tpu.memory_space<vmem_shared>> -> memref<128x128xf32, #tpu.memory_space<vmem_shared>>
        %dma_wait3A_178 = arith.constant 0 : i32
        %dma_wait3A_179 = tpu.memref_slice %arg14[%add3A_152, %dma_wait3A_178] : memref<10240x128xf32, #tpu.memory_space<vmem_shared>> -> memref<128x128xf32, #tpu.memory_space<vmem_shared>>
        %dma_wait3A_180 = arith.constant 0 : i32
        %dma_wait3A_181 = arith.constant 0 : i32
        %dma_wait3A_182 = tpu.memref_slice %arg13[%run_scoped3A_153, %dma_wait3A_180, %dma_wait3A_181] : memref<2x128x128xf32, #tpu.memory_space<vmem>> -> memref<1x128x128xf32, #tpu.memory_space<vmem>>
        %dma_wait3A_183 = tpu.memref_squeeze %dma_wait3A_182 : memref<1x128x128xf32, #tpu.memory_space<vmem>> -> memref<128x128xf32, #tpu.memory_space<vmem>>
        tpu.wait_dma2 semaphore(%run_scoped3A_159 : memref<!tpu.dma_semaphore, #tpu.memory_space<semaphore_mem>>) src(%dma_wait3A_183 : memref<128x128xf32, #tpu.memory_space<vmem>>) dst(%dma_wait3A_179 : memref<128x128xf32, #tpu.memory_space<vmem_shared>>)
        tpu.yield
      }) : () -> ()
      %mul3A_154 = arith.constant 640 : i32
      %mul3A_155 = arith.muli %arg1, %mul3A_154 : i32
      %add3A_156 = arith.constant 512 : i32
      %add3A_157 = arith.addi %mul3A_155, %add3A_156 : i32
      %run_scoped3A_158 = arith.constant 0 : i32
      "tpu.region"() ({
        %run_scoped3A_159 = tpu.sem_alloc : memref<!tpu.dma_semaphore, #tpu.memory_space<semaphore_mem>>
        %dma_start3A_160 = arith.constant 0 : i32
        %dma_start3A_161 = arith.constant 0 : i32
        %dma_start3A_162 = tpu.memref_slice %arg13[%run_scoped3A_158, %dma_start3A_160, %dma_start3A_161] : memref<2x128x128xf32, #tpu.memory_space<vmem>> -> memref<1x128x128xf32, #tpu.memory_space<vmem>>
        %dma_start3A_163 = tpu.memref_squeeze %dma_start3A_162 : memref<1x128x128xf32, #tpu.memory_space<vmem>> -> memref<128x128xf32, #tpu.memory_space<vmem>>
        %dma_start3A_164 = arith.constant 0 : i32
        %dma_start3A_165 = tpu.memref_slice %arg14[%add3A_157, %dma_start3A_164] : memref<10240x128xf32, #tpu.memory_space<vmem_shared>> -> memref<128x128xf32, #tpu.memory_space<vmem_shared>>
        %dma_start3A_166 = arith.constant 0 : i32
        %dma_start3A_167 = tpu.memref_slice %arg14[%add3A_157, %dma_start3A_166] : memref<10240x128xf32, #tpu.memory_space<vmem_shared>> -> memref<128x128xf32, #tpu.memory_space<vmem_shared>>
        %dma_start3A_168 = arith.constant 0 : i32
        %dma_start3A_169 = arith.constant 0 : i32
        %dma_start3A_170 = tpu.memref_slice %arg13[%run_scoped3A_158, %dma_start3A_168, %dma_start3A_169] : memref<2x128x128xf32, #tpu.memory_space<vmem>> -> memref<1x128x128xf32, #tpu.memory_space<vmem>>
        %dma_start3A_171 = tpu.memref_squeeze %dma_start3A_170 : memref<1x128x128xf32, #tpu.memory_space<vmem>> -> memref<128x128xf32, #tpu.memory_space<vmem>>
        tpu.enqueue_dma source(%dma_start3A_171 : memref<128x128xf32, #tpu.memory_space<vmem>>) target(%dma_start3A_167 : memref<128x128xf32, #tpu.memory_space<vmem_shared>>) target_semaphore(%run_scoped3A_159 : memref<!tpu.dma_semaphore, #tpu.memory_space<semaphore_mem>>)
        %dma_wait3A_172 = arith.constant 0 : i32
        %dma_wait3A_173 = arith.constant 0 : i32
        %dma_wait3A_174 = tpu.memref_slice %arg13[%run_scoped3A_158, %dma_wait3A_172, %dma_wait3A_173] : memref<2x128x128xf32, #tpu.memory_space<vmem>> -> memref<1x128x128xf32, #tpu.memory_space<vmem>>
        %dma_wait3A_175 = tpu.memref_squeeze %dma_wait3A_174 : memref<1x128x128xf32, #tpu.memory_space<vmem>> -> memref<128x128xf32, #tpu.memory_space<vmem>>
        %dma_wait3A_176 = arith.constant 0 : i32
        %dma_wait3A_177 = tpu.memref_slice %arg14[%add3A_157, %dma_wait3A_176] : memref<10240x128xf32, #tpu.memory_space<vmem_shared>> -> memref<128x128xf32, #tpu.memory_space<vmem_shared>>
        %dma_wait3A_178 = arith.constant 0 : i32
        %dma_wait3A_179 = tpu.memref_slice %arg14[%add3A_157, %dma_wait3A_178] : memref<10240x128xf32, #tpu.memory_space<vmem_shared>> -> memref<128x128xf32, #tpu.memory_space<vmem_shared>>
        %dma_wait3A_180 = arith.constant 0 : i32
        %dma_wait3A_181 = arith.constant 0 : i32
        %dma_wait3A_182 = tpu.memref_slice %arg13[%run_scoped3A_158, %dma_wait3A_180, %dma_wait3A_181] : memref<2x128x128xf32, #tpu.memory_space<vmem>> -> memref<1x128x128xf32, #tpu.memory_space<vmem>>
        %dma_wait3A_183 = tpu.memref_squeeze %dma_wait3A_182 : memref<1x128x128xf32, #tpu.memory_space<vmem>> -> memref<128x128xf32, #tpu.memory_space<vmem>>
        tpu.wait_dma2 semaphore(%run_scoped3A_159 : memref<!tpu.dma_semaphore, #tpu.memory_space<semaphore_mem>>) src(%dma_wait3A_183 : memref<128x128xf32, #tpu.memory_space<vmem>>) dst(%dma_wait3A_179 : memref<128x128xf32, #tpu.memory_space<vmem_shared>>)
        tpu.yield
      }) : () -> ()
    } else {
    }
    %barrier3A = arith.constant 0 : index
    tpu.barrier barrier_id(%barrier3A)
    %add3A_13 = arith.constant 0 : i32
    %add3A_14 = arith.addi %mul3A_2, %add3A_13 : i32
    %mul3A_15 = arith.constant 128 : i32
    %mul3A_16 = arith.muli %add3A_14, %mul3A_15 : i32
    %multiple_of3A = tpu.assume_multiple %mul3A_16, 128 : i32
    %run_scoped3A = arith.constant 0 : i32
    "tpu.region"() ({
      %run_scoped3A_128 = tpu.sem_alloc : memref<!tpu.dma_semaphore, #tpu.memory_space<semaphore_mem>>
      %dma_start3A_129 = tpu.memref_slice %arg2[%run_scoped3A, %multiple_of3A] : memref<2x320000xi32, #tpu.memory_space<hbm>> -> memref<1x128xi32, #tpu.memory_space<hbm>>
      %dma_start3A_130 = tpu.memref_squeeze %dma_start3A_129 : memref<1x128xi32, #tpu.memory_space<hbm>> -> memref<128xi32, #tpu.memory_space<hbm>>
      %dma_start3A_131 = tpu.memref_slice %arg2[%run_scoped3A, %multiple_of3A] : memref<2x320000xi32, #tpu.memory_space<hbm>> -> memref<1x128xi32, #tpu.memory_space<hbm>>
      %dma_start3A_132 = tpu.memref_squeeze %dma_start3A_131 : memref<1x128xi32, #tpu.memory_space<hbm>> -> memref<128xi32, #tpu.memory_space<hbm>>
      tpu.enqueue_dma source(%dma_start3A_132 : memref<128xi32, #tpu.memory_space<hbm>>) target(%arg5 : memref<128xi32, #tpu.memory_space<vmem>>) target_semaphore(%run_scoped3A_128 : memref<!tpu.dma_semaphore, #tpu.memory_space<semaphore_mem>>)
      %dma_wait3A_133 = tpu.memref_slice %arg2[%run_scoped3A, %multiple_of3A] : memref<2x320000xi32, #tpu.memory_space<hbm>> -> memref<1x128xi32, #tpu.memory_space<hbm>>
      %dma_wait3A_134 = tpu.memref_squeeze %dma_wait3A_133 : memref<1x128xi32, #tpu.memory_space<hbm>> -> memref<128xi32, #tpu.memory_space<hbm>>
      %dma_wait3A_135 = tpu.memref_slice %arg2[%run_scoped3A, %multiple_of3A] : memref<2x320000xi32, #tpu.memory_space<hbm>> -> memref<1x128xi32, #tpu.memory_space<hbm>>
      %dma_wait3A_136 = tpu.memref_squeeze %dma_wait3A_135 : memref<1x128xi32, #tpu.memory_space<hbm>> -> memref<128xi32, #tpu.memory_space<hbm>>
      tpu.wait_dma2 semaphore(%run_scoped3A_128 : memref<!tpu.dma_semaphore, #tpu.memory_space<semaphore_mem>>) src(%dma_wait3A_136 : memref<128xi32, #tpu.memory_space<hbm>>) dst(%arg5 : memref<128xi32, #tpu.memory_space<vmem>>)
      tpu.yield
    }) : () -> ()
    %add3A_17 = arith.constant 0 : i32
    %add3A_18 = arith.addi %mul3A_2, %add3A_17 : i32
    %mul3A_19 = arith.constant 128 : i32
    %mul3A_20 = arith.muli %add3A_18, %mul3A_19 : i32
    %multiple_of3A_21 = tpu.assume_multiple %mul3A_20, 128 : i32
    %run_scoped3A_22 = arith.constant 1 : i32
    "tpu.region"() ({
      %run_scoped3A_128 = tpu.sem_alloc : memref<!tpu.dma_semaphore, #tpu.memory_space<semaphore_mem>>
      %dma_start3A_129 = tpu.memref_slice %arg2[%run_scoped3A_22, %multiple_of3A_21] : memref<2x320000xi32, #tpu.memory_space<hbm>> -> memref<1x128xi32, #tpu.memory_space<hbm>>
      %dma_start3A_130 = tpu.memref_squeeze %dma_start3A_129 : memref<1x128xi32, #tpu.memory_space<hbm>> -> memref<128xi32, #tpu.memory_space<hbm>>
      %dma_start3A_131 = tpu.memref_slice %arg2[%run_scoped3A_22, %multiple_of3A_21] : memref<2x320000xi32, #tpu.memory_space<hbm>> -> memref<1x128xi32, #tpu.memory_space<hbm>>
      %dma_start3A_132 = tpu.memref_squeeze %dma_start3A_131 : memref<1x128xi32, #tpu.memory_space<hbm>> -> memref<128xi32, #tpu.memory_space<hbm>>
      tpu.enqueue_dma source(%dma_start3A_132 : memref<128xi32, #tpu.memory_space<hbm>>) target(%arg9 : memref<128xi32, #tpu.memory_space<vmem>>) target_semaphore(%run_scoped3A_128 : memref<!tpu.dma_semaphore, #tpu.memory_space<semaphore_mem>>)
      %dma_wait3A_133 = tpu.memref_slice %arg2[%run_scoped3A_22, %multiple_of3A_21] : memref<2x320000xi32, #tpu.memory_space<hbm>> -> memref<1x128xi32, #tpu.memory_space<hbm>>
      %dma_wait3A_134 = tpu.memref_squeeze %dma_wait3A_133 : memref<1x128xi32, #tpu.memory_space<hbm>> -> memref<128xi32, #tpu.memory_space<hbm>>
      %dma_wait3A_135 = tpu.memref_slice %arg2[%run_scoped3A_22, %multiple_of3A_21] : memref<2x320000xi32, #tpu.memory_space<hbm>> -> memref<1x128xi32, #tpu.memory_space<hbm>>
      %dma_wait3A_136 = tpu.memref_squeeze %dma_wait3A_135 : memref<1x128xi32, #tpu.memory_space<hbm>> -> memref<128xi32, #tpu.memory_space<hbm>>
      tpu.wait_dma2 semaphore(%run_scoped3A_128 : memref<!tpu.dma_semaphore, #tpu.memory_space<semaphore_mem>>) src(%dma_wait3A_136 : memref<128xi32, #tpu.memory_space<hbm>>) dst(%arg9 : memref<128xi32, #tpu.memory_space<vmem>>)
      tpu.yield
    }) : () -> ()
    %dma_start3A = arith.constant 0 : i32
    %dma_start3A_23 = arith.constant 0 : i32
    %dma_start3A_24 = arith.constant 0 : i32
    %dma_start3A_25 = tpu.memref_slice %arg13[%dma_start3A, %dma_start3A_23, %dma_start3A_24] : memref<2x128x128xf32, #tpu.memory_space<vmem>> -> memref<1x128x128xf32, #tpu.memory_space<vmem>>
    %dma_start3A_26 = tpu.memref_squeeze %dma_start3A_25 : memref<1x128x128xf32, #tpu.memory_space<vmem>> -> memref<128x128xf32, #tpu.memory_space<vmem>>
    %dma_start3A_27 = arith.constant 0 : i32
    %dma_start3A_28 = arith.constant 0 : i32
    %dma_start3A_29 = tpu.memref_slice %arg3[%dma_start3A_27, %dma_start3A_28] : memref<10240x128xf32, #tpu.memory_space<hbm>> -> memref<10240x128xf32, #tpu.memory_space<hbm>>
    tpu.enqueue_indirect_dma source(%dma_start3A_29 : memref<10240x128xf32, #tpu.memory_space<hbm>>) target(%dma_start3A_26 : memref<128x128xf32, #tpu.memory_space<vmem>>) offsets(%arg5 : memref<128xi32, #tpu.memory_space<vmem>>) semaphore(%arg15 : memref<!tpu.dma_semaphore, #tpu.memory_space<semaphore_mem>>)
    %add3A_30 = arith.constant 1 : i32
    %add3A_31 = arith.addi %mul3A_2, %add3A_30 : i32
    %mul3A_32 = arith.constant 128 : i32
    %mul3A_33 = arith.muli %add3A_31, %mul3A_32 : i32
    %multiple_of3A_34 = tpu.assume_multiple %mul3A_33, 128 : i32
    %run_scoped3A_35 = arith.constant 0 : i32
    "tpu.region"() ({
      %run_scoped3A_128 = tpu.sem_alloc : memref<!tpu.dma_semaphore, #tpu.memory_space<semaphore_mem>>
      %dma_start3A_129 = tpu.memref_slice %arg2[%run_scoped3A_35, %multiple_of3A_34] : memref<2x320000xi32, #tpu.memory_space<hbm>> -> memref<1x128xi32, #tpu.memory_space<hbm>>
      %dma_start3A_130 = tpu.memref_squeeze %dma_start3A_129 : memref<1x128xi32, #tpu.memory_space<hbm>> -> memref<128xi32, #tpu.memory_space<hbm>>
      %dma_start3A_131 = tpu.memref_slice %arg2[%run_scoped3A_35, %multiple_of3A_34] : memref<2x320000xi32, #tpu.memory_space<hbm>> -> memref<1x128xi32, #tpu.memory_space<hbm>>
      %dma_start3A_132 = tpu.memref_squeeze %dma_start3A_131 : memref<1x128xi32, #tpu.memory_space<hbm>> -> memref<128xi32, #tpu.memory_space<hbm>>
      tpu.enqueue_dma source(%dma_start3A_132 : memref<128xi32, #tpu.memory_space<hbm>>) target(%arg6 : memref<128xi32, #tpu.memory_space<vmem>>) target_semaphore(%run_scoped3A_128 : memref<!tpu.dma_semaphore, #tpu.memory_space<semaphore_mem>>)
      %dma_wait3A_133 = tpu.memref_slice %arg2[%run_scoped3A_35, %multiple_of3A_34] : memref<2x320000xi32, #tpu.memory_space<hbm>> -> memref<1x128xi32, #tpu.memory_space<hbm>>
      %dma_wait3A_134 = tpu.memref_squeeze %dma_wait3A_133 : memref<1x128xi32, #tpu.memory_space<hbm>> -> memref<128xi32, #tpu.memory_space<hbm>>
      %dma_wait3A_135 = tpu.memref_slice %arg2[%run_scoped3A_35, %multiple_of3A_34] : memref<2x320000xi32, #tpu.memory_space<hbm>> -> memref<1x128xi32, #tpu.memory_space<hbm>>
      %dma_wait3A_136 = tpu.memref_squeeze %dma_wait3A_135 : memref<1x128xi32, #tpu.memory_space<hbm>> -> memref<128xi32, #tpu.memory_space<hbm>>
      tpu.wait_dma2 semaphore(%run_scoped3A_128 : memref<!tpu.dma_semaphore, #tpu.memory_space<semaphore_mem>>) src(%dma_wait3A_136 : memref<128xi32, #tpu.memory_space<hbm>>) dst(%arg6 : memref<128xi32, #tpu.memory_space<vmem>>)
      tpu.yield
    }) : () -> ()
    %add3A_36 = arith.constant 1 : i32
    %add3A_37 = arith.addi %mul3A_2, %add3A_36 : i32
    %mul3A_38 = arith.constant 128 : i32
    %mul3A_39 = arith.muli %add3A_37, %mul3A_38 : i32
    %multiple_of3A_40 = tpu.assume_multiple %mul3A_39, 128 : i32
    %run_scoped3A_41 = arith.constant 1 : i32
    "tpu.region"() ({
      %run_scoped3A_128 = tpu.sem_alloc : memref<!tpu.dma_semaphore, #tpu.memory_space<semaphore_mem>>
      %dma_start3A_129 = tpu.memref_slice %arg2[%run_scoped3A_41, %multiple_of3A_40] : memref<2x320000xi32, #tpu.memory_space<hbm>> -> memref<1x128xi32, #tpu.memory_space<hbm>>
      %dma_start3A_130 = tpu.memref_squeeze %dma_start3A_129 : memref<1x128xi32, #tpu.memory_space<hbm>> -> memref<128xi32, #tpu.memory_space<hbm>>
      %dma_start3A_131 = tpu.memref_slice %arg2[%run_scoped3A_41, %multiple_of3A_40] : memref<2x320000xi32, #tpu.memory_space<hbm>> -> memref<1x128xi32, #tpu.memory_space<hbm>>
      %dma_start3A_132 = tpu.memref_squeeze %dma_start3A_131 : memref<1x128xi32, #tpu.memory_space<hbm>> -> memref<128xi32, #tpu.memory_space<hbm>>
      tpu.enqueue_dma source(%dma_start3A_132 : memref<128xi32, #tpu.memory_space<hbm>>) target(%arg10 : memref<128xi32, #tpu.memory_space<vmem>>) target_semaphore(%run_scoped3A_128 : memref<!tpu.dma_semaphore, #tpu.memory_space<semaphore_mem>>)
      %dma_wait3A_133 = tpu.memref_slice %arg2[%run_scoped3A_41, %multiple_of3A_40] : memref<2x320000xi32, #tpu.memory_space<hbm>> -> memref<1x128xi32, #tpu.memory_space<hbm>>
      %dma_wait3A_134 = tpu.memref_squeeze %dma_wait3A_133 : memref<1x128xi32, #tpu.memory_space<hbm>> -> memref<128xi32, #tpu.memory_space<hbm>>
      %dma_wait3A_135 = tpu.memref_slice %arg2[%run_scoped3A_41, %multiple_of3A_40] : memref<2x320000xi32, #tpu.memory_space<hbm>> -> memref<1x128xi32, #tpu.memory_space<hbm>>
      %dma_wait3A_136 = tpu.memref_squeeze %dma_wait3A_135 : memref<1x128xi32, #tpu.memory_space<hbm>> -> memref<128xi32, #tpu.memory_space<hbm>>
      tpu.wait_dma2 semaphore(%run_scoped3A_128 : memref<!tpu.dma_semaphore, #tpu.memory_space<semaphore_mem>>) src(%dma_wait3A_136 : memref<128xi32, #tpu.memory_space<hbm>>) dst(%arg10 : memref<128xi32, #tpu.memory_space<vmem>>)
      tpu.yield
    }) : () -> ()
    %dma_start3A_42 = arith.constant 1 : i32
    %dma_start3A_43 = arith.constant 0 : i32
    %dma_start3A_44 = arith.constant 0 : i32
    %dma_start3A_45 = tpu.memref_slice %arg13[%dma_start3A_42, %dma_start3A_43, %dma_start3A_44] : memref<2x128x128xf32, #tpu.memory_space<vmem>> -> memref<1x128x128xf32, #tpu.memory_space<vmem>>
    %dma_start3A_46 = tpu.memref_squeeze %dma_start3A_45 : memref<1x128x128xf32, #tpu.memory_space<vmem>> -> memref<128x128xf32, #tpu.memory_space<vmem>>
    %dma_start3A_47 = arith.constant 0 : i32
    %dma_start3A_48 = arith.constant 0 : i32
    %dma_start3A_49 = tpu.memref_slice %arg3[%dma_start3A_47, %dma_start3A_48] : memref<10240x128xf32, #tpu.memory_space<hbm>> -> memref<10240x128xf32, #tpu.memory_space<hbm>>
    tpu.enqueue_indirect_dma source(%dma_start3A_49 : memref<10240x128xf32, #tpu.memory_space<hbm>>) target(%dma_start3A_46 : memref<128x128xf32, #tpu.memory_space<vmem>>) offsets(%arg6 : memref<128xi32, #tpu.memory_space<vmem>>) semaphore(%arg15 : memref<!tpu.dma_semaphore, #tpu.memory_space<semaphore_mem>>)
    %add3A_50 = arith.constant 2 : i32
    %add3A_51 = arith.addi %mul3A_2, %add3A_50 : i32
    %mul3A_52 = arith.constant 128 : i32
    %mul3A_53 = arith.muli %add3A_51, %mul3A_52 : i32
    %multiple_of3A_54 = tpu.assume_multiple %mul3A_53, 128 : i32
    %dma_start3A_55 = arith.constant 0 : i32
    %dma_start3A_56 = tpu.memref_slice %arg2[%dma_start3A_55, %multiple_of3A_54] : memref<2x320000xi32, #tpu.memory_space<hbm>> -> memref<1x128xi32, #tpu.memory_space<hbm>>
    %dma_start3A_57 = tpu.memref_squeeze %dma_start3A_56 : memref<1x128xi32, #tpu.memory_space<hbm>> -> memref<128xi32, #tpu.memory_space<hbm>>
    %dma_start3A_58 = tpu.memref_slice %arg2[%dma_start3A_55, %multiple_of3A_54] : memref<2x320000xi32, #tpu.memory_space<hbm>> -> memref<1x128xi32, #tpu.memory_space<hbm>>
    %dma_start3A_59 = tpu.memref_squeeze %dma_start3A_58 : memref<1x128xi32, #tpu.memory_space<hbm>> -> memref<128xi32, #tpu.memory_space<hbm>>
    tpu.enqueue_dma source(%dma_start3A_59 : memref<128xi32, #tpu.memory_space<hbm>>) target(%arg7 : memref<128xi32, #tpu.memory_space<vmem>>) target_semaphore(%arg18 : memref<!tpu.dma_semaphore, #tpu.memory_space<semaphore_mem>>)
    %add3A_60 = arith.constant 2 : i32
    %add3A_61 = arith.addi %mul3A_2, %add3A_60 : i32
    %mul3A_62 = arith.constant 128 : i32
    %mul3A_63 = arith.muli %add3A_61, %mul3A_62 : i32
    %multiple_of3A_64 = tpu.assume_multiple %mul3A_63, 128 : i32
    %dma_start3A_65 = arith.constant 1 : i32
    %dma_start3A_66 = tpu.memref_slice %arg2[%dma_start3A_65, %multiple_of3A_64] : memref<2x320000xi32, #tpu.memory_space<hbm>> -> memref<1x128xi32, #tpu.memory_space<hbm>>
    %dma_start3A_67 = tpu.memref_squeeze %dma_start3A_66 : memref<1x128xi32, #tpu.memory_space<hbm>> -> memref<128xi32, #tpu.memory_space<hbm>>
    %dma_start3A_68 = tpu.memref_slice %arg2[%dma_start3A_65, %multiple_of3A_64] : memref<2x320000xi32, #tpu.memory_space<hbm>> -> memref<1x128xi32, #tpu.memory_space<hbm>>
    %dma_start3A_69 = tpu.memref_squeeze %dma_start3A_68 : memref<1x128xi32, #tpu.memory_space<hbm>> -> memref<128xi32, #tpu.memory_space<hbm>>
    tpu.enqueue_dma source(%dma_start3A_69 : memref<128xi32, #tpu.memory_space<hbm>>) target(%arg11 : memref<128xi32, #tpu.memory_space<vmem>>) target_semaphore(%arg18 : memref<!tpu.dma_semaphore, #tpu.memory_space<semaphore_mem>>)
    %add3A_70 = arith.constant 3 : i32
    %add3A_71 = arith.addi %mul3A_2, %add3A_70 : i32
    %mul3A_72 = arith.constant 128 : i32
    %mul3A_73 = arith.muli %add3A_71, %mul3A_72 : i32
    %multiple_of3A_74 = tpu.assume_multiple %mul3A_73, 128 : i32
    %dma_start3A_75 = arith.constant 0 : i32
    %dma_start3A_76 = tpu.memref_slice %arg2[%dma_start3A_75, %multiple_of3A_74] : memref<2x320000xi32, #tpu.memory_space<hbm>> -> memref<1x128xi32, #tpu.memory_space<hbm>>
    %dma_start3A_77 = tpu.memref_squeeze %dma_start3A_76 : memref<1x128xi32, #tpu.memory_space<hbm>> -> memref<128xi32, #tpu.memory_space<hbm>>
    %dma_start3A_78 = tpu.memref_slice %arg2[%dma_start3A_75, %multiple_of3A_74] : memref<2x320000xi32, #tpu.memory_space<hbm>> -> memref<1x128xi32, #tpu.memory_space<hbm>>
    %dma_start3A_79 = tpu.memref_squeeze %dma_start3A_78 : memref<1x128xi32, #tpu.memory_space<hbm>> -> memref<128xi32, #tpu.memory_space<hbm>>
    tpu.enqueue_dma source(%dma_start3A_79 : memref<128xi32, #tpu.memory_space<hbm>>) target(%arg8 : memref<128xi32, #tpu.memory_space<vmem>>) target_semaphore(%arg19 : memref<!tpu.dma_semaphore, #tpu.memory_space<semaphore_mem>>)
    %add3A_80 = arith.constant 3 : i32
    %add3A_81 = arith.addi %mul3A_2, %add3A_80 : i32
    %mul3A_82 = arith.constant 128 : i32
    %mul3A_83 = arith.muli %add3A_81, %mul3A_82 : i32
    %multiple_of3A_84 = tpu.assume_multiple %mul3A_83, 128 : i32
    %dma_start3A_85 = arith.constant 1 : i32
    %dma_start3A_86 = tpu.memref_slice %arg2[%dma_start3A_85, %multiple_of3A_84] : memref<2x320000xi32, #tpu.memory_space<hbm>> -> memref<1x128xi32, #tpu.memory_space<hbm>>
    %dma_start3A_87 = tpu.memref_squeeze %dma_start3A_86 : memref<1x128xi32, #tpu.memory_space<hbm>> -> memref<128xi32, #tpu.memory_space<hbm>>
    %dma_start3A_88 = tpu.memref_slice %arg2[%dma_start3A_85, %multiple_of3A_84] : memref<2x320000xi32, #tpu.memory_space<hbm>> -> memref<1x128xi32, #tpu.memory_space<hbm>>
    %dma_start3A_89 = tpu.memref_squeeze %dma_start3A_88 : memref<1x128xi32, #tpu.memory_space<hbm>> -> memref<128xi32, #tpu.memory_space<hbm>>
    tpu.enqueue_dma source(%dma_start3A_89 : memref<128xi32, #tpu.memory_space<hbm>>) target(%arg12 : memref<128xi32, #tpu.memory_space<vmem>>) target_semaphore(%arg19 : memref<!tpu.dma_semaphore, #tpu.memory_space<semaphore_mem>>)
    %scan3A = arith.constant 0 : i32
    %scan3A_90 = arith.constant 0 : i32
    %scan3A_91 = arith.constant 19 : i32
    %scan3A_92 = arith.addi %scan3A_90, %scan3A_91 : i32
    %scan3A_93 = arith.constant 1 : i32
    scf.for %scan3A_128 = %scan3A_90 to %scan3A_92 step %scan3A_93  : i32 {
      %mul3A_129 = arith.constant 4 : i32
      %mul3A_130 = arith.muli %mul3A_129, %scan3A_128 : i32
      %add3A_131 = arith.constant 0 : i32
      %add3A_132 = arith.addi %mul3A_130, %add3A_131 : i32
      %dma_wait3A_133 = arith.constant 0 : i32
      %dma_wait3A_134 = arith.constant 0 : i32
      %dma_wait3A_135 = arith.constant 0 : i32
      %dma_wait3A_136 = tpu.memref_slice %arg13[%dma_wait3A_133, %dma_wait3A_134, %dma_wait3A_135] : memref<2x128x128xf32, #tpu.memory_space<vmem>> -> memref<1x128x128xf32, #tpu.memory_space<vmem>>
      %dma_wait3A_137 = tpu.memref_squeeze %dma_wait3A_136 : memref<1x128x128xf32, #tpu.memory_space<vmem>> -> memref<128x128xf32, #tpu.memory_space<vmem>>
      %dma_wait3A_138 = arith.constant 0 : i32
      %dma_wait3A_139 = arith.constant 0 : i32
      %dma_wait3A_140 = tpu.memref_slice %arg3[%dma_wait3A_138, %dma_wait3A_139] : memref<10240x128xf32, #tpu.memory_space<hbm>> -> memref<10240x128xf32, #tpu.memory_space<hbm>>
      tpu.wait_indirect_dma semaphore(%arg15 : memref<!tpu.dma_semaphore, #tpu.memory_space<semaphore_mem>>) src(%dma_wait3A_140 : memref<10240x128xf32, #tpu.memory_space<hbm>>) dst(%dma_wait3A_137 : memref<128x128xf32, #tpu.memory_space<vmem>>)
      %run_scoped3A_141 = arith.constant 0 : i32
      "tpu.region"() ({
        %run_scoped3A_237 = tpu.sem_alloc : memref<!tpu.dma_semaphore, #tpu.memory_space<semaphore_mem>>
        %dma_start3A_238 = arith.constant 0 : i32
        %dma_start3A_239 = arith.constant 0 : i32
        %dma_start3A_240 = tpu.memref_slice %arg13[%run_scoped3A_141, %dma_start3A_238, %dma_start3A_239] : memref<2x128x128xf32, #tpu.memory_space<vmem>> -> memref<1x128x128xf32, #tpu.memory_space<vmem>>
        %dma_start3A_241 = tpu.memref_squeeze %dma_start3A_240 : memref<1x128x128xf32, #tpu.memory_space<vmem>> -> memref<128x128xf32, #tpu.memory_space<vmem>>
        %dma_start3A_242 = arith.constant 0 : i32
        %dma_start3A_243 = arith.constant 0 : i32
        %dma_start3A_244 = tpu.memref_slice %arg14[%dma_start3A_242, %dma_start3A_243] : memref<10240x128xf32, #tpu.memory_space<vmem_shared>> -> memref<10240x128xf32, #tpu.memory_space<vmem_shared>>
        tpu.enqueue_indirect_dma source(%dma_start3A_241 : memref<128x128xf32, #tpu.memory_space<vmem>>) target(%dma_start3A_244 : memref<10240x128xf32, #tpu.memory_space<vmem_shared>>) offsets(%arg9 : memref<128xi32, #tpu.memory_space<vmem>>) semaphore(%run_scoped3A_237 : memref<!tpu.dma_semaphore, #tpu.memory_space<semaphore_mem>>) {add = true}
        %dma_wait3A_245 = arith.constant 0 : i32
        %dma_wait3A_246 = arith.constant 0 : i32
        %dma_wait3A_247 = tpu.memref_slice %arg13[%run_scoped3A_141, %dma_wait3A_245, %dma_wait3A_246] : memref<2x128x128xf32, #tpu.memory_space<vmem>> -> memref<1x128x128xf32, #tpu.memory_space<vmem>>
        %dma_wait3A_248 = tpu.memref_squeeze %dma_wait3A_247 : memref<1x128x128xf32, #tpu.memory_space<vmem>> -> memref<128x128xf32, #tpu.memory_space<vmem>>
        %dma_wait3A_249 = arith.constant 0 : i32
        %dma_wait3A_250 = arith.constant 0 : i32
        %dma_wait3A_251 = tpu.memref_slice %arg14[%dma_wait3A_249, %dma_wait3A_250] : memref<10240x128xf32, #tpu.memory_space<vmem_shared>> -> memref<10240x128xf32, #tpu.memory_space<vmem_shared>>
        tpu.wait_indirect_dma semaphore(%run_scoped3A_237 : memref<!tpu.dma_semaphore, #tpu.memory_space<semaphore_mem>>) src(%dma_wait3A_248 : memref<128x128xf32, #tpu.memory_space<vmem>>) dst(%dma_wait3A_251 : memref<10240x128xf32, #tpu.memory_space<vmem_shared>>)
        tpu.yield
      }) : () -> ()
      %add3A_142 = arith.constant 2 : i32
      %add3A_143 = arith.addi %add3A_132, %add3A_142 : i32
      %lt3A_144 = arith.constant 78 : i32
      %lt3A_145 = arith.cmpi slt, %add3A_143, %lt3A_144 : i32
      %convert_element_type3A_146 = arith.extui %lt3A_145 : i1 to i32
      %cond3A_147 = arith.constant 0 : i32
      %cond3A_148 = arith.cmpi ne, %convert_element_type3A_146, %cond3A_147 : i32
      scf.if %cond3A_148 {
        %multiple_of3A_237 = arith.constant 0 : i32
        %multiple_of3A_238 = tpu.assume_multiple %multiple_of3A_237, 128 : i32
        %dma_wait3A_239 = arith.constant 0 : i32
        %dma_wait3A_240 = tpu.memref_slice %arg2[%dma_wait3A_239, %multiple_of3A_238] : memref<2x320000xi32, #tpu.memory_space<hbm>> -> memref<1x128xi32, #tpu.memory_space<hbm>>
        %dma_wait3A_241 = tpu.memref_squeeze %dma_wait3A_240 : memref<1x128xi32, #tpu.memory_space<hbm>> -> memref<128xi32, #tpu.memory_space<hbm>>
        %dma_wait3A_242 = tpu.memref_slice %arg2[%dma_wait3A_239, %multiple_of3A_238] : memref<2x320000xi32, #tpu.memory_space<hbm>> -> memref<1x128xi32, #tpu.memory_space<hbm>>
        %dma_wait3A_243 = tpu.memref_squeeze %dma_wait3A_242 : memref<1x128xi32, #tpu.memory_space<hbm>> -> memref<128xi32, #tpu.memory_space<hbm>>
        tpu.wait_dma2 semaphore(%arg18 : memref<!tpu.dma_semaphore, #tpu.memory_space<semaphore_mem>>) src(%dma_wait3A_243 : memref<128xi32, #tpu.memory_space<hbm>>) dst(%arg7 : memref<128xi32, #tpu.memory_space<vmem>>)
        %multiple_of3A_244 = arith.constant 0 : i32
        %multiple_of3A_245 = tpu.assume_multiple %multiple_of3A_244, 128 : i32
        %dma_wait3A_246 = arith.constant 1 : i32
        %dma_wait3A_247 = tpu.memref_slice %arg2[%dma_wait3A_246, %multiple_of3A_245] : memref<2x320000xi32, #tpu.memory_space<hbm>> -> memref<1x128xi32, #tpu.memory_space<hbm>>
        %dma_wait3A_248 = tpu.memref_squeeze %dma_wait3A_247 : memref<1x128xi32, #tpu.memory_space<hbm>> -> memref<128xi32, #tpu.memory_space<hbm>>
        %dma_wait3A_249 = tpu.memref_slice %arg2[%dma_wait3A_246, %multiple_of3A_245] : memref<2x320000xi32, #tpu.memory_space<hbm>> -> memref<1x128xi32, #tpu.memory_space<hbm>>
        %dma_wait3A_250 = tpu.memref_squeeze %dma_wait3A_249 : memref<1x128xi32, #tpu.memory_space<hbm>> -> memref<128xi32, #tpu.memory_space<hbm>>
        tpu.wait_dma2 semaphore(%arg18 : memref<!tpu.dma_semaphore, #tpu.memory_space<semaphore_mem>>) src(%dma_wait3A_250 : memref<128xi32, #tpu.memory_space<hbm>>) dst(%arg11 : memref<128xi32, #tpu.memory_space<vmem>>)
        %dma_start3A_251 = arith.constant 0 : i32
        %dma_start3A_252 = arith.constant 0 : i32
        %dma_start3A_253 = arith.constant 0 : i32
        %dma_start3A_254 = tpu.memref_slice %arg13[%dma_start3A_251, %dma_start3A_252, %dma_start3A_253] : memref<2x128x128xf32, #tpu.memory_space<vmem>> -> memref<1x128x128xf32, #tpu.memory_space<vmem>>
        %dma_start3A_255 = tpu.memref_squeeze %dma_start3A_254 : memref<1x128x128xf32, #tpu.memory_space<vmem>> -> memref<128x128xf32, #tpu.memory_space<vmem>>
        %dma_start3A_256 = arith.constant 0 : i32
        %dma_start3A_257 = arith.constant 0 : i32
        %dma_start3A_258 = tpu.memref_slice %arg3[%dma_start3A_256, %dma_start3A_257] : memref<10240x128xf32, #tpu.memory_space<hbm>> -> memref<10240x128xf32, #tpu.memory_space<hbm>>
        tpu.enqueue_indirect_dma source(%dma_start3A_258 : memref<10240x128xf32, #tpu.memory_space<hbm>>) target(%dma_start3A_255 : memref<128x128xf32, #tpu.memory_space<vmem>>) offsets(%arg7 : memref<128xi32, #tpu.memory_space<vmem>>) semaphore(%arg15 : memref<!tpu.dma_semaphore, #tpu.memory_space<semaphore_mem>>)
      } else {
      }
      %add3A_149 = arith.constant 4 : i32
      %add3A_150 = arith.addi %add3A_132, %add3A_149 : i32
      %lt3A_151 = arith.constant 78 : i32
      %lt3A_152 = arith.cmpi slt, %add3A_150, %lt3A_151 : i32
      %convert_element_type3A_153 = arith.extui %lt3A_152 : i1 to i32
      %cond3A_154 = arith.constant 0 : i32
      %cond3A_155 = arith.cmpi ne, %convert_element_type3A_153, %cond3A_154 : i32
      scf.if %cond3A_155 {
        %add3A_237 = arith.constant 4 : i32
        %add3A_238 = arith.addi %add3A_132, %add3A_237 : i32
        %add3A_239 = arith.addi %mul3A_2, %add3A_238 : i32
        %mul3A_240 = arith.constant 128 : i32
        %mul3A_241 = arith.muli %add3A_239, %mul3A_240 : i32
        %multiple_of3A_242 = tpu.assume_multiple %mul3A_241, 128 : i32
        %dma_start3A_243 = arith.constant 0 : i32
        %dma_start3A_244 = tpu.memref_slice %arg2[%dma_start3A_243, %multiple_of3A_242] : memref<2x320000xi32, #tpu.memory_space<hbm>> -> memref<1x128xi32, #tpu.memory_space<hbm>>
        %dma_start3A_245 = tpu.memref_squeeze %dma_start3A_244 : memref<1x128xi32, #tpu.memory_space<hbm>> -> memref<128xi32, #tpu.memory_space<hbm>>
        %dma_start3A_246 = tpu.memref_slice %arg2[%dma_start3A_243, %multiple_of3A_242] : memref<2x320000xi32, #tpu.memory_space<hbm>> -> memref<1x128xi32, #tpu.memory_space<hbm>>
        %dma_start3A_247 = tpu.memref_squeeze %dma_start3A_246 : memref<1x128xi32, #tpu.memory_space<hbm>> -> memref<128xi32, #tpu.memory_space<hbm>>
        tpu.enqueue_dma source(%dma_start3A_247 : memref<128xi32, #tpu.memory_space<hbm>>) target(%arg5 : memref<128xi32, #tpu.memory_space<vmem>>) target_semaphore(%arg16 : memref<!tpu.dma_semaphore, #tpu.memory_space<semaphore_mem>>)
        %add3A_248 = arith.addi %mul3A_2, %add3A_238 : i32
        %mul3A_249 = arith.constant 128 : i32
        %mul3A_250 = arith.muli %add3A_248, %mul3A_249 : i32
        %multiple_of3A_251 = tpu.assume_multiple %mul3A_250, 128 : i32
        %dma_start3A_252 = arith.constant 1 : i32
        %dma_start3A_253 = tpu.memref_slice %arg2[%dma_start3A_252, %multiple_of3A_251] : memref<2x320000xi32, #tpu.memory_space<hbm>> -> memref<1x128xi32, #tpu.memory_space<hbm>>
        %dma_start3A_254 = tpu.memref_squeeze %dma_start3A_253 : memref<1x128xi32, #tpu.memory_space<hbm>> -> memref<128xi32, #tpu.memory_space<hbm>>
        %dma_start3A_255 = tpu.memref_slice %arg2[%dma_start3A_252, %multiple_of3A_251] : memref<2x320000xi32, #tpu.memory_space<hbm>> -> memref<1x128xi32, #tpu.memory_space<hbm>>
        %dma_start3A_256 = tpu.memref_squeeze %dma_start3A_255 : memref<1x128xi32, #tpu.memory_space<hbm>> -> memref<128xi32, #tpu.memory_space<hbm>>
        tpu.enqueue_dma source(%dma_start3A_256 : memref<128xi32, #tpu.memory_space<hbm>>) target(%arg9 : memref<128xi32, #tpu.memory_space<vmem>>) target_semaphore(%arg16 : memref<!tpu.dma_semaphore, #tpu.memory_space<semaphore_mem>>)
      } else {
      }
      %mul3A_156 = arith.constant 4 : i32
      %mul3A_157 = arith.muli %mul3A_156, %scan3A_128 : i32
      %add3A_158 = arith.constant 1 : i32
      %add3A_159 = arith.addi %mul3A_157, %add3A_158 : i32
      %dma_wait3A_160 = arith.constant 1 : i32
      %dma_wait3A_161 = arith.constant 0 : i32
      %dma_wait3A_162 = arith.constant 0 : i32
      %dma_wait3A_163 = tpu.memref_slice %arg13[%dma_wait3A_160, %dma_wait3A_161, %dma_wait3A_162] : memref<2x128x128xf32, #tpu.memory_space<vmem>> -> memref<1x128x128xf32, #tpu.memory_space<vmem>>
      %dma_wait3A_164 = tpu.memref_squeeze %dma_wait3A_163 : memref<1x128x128xf32, #tpu.memory_space<vmem>> -> memref<128x128xf32, #tpu.memory_space<vmem>>
      %dma_wait3A_165 = arith.constant 0 : i32
      %dma_wait3A_166 = arith.constant 0 : i32
      %dma_wait3A_167 = tpu.memref_slice %arg3[%dma_wait3A_165, %dma_wait3A_166] : memref<10240x128xf32, #tpu.memory_space<hbm>> -> memref<10240x128xf32, #tpu.memory_space<hbm>>
      tpu.wait_indirect_dma semaphore(%arg15 : memref<!tpu.dma_semaphore, #tpu.memory_space<semaphore_mem>>) src(%dma_wait3A_167 : memref<10240x128xf32, #tpu.memory_space<hbm>>) dst(%dma_wait3A_164 : memref<128x128xf32, #tpu.memory_space<vmem>>)
      %run_scoped3A_168 = arith.constant 1 : i32
      "tpu.region"() ({
        %run_scoped3A_237 = tpu.sem_alloc : memref<!tpu.dma_semaphore, #tpu.memory_space<semaphore_mem>>
        %dma_start3A_238 = arith.constant 0 : i32
        %dma_start3A_239 = arith.constant 0 : i32
        %dma_start3A_240 = tpu.memref_slice %arg13[%run_scoped3A_168, %dma_start3A_238, %dma_start3A_239] : memref<2x128x128xf32, #tpu.memory_space<vmem>> -> memref<1x128x128xf32, #tpu.memory_space<vmem>>
        %dma_start3A_241 = tpu.memref_squeeze %dma_start3A_240 : memref<1x128x128xf32, #tpu.memory_space<vmem>> -> memref<128x128xf32, #tpu.memory_space<vmem>>
        %dma_start3A_242 = arith.constant 0 : i32
        %dma_start3A_243 = arith.constant 0 : i32
        %dma_start3A_244 = tpu.memref_slice %arg14[%dma_start3A_242, %dma_start3A_243] : memref<10240x128xf32, #tpu.memory_space<vmem_shared>> -> memref<10240x128xf32, #tpu.memory_space<vmem_shared>>
        tpu.enqueue_indirect_dma source(%dma_start3A_241 : memref<128x128xf32, #tpu.memory_space<vmem>>) target(%dma_start3A_244 : memref<10240x128xf32, #tpu.memory_space<vmem_shared>>) offsets(%arg10 : memref<128xi32, #tpu.memory_space<vmem>>) semaphore(%run_scoped3A_237 : memref<!tpu.dma_semaphore, #tpu.memory_space<semaphore_mem>>) {add = true}
        %dma_wait3A_245 = arith.constant 0 : i32
        %dma_wait3A_246 = arith.constant 0 : i32
        %dma_wait3A_247 = tpu.memref_slice %arg13[%run_scoped3A_168, %dma_wait3A_245, %dma_wait3A_246] : memref<2x128x128xf32, #tpu.memory_space<vmem>> -> memref<1x128x128xf32, #tpu.memory_space<vmem>>
        %dma_wait3A_248 = tpu.memref_squeeze %dma_wait3A_247 : memref<1x128x128xf32, #tpu.memory_space<vmem>> -> memref<128x128xf32, #tpu.memory_space<vmem>>
        %dma_wait3A_249 = arith.constant 0 : i32
        %dma_wait3A_250 = arith.constant 0 : i32
        %dma_wait3A_251 = tpu.memref_slice %arg14[%dma_wait3A_249, %dma_wait3A_250] : memref<10240x128xf32, #tpu.memory_space<vmem_shared>> -> memref<10240x128xf32, #tpu.memory_space<vmem_shared>>
        tpu.wait_indirect_dma semaphore(%run_scoped3A_237 : memref<!tpu.dma_semaphore, #tpu.memory_space<semaphore_mem>>) src(%dma_wait3A_248 : memref<128x128xf32, #tpu.memory_space<vmem>>) dst(%dma_wait3A_251 : memref<10240x128xf32, #tpu.memory_space<vmem_shared>>)
        tpu.yield
      }) : () -> ()
      %add3A_169 = arith.constant 2 : i32
      %add3A_170 = arith.addi %add3A_159, %add3A_169 : i32
      %lt3A_171 = arith.constant 78 : i32
      %lt3A_172 = arith.cmpi slt, %add3A_170, %lt3A_171 : i32
      %convert_element_type3A_173 = arith.extui %lt3A_172 : i1 to i32
      %cond3A_174 = arith.constant 0 : i32
      %cond3A_175 = arith.cmpi ne, %convert_element_type3A_173, %cond3A_174 : i32
      scf.if %cond3A_175 {
        %multiple_of3A_237 = arith.constant 0 : i32
        %multiple_of3A_238 = tpu.assume_multiple %multiple_of3A_237, 128 : i32
        %dma_wait3A_239 = arith.constant 0 : i32
        %dma_wait3A_240 = tpu.memref_slice %arg2[%dma_wait3A_239, %multiple_of3A_238] : memref<2x320000xi32, #tpu.memory_space<hbm>> -> memref<1x128xi32, #tpu.memory_space<hbm>>
        %dma_wait3A_241 = tpu.memref_squeeze %dma_wait3A_240 : memref<1x128xi32, #tpu.memory_space<hbm>> -> memref<128xi32, #tpu.memory_space<hbm>>
        %dma_wait3A_242 = tpu.memref_slice %arg2[%dma_wait3A_239, %multiple_of3A_238] : memref<2x320000xi32, #tpu.memory_space<hbm>> -> memref<1x128xi32, #tpu.memory_space<hbm>>
        %dma_wait3A_243 = tpu.memref_squeeze %dma_wait3A_242 : memref<1x128xi32, #tpu.memory_space<hbm>> -> memref<128xi32, #tpu.memory_space<hbm>>
        tpu.wait_dma2 semaphore(%arg19 : memref<!tpu.dma_semaphore, #tpu.memory_space<semaphore_mem>>) src(%dma_wait3A_243 : memref<128xi32, #tpu.memory_space<hbm>>) dst(%arg8 : memref<128xi32, #tpu.memory_space<vmem>>)
        %multiple_of3A_244 = arith.constant 0 : i32
        %multiple_of3A_245 = tpu.assume_multiple %multiple_of3A_244, 128 : i32
        %dma_wait3A_246 = arith.constant 1 : i32
        %dma_wait3A_247 = tpu.memref_slice %arg2[%dma_wait3A_246, %multiple_of3A_245] : memref<2x320000xi32, #tpu.memory_space<hbm>> -> memref<1x128xi32, #tpu.memory_space<hbm>>
        %dma_wait3A_248 = tpu.memref_squeeze %dma_wait3A_247 : memref<1x128xi32, #tpu.memory_space<hbm>> -> memref<128xi32, #tpu.memory_space<hbm>>
        %dma_wait3A_249 = tpu.memref_slice %arg2[%dma_wait3A_246, %multiple_of3A_245] : memref<2x320000xi32, #tpu.memory_space<hbm>> -> memref<1x128xi32, #tpu.memory_space<hbm>>
        %dma_wait3A_250 = tpu.memref_squeeze %dma_wait3A_249 : memref<1x128xi32, #tpu.memory_space<hbm>> -> memref<128xi32, #tpu.memory_space<hbm>>
        tpu.wait_dma2 semaphore(%arg19 : memref<!tpu.dma_semaphore, #tpu.memory_space<semaphore_mem>>) src(%dma_wait3A_250 : memref<128xi32, #tpu.memory_space<hbm>>) dst(%arg12 : memref<128xi32, #tpu.memory_space<vmem>>)
        %dma_start3A_251 = arith.constant 1 : i32
        %dma_start3A_252 = arith.constant 0 : i32
        %dma_start3A_253 = arith.constant 0 : i32
        %dma_start3A_254 = tpu.memref_slice %arg13[%dma_start3A_251, %dma_start3A_252, %dma_start3A_253] : memref<2x128x128xf32, #tpu.memory_space<vmem>> -> memref<1x128x128xf32, #tpu.memory_space<vmem>>
        %dma_start3A_255 = tpu.memref_squeeze %dma_start3A_254 : memref<1x128x128xf32, #tpu.memory_space<vmem>> -> memref<128x128xf32, #tpu.memory_space<vmem>>
        %dma_start3A_256 = arith.constant 0 : i32
        %dma_start3A_257 = arith.constant 0 : i32
        %dma_start3A_258 = tpu.memref_slice %arg3[%dma_start3A_256, %dma_start3A_257] : memref<10240x128xf32, #tpu.memory_space<hbm>> -> memref<10240x128xf32, #tpu.memory_space<hbm>>
        tpu.enqueue_indirect_dma source(%dma_start3A_258 : memref<10240x128xf32, #tpu.memory_space<hbm>>) target(%dma_start3A_255 : memref<128x128xf32, #tpu.memory_space<vmem>>) offsets(%arg8 : memref<128xi32, #tpu.memory_space<vmem>>) semaphore(%arg15 : memref<!tpu.dma_semaphore, #tpu.memory_space<semaphore_mem>>)
      } else {
      }
      %add3A_176 = arith.constant 4 : i32
      %add3A_177 = arith.addi %add3A_159, %add3A_176 : i32
      %lt3A_178 = arith.constant 78 : i32
      %lt3A_179 = arith.cmpi slt, %add3A_177, %lt3A_178 : i32
      %convert_element_type3A_180 = arith.extui %lt3A_179 : i1 to i32
      %cond3A_181 = arith.constant 0 : i32
      %cond3A_182 = arith.cmpi ne, %convert_element_type3A_180, %cond3A_181 : i32
      scf.if %cond3A_182 {
        %add3A_237 = arith.constant 4 : i32
        %add3A_238 = arith.addi %add3A_159, %add3A_237 : i32
        %add3A_239 = arith.addi %mul3A_2, %add3A_238 : i32
        %mul3A_240 = arith.constant 128 : i32
        %mul3A_241 = arith.muli %add3A_239, %mul3A_240 : i32
        %multiple_of3A_242 = tpu.assume_multiple %mul3A_241, 128 : i32
        %dma_start3A_243 = arith.constant 0 : i32
        %dma_start3A_244 = tpu.memref_slice %arg2[%dma_start3A_243, %multiple_of3A_242] : memref<2x320000xi32, #tpu.memory_space<hbm>> -> memref<1x128xi32, #tpu.memory_space<hbm>>
        %dma_start3A_245 = tpu.memref_squeeze %dma_start3A_244 : memref<1x128xi32, #tpu.memory_space<hbm>> -> memref<128xi32, #tpu.memory_space<hbm>>
        %dma_start3A_246 = tpu.memref_slice %arg2[%dma_start3A_243, %multiple_of3A_242] : memref<2x320000xi32, #tpu.memory_space<hbm>> -> memref<1x128xi32, #tpu.memory_space<hbm>>
        %dma_start3A_247 = tpu.memref_squeeze %dma_start3A_246 : memref<1x128xi32, #tpu.memory_space<hbm>> -> memref<128xi32, #tpu.memory_space<hbm>>
        tpu.enqueue_dma source(%dma_start3A_247 : memref<128xi32, #tpu.memory_space<hbm>>) target(%arg6 : memref<128xi32, #tpu.memory_space<vmem>>) target_semaphore(%arg17 : memref<!tpu.dma_semaphore, #tpu.memory_space<semaphore_mem>>)
        %add3A_248 = arith.addi %mul3A_2, %add3A_238 : i32
        %mul3A_249 = arith.constant 128 : i32
        %mul3A_250 = arith.muli %add3A_248, %mul3A_249 : i32
        %multiple_of3A_251 = tpu.assume_multiple %mul3A_250, 128 : i32
        %dma_start3A_252 = arith.constant 1 : i32
        %dma_start3A_253 = tpu.memref_slice %arg2[%dma_start3A_252, %multiple_of3A_251] : memref<2x320000xi32, #tpu.memory_space<hbm>> -> memref<1x128xi32, #tpu.memory_space<hbm>>
        %dma_start3A_254 = tpu.memref_squeeze %dma_start3A_253 : memref<1x128xi32, #tpu.memory_space<hbm>> -> memref<128xi32, #tpu.memory_space<hbm>>
        %dma_start3A_255 = tpu.memref_slice %arg2[%dma_start3A_252, %multiple_of3A_251] : memref<2x320000xi32, #tpu.memory_space<hbm>> -> memref<1x128xi32, #tpu.memory_space<hbm>>
        %dma_start3A_256 = tpu.memref_squeeze %dma_start3A_255 : memref<1x128xi32, #tpu.memory_space<hbm>> -> memref<128xi32, #tpu.memory_space<hbm>>
        tpu.enqueue_dma source(%dma_start3A_256 : memref<128xi32, #tpu.memory_space<hbm>>) target(%arg10 : memref<128xi32, #tpu.memory_space<vmem>>) target_semaphore(%arg17 : memref<!tpu.dma_semaphore, #tpu.memory_space<semaphore_mem>>)
      } else {
      }
      %mul3A_183 = arith.constant 4 : i32
      %mul3A_184 = arith.muli %mul3A_183, %scan3A_128 : i32
      %add3A_185 = arith.constant 2 : i32
      %add3A_186 = arith.addi %mul3A_184, %add3A_185 : i32
      %dma_wait3A_187 = arith.constant 0 : i32
      %dma_wait3A_188 = arith.constant 0 : i32
      %dma_wait3A_189 = arith.constant 0 : i32
      %dma_wait3A_190 = tpu.memref_slice %arg13[%dma_wait3A_187, %dma_wait3A_188, %dma_wait3A_189] : memref<2x128x128xf32, #tpu.memory_space<vmem>> -> memref<1x128x128xf32, #tpu.memory_space<vmem>>
      %dma_wait3A_191 = tpu.memref_squeeze %dma_wait3A_190 : memref<1x128x128xf32, #tpu.memory_space<vmem>> -> memref<128x128xf32, #tpu.memory_space<vmem>>
      %dma_wait3A_192 = arith.constant 0 : i32
      %dma_wait3A_193 = arith.constant 0 : i32
      %dma_wait3A_194 = tpu.memref_slice %arg3[%dma_wait3A_192, %dma_wait3A_193] : memref<10240x128xf32, #tpu.memory_space<hbm>> -> memref<10240x128xf32, #tpu.memory_space<hbm>>
      tpu.wait_indirect_dma semaphore(%arg15 : memref<!tpu.dma_semaphore, #tpu.memory_space<semaphore_mem>>) src(%dma_wait3A_194 : memref<10240x128xf32, #tpu.memory_space<hbm>>) dst(%dma_wait3A_191 : memref<128x128xf32, #tpu.memory_space<vmem>>)
      %run_scoped3A_195 = arith.constant 0 : i32
      "tpu.region"() ({
        %run_scoped3A_237 = tpu.sem_alloc : memref<!tpu.dma_semaphore, #tpu.memory_space<semaphore_mem>>
        %dma_start3A_238 = arith.constant 0 : i32
        %dma_start3A_239 = arith.constant 0 : i32
        %dma_start3A_240 = tpu.memref_slice %arg13[%run_scoped3A_195, %dma_start3A_238, %dma_start3A_239] : memref<2x128x128xf32, #tpu.memory_space<vmem>> -> memref<1x128x128xf32, #tpu.memory_space<vmem>>
        %dma_start3A_241 = tpu.memref_squeeze %dma_start3A_240 : memref<1x128x128xf32, #tpu.memory_space<vmem>> -> memref<128x128xf32, #tpu.memory_space<vmem>>
        %dma_start3A_242 = arith.constant 0 : i32
        %dma_start3A_243 = arith.constant 0 : i32
        %dma_start3A_244 = tpu.memref_slice %arg14[%dma_start3A_242, %dma_start3A_243] : memref<10240x128xf32, #tpu.memory_space<vmem_shared>> -> memref<10240x128xf32, #tpu.memory_space<vmem_shared>>
        tpu.enqueue_indirect_dma source(%dma_start3A_241 : memref<128x128xf32, #tpu.memory_space<vmem>>) target(%dma_start3A_244 : memref<10240x128xf32, #tpu.memory_space<vmem_shared>>) offsets(%arg11 : memref<128xi32, #tpu.memory_space<vmem>>) semaphore(%run_scoped3A_237 : memref<!tpu.dma_semaphore, #tpu.memory_space<semaphore_mem>>) {add = true}
        %dma_wait3A_245 = arith.constant 0 : i32
        %dma_wait3A_246 = arith.constant 0 : i32
        %dma_wait3A_247 = tpu.memref_slice %arg13[%run_scoped3A_195, %dma_wait3A_245, %dma_wait3A_246] : memref<2x128x128xf32, #tpu.memory_space<vmem>> -> memref<1x128x128xf32, #tpu.memory_space<vmem>>
        %dma_wait3A_248 = tpu.memref_squeeze %dma_wait3A_247 : memref<1x128x128xf32, #tpu.memory_space<vmem>> -> memref<128x128xf32, #tpu.memory_space<vmem>>
        %dma_wait3A_249 = arith.constant 0 : i32
        %dma_wait3A_250 = arith.constant 0 : i32
        %dma_wait3A_251 = tpu.memref_slice %arg14[%dma_wait3A_249, %dma_wait3A_250] : memref<10240x128xf32, #tpu.memory_space<vmem_shared>> -> memref<10240x128xf32, #tpu.memory_space<vmem_shared>>
        tpu.wait_indirect_dma semaphore(%run_scoped3A_237 : memref<!tpu.dma_semaphore, #tpu.memory_space<semaphore_mem>>) src(%dma_wait3A_248 : memref<128x128xf32, #tpu.memory_space<vmem>>) dst(%dma_wait3A_251 : memref<10240x128xf32, #tpu.memory_space<vmem_shared>>)
        tpu.yield
      }) : () -> ()
      %add3A_196 = arith.constant 2 : i32
      %add3A_197 = arith.addi %add3A_186, %add3A_196 : i32
      %lt3A_198 = arith.constant 78 : i32
      %lt3A_199 = arith.cmpi slt, %add3A_197, %lt3A_198 : i32
      %convert_element_type3A_200 = arith.extui %lt3A_199 : i1 to i32
      %cond3A_201 = arith.constant 0 : i32
      %cond3A_202 = arith.cmpi ne, %convert_element_type3A_200, %cond3A_201 : i32
      scf.if %cond3A_202 {
        %multiple_of3A_237 = arith.constant 0 : i32
        %multiple_of3A_238 = tpu.assume_multiple %multiple_of3A_237, 128 : i32
        %dma_wait3A_239 = arith.constant 0 : i32
        %dma_wait3A_240 = tpu.memref_slice %arg2[%dma_wait3A_239, %multiple_of3A_238] : memref<2x320000xi32, #tpu.memory_space<hbm>> -> memref<1x128xi32, #tpu.memory_space<hbm>>
        %dma_wait3A_241 = tpu.memref_squeeze %dma_wait3A_240 : memref<1x128xi32, #tpu.memory_space<hbm>> -> memref<128xi32, #tpu.memory_space<hbm>>
        %dma_wait3A_242 = tpu.memref_slice %arg2[%dma_wait3A_239, %multiple_of3A_238] : memref<2x320000xi32, #tpu.memory_space<hbm>> -> memref<1x128xi32, #tpu.memory_space<hbm>>
        %dma_wait3A_243 = tpu.memref_squeeze %dma_wait3A_242 : memref<1x128xi32, #tpu.memory_space<hbm>> -> memref<128xi32, #tpu.memory_space<hbm>>
        tpu.wait_dma2 semaphore(%arg16 : memref<!tpu.dma_semaphore, #tpu.memory_space<semaphore_mem>>) src(%dma_wait3A_243 : memref<128xi32, #tpu.memory_space<hbm>>) dst(%arg5 : memref<128xi32, #tpu.memory_space<vmem>>)
        %multiple_of3A_244 = arith.constant 0 : i32
        %multiple_of3A_245 = tpu.assume_multiple %multiple_of3A_244, 128 : i32
        %dma_wait3A_246 = arith.constant 1 : i32
        %dma_wait3A_247 = tpu.memref_slice %arg2[%dma_wait3A_246, %multiple_of3A_245] : memref<2x320000xi32, #tpu.memory_space<hbm>> -> memref<1x128xi32, #tpu.memory_space<hbm>>
        %dma_wait3A_248 = tpu.memref_squeeze %dma_wait3A_247 : memref<1x128xi32, #tpu.memory_space<hbm>> -> memref<128xi32, #tpu.memory_space<hbm>>
        %dma_wait3A_249 = tpu.memref_slice %arg2[%dma_wait3A_246, %multiple_of3A_245] : memref<2x320000xi32, #tpu.memory_space<hbm>> -> memref<1x128xi32, #tpu.memory_space<hbm>>
        %dma_wait3A_250 = tpu.memref_squeeze %dma_wait3A_249 : memref<1x128xi32, #tpu.memory_space<hbm>> -> memref<128xi32, #tpu.memory_space<hbm>>
        tpu.wait_dma2 semaphore(%arg16 : memref<!tpu.dma_semaphore, #tpu.memory_space<semaphore_mem>>) src(%dma_wait3A_250 : memref<128xi32, #tpu.memory_space<hbm>>) dst(%arg9 : memref<128xi32, #tpu.memory_space<vmem>>)
        %dma_start3A_251 = arith.constant 0 : i32
        %dma_start3A_252 = arith.constant 0 : i32
        %dma_start3A_253 = arith.constant 0 : i32
        %dma_start3A_254 = tpu.memref_slice %arg13[%dma_start3A_251, %dma_start3A_252, %dma_start3A_253] : memref<2x128x128xf32, #tpu.memory_space<vmem>> -> memref<1x128x128xf32, #tpu.memory_space<vmem>>
        %dma_start3A_255 = tpu.memref_squeeze %dma_start3A_254 : memref<1x128x128xf32, #tpu.memory_space<vmem>> -> memref<128x128xf32, #tpu.memory_space<vmem>>
        %dma_start3A_256 = arith.constant 0 : i32
        %dma_start3A_257 = arith.constant 0 : i32
        %dma_start3A_258 = tpu.memref_slice %arg3[%dma_start3A_256, %dma_start3A_257] : memref<10240x128xf32, #tpu.memory_space<hbm>> -> memref<10240x128xf32, #tpu.memory_space<hbm>>
        tpu.enqueue_indirect_dma source(%dma_start3A_258 : memref<10240x128xf32, #tpu.memory_space<hbm>>) target(%dma_start3A_255 : memref<128x128xf32, #tpu.memory_space<vmem>>) offsets(%arg5 : memref<128xi32, #tpu.memory_space<vmem>>) semaphore(%arg15 : memref<!tpu.dma_semaphore, #tpu.memory_space<semaphore_mem>>)
      } else {
      }
      %add3A_203 = arith.constant 4 : i32
      %add3A_204 = arith.addi %add3A_186, %add3A_203 : i32
      %lt3A_205 = arith.constant 78 : i32
      %lt3A_206 = arith.cmpi slt, %add3A_204, %lt3A_205 : i32
      %convert_element_type3A_207 = arith.extui %lt3A_206 : i1 to i32
      %cond3A_208 = arith.constant 0 : i32
      %cond3A_209 = arith.cmpi ne, %convert_element_type3A_207, %cond3A_208 : i32
      scf.if %cond3A_209 {
        %add3A_237 = arith.constant 4 : i32
        %add3A_238 = arith.addi %add3A_186, %add3A_237 : i32
        %add3A_239 = arith.addi %mul3A_2, %add3A_238 : i32
        %mul3A_240 = arith.constant 128 : i32
        %mul3A_241 = arith.muli %add3A_239, %mul3A_240 : i32
        %multiple_of3A_242 = tpu.assume_multiple %mul3A_241, 128 : i32
        %dma_start3A_243 = arith.constant 0 : i32
        %dma_start3A_244 = tpu.memref_slice %arg2[%dma_start3A_243, %multiple_of3A_242] : memref<2x320000xi32, #tpu.memory_space<hbm>> -> memref<1x128xi32, #tpu.memory_space<hbm>>
        %dma_start3A_245 = tpu.memref_squeeze %dma_start3A_244 : memref<1x128xi32, #tpu.memory_space<hbm>> -> memref<128xi32, #tpu.memory_space<hbm>>
        %dma_start3A_246 = tpu.memref_slice %arg2[%dma_start3A_243, %multiple_of3A_242] : memref<2x320000xi32, #tpu.memory_space<hbm>> -> memref<1x128xi32, #tpu.memory_space<hbm>>
        %dma_start3A_247 = tpu.memref_squeeze %dma_start3A_246 : memref<1x128xi32, #tpu.memory_space<hbm>> -> memref<128xi32, #tpu.memory_space<hbm>>
        tpu.enqueue_dma source(%dma_start3A_247 : memref<128xi32, #tpu.memory_space<hbm>>) target(%arg7 : memref<128xi32, #tpu.memory_space<vmem>>) target_semaphore(%arg18 : memref<!tpu.dma_semaphore, #tpu.memory_space<semaphore_mem>>)
        %add3A_248 = arith.addi %mul3A_2, %add3A_238 : i32
        %mul3A_249 = arith.constant 128 : i32
        %mul3A_250 = arith.muli %add3A_248, %mul3A_249 : i32
        %multiple_of3A_251 = tpu.assume_multiple %mul3A_250, 128 : i32
        %dma_start3A_252 = arith.constant 1 : i32
        %dma_start3A_253 = tpu.memref_slice %arg2[%dma_start3A_252, %multiple_of3A_251] : memref<2x320000xi32, #tpu.memory_space<hbm>> -> memref<1x128xi32, #tpu.memory_space<hbm>>
        %dma_start3A_254 = tpu.memref_squeeze %dma_start3A_253 : memref<1x128xi32, #tpu.memory_space<hbm>> -> memref<128xi32, #tpu.memory_space<hbm>>
        %dma_start3A_255 = tpu.memref_slice %arg2[%dma_start3A_252, %multiple_of3A_251] : memref<2x320000xi32, #tpu.memory_space<hbm>> -> memref<1x128xi32, #tpu.memory_space<hbm>>
        %dma_start3A_256 = tpu.memref_squeeze %dma_start3A_255 : memref<1x128xi32, #tpu.memory_space<hbm>> -> memref<128xi32, #tpu.memory_space<hbm>>
        tpu.enqueue_dma source(%dma_start3A_256 : memref<128xi32, #tpu.memory_space<hbm>>) target(%arg11 : memref<128xi32, #tpu.memory_space<vmem>>) target_semaphore(%arg18 : memref<!tpu.dma_semaphore, #tpu.memory_space<semaphore_mem>>)
      } else {
      }
      %mul3A_210 = arith.constant 4 : i32
      %mul3A_211 = arith.muli %mul3A_210, %scan3A_128 : i32
      %add3A_212 = arith.constant 3 : i32
      %add3A_213 = arith.addi %mul3A_211, %add3A_212 : i32
      %dma_wait3A_214 = arith.constant 1 : i32
      %dma_wait3A_215 = arith.constant 0 : i32
      %dma_wait3A_216 = arith.constant 0 : i32
      %dma_wait3A_217 = tpu.memref_slice %arg13[%dma_wait3A_214, %dma_wait3A_215, %dma_wait3A_216] : memref<2x128x128xf32, #tpu.memory_space<vmem>> -> memref<1x128x128xf32, #tpu.memory_space<vmem>>
      %dma_wait3A_218 = tpu.memref_squeeze %dma_wait3A_217 : memref<1x128x128xf32, #tpu.memory_space<vmem>> -> memref<128x128xf32, #tpu.memory_space<vmem>>
      %dma_wait3A_219 = arith.constant 0 : i32
      %dma_wait3A_220 = arith.constant 0 : i32
      %dma_wait3A_221 = tpu.memref_slice %arg3[%dma_wait3A_219, %dma_wait3A_220] : memref<10240x128xf32, #tpu.memory_space<hbm>> -> memref<10240x128xf32, #tpu.memory_space<hbm>>
      tpu.wait_indirect_dma semaphore(%arg15 : memref<!tpu.dma_semaphore, #tpu.memory_space<semaphore_mem>>) src(%dma_wait3A_221 : memref<10240x128xf32, #tpu.memory_space<hbm>>) dst(%dma_wait3A_218 : memref<128x128xf32, #tpu.memory_space<vmem>>)
      %run_scoped3A_222 = arith.constant 1 : i32
      "tpu.region"() ({
        %run_scoped3A_237 = tpu.sem_alloc : memref<!tpu.dma_semaphore, #tpu.memory_space<semaphore_mem>>
        %dma_start3A_238 = arith.constant 0 : i32
        %dma_start3A_239 = arith.constant 0 : i32
        %dma_start3A_240 = tpu.memref_slice %arg13[%run_scoped3A_222, %dma_start3A_238, %dma_start3A_239] : memref<2x128x128xf32, #tpu.memory_space<vmem>> -> memref<1x128x128xf32, #tpu.memory_space<vmem>>
        %dma_start3A_241 = tpu.memref_squeeze %dma_start3A_240 : memref<1x128x128xf32, #tpu.memory_space<vmem>> -> memref<128x128xf32, #tpu.memory_space<vmem>>
        %dma_start3A_242 = arith.constant 0 : i32
        %dma_start3A_243 = arith.constant 0 : i32
        %dma_start3A_244 = tpu.memref_slice %arg14[%dma_start3A_242, %dma_start3A_243] : memref<10240x128xf32, #tpu.memory_space<vmem_shared>> -> memref<10240x128xf32, #tpu.memory_space<vmem_shared>>
        tpu.enqueue_indirect_dma source(%dma_start3A_241 : memref<128x128xf32, #tpu.memory_space<vmem>>) target(%dma_start3A_244 : memref<10240x128xf32, #tpu.memory_space<vmem_shared>>) offsets(%arg12 : memref<128xi32, #tpu.memory_space<vmem>>) semaphore(%run_scoped3A_237 : memref<!tpu.dma_semaphore, #tpu.memory_space<semaphore_mem>>) {add = true}
        %dma_wait3A_245 = arith.constant 0 : i32
        %dma_wait3A_246 = arith.constant 0 : i32
        %dma_wait3A_247 = tpu.memref_slice %arg13[%run_scoped3A_222, %dma_wait3A_245, %dma_wait3A_246] : memref<2x128x128xf32, #tpu.memory_space<vmem>> -> memref<1x128x128xf32, #tpu.memory_space<vmem>>
        %dma_wait3A_248 = tpu.memref_squeeze %dma_wait3A_247 : memref<1x128x128xf32, #tpu.memory_space<vmem>> -> memref<128x128xf32, #tpu.memory_space<vmem>>
        %dma_wait3A_249 = arith.constant 0 : i32
        %dma_wait3A_250 = arith.constant 0 : i32
        %dma_wait3A_251 = tpu.memref_slice %arg14[%dma_wait3A_249, %dma_wait3A_250] : memref<10240x128xf32, #tpu.memory_space<vmem_shared>> -> memref<10240x128xf32, #tpu.memory_space<vmem_shared>>
        tpu.wait_indirect_dma semaphore(%run_scoped3A_237 : memref<!tpu.dma_semaphore, #tpu.memory_space<semaphore_mem>>) src(%dma_wait3A_248 : memref<128x128xf32, #tpu.memory_space<vmem>>) dst(%dma_wait3A_251 : memref<10240x128xf32, #tpu.memory_space<vmem_shared>>)
        tpu.yield
      }) : () -> ()
      %add3A_223 = arith.constant 2 : i32
      %add3A_224 = arith.addi %add3A_213, %add3A_223 : i32
      %lt3A_225 = arith.constant 78 : i32
      %lt3A_226 = arith.cmpi slt, %add3A_224, %lt3A_225 : i32
      %convert_element_type3A_227 = arith.extui %lt3A_226 : i1 to i32
      %cond3A_228 = arith.constant 0 : i32
      %cond3A_229 = arith.cmpi ne, %convert_element_type3A_227, %cond3A_228 : i32
      scf.if %cond3A_229 {
        %multiple_of3A_237 = arith.constant 0 : i32
        %multiple_of3A_238 = tpu.assume_multiple %multiple_of3A_237, 128 : i32
        %dma_wait3A_239 = arith.constant 0 : i32
        %dma_wait3A_240 = tpu.memref_slice %arg2[%dma_wait3A_239, %multiple_of3A_238] : memref<2x320000xi32, #tpu.memory_space<hbm>> -> memref<1x128xi32, #tpu.memory_space<hbm>>
        %dma_wait3A_241 = tpu.memref_squeeze %dma_wait3A_240 : memref<1x128xi32, #tpu.memory_space<hbm>> -> memref<128xi32, #tpu.memory_space<hbm>>
        %dma_wait3A_242 = tpu.memref_slice %arg2[%dma_wait3A_239, %multiple_of3A_238] : memref<2x320000xi32, #tpu.memory_space<hbm>> -> memref<1x128xi32, #tpu.memory_space<hbm>>
        %dma_wait3A_243 = tpu.memref_squeeze %dma_wait3A_242 : memref<1x128xi32, #tpu.memory_space<hbm>> -> memref<128xi32, #tpu.memory_space<hbm>>
        tpu.wait_dma2 semaphore(%arg17 : memref<!tpu.dma_semaphore, #tpu.memory_space<semaphore_mem>>) src(%dma_wait3A_243 : memref<128xi32, #tpu.memory_space<hbm>>) dst(%arg6 : memref<128xi32, #tpu.memory_space<vmem>>)
        %multiple_of3A_244 = arith.constant 0 : i32
        %multiple_of3A_245 = tpu.assume_multiple %multiple_of3A_244, 128 : i32
        %dma_wait3A_246 = arith.constant 1 : i32
        %dma_wait3A_247 = tpu.memref_slice %arg2[%dma_wait3A_246, %multiple_of3A_245] : memref<2x320000xi32, #tpu.memory_space<hbm>> -> memref<1x128xi32, #tpu.memory_space<hbm>>
        %dma_wait3A_248 = tpu.memref_squeeze %dma_wait3A_247 : memref<1x128xi32, #tpu.memory_space<hbm>> -> memref<128xi32, #tpu.memory_space<hbm>>
        %dma_wait3A_249 = tpu.memref_slice %arg2[%dma_wait3A_246, %multiple_of3A_245] : memref<2x320000xi32, #tpu.memory_space<hbm>> -> memref<1x128xi32, #tpu.memory_space<hbm>>
        %dma_wait3A_250 = tpu.memref_squeeze %dma_wait3A_249 : memref<1x128xi32, #tpu.memory_space<hbm>> -> memref<128xi32, #tpu.memory_space<hbm>>
        tpu.wait_dma2 semaphore(%arg17 : memref<!tpu.dma_semaphore, #tpu.memory_space<semaphore_mem>>) src(%dma_wait3A_250 : memref<128xi32, #tpu.memory_space<hbm>>) dst(%arg10 : memref<128xi32, #tpu.memory_space<vmem>>)
        %dma_start3A_251 = arith.constant 1 : i32
        %dma_start3A_252 = arith.constant 0 : i32
        %dma_start3A_253 = arith.constant 0 : i32
        %dma_start3A_254 = tpu.memref_slice %arg13[%dma_start3A_251, %dma_start3A_252, %dma_start3A_253] : memref<2x128x128xf32, #tpu.memory_space<vmem>> -> memref<1x128x128xf32, #tpu.memory_space<vmem>>
        %dma_start3A_255 = tpu.memref_squeeze %dma_start3A_254 : memref<1x128x128xf32, #tpu.memory_space<vmem>> -> memref<128x128xf32, #tpu.memory_space<vmem>>
        %dma_start3A_256 = arith.constant 0 : i32
        %dma_start3A_257 = arith.constant 0 : i32
        %dma_start3A_258 = tpu.memref_slice %arg3[%dma_start3A_256, %dma_start3A_257] : memref<10240x128xf32, #tpu.memory_space<hbm>> -> memref<10240x128xf32, #tpu.memory_space<hbm>>
        tpu.enqueue_indirect_dma source(%dma_start3A_258 : memref<10240x128xf32, #tpu.memory_space<hbm>>) target(%dma_start3A_255 : memref<128x128xf32, #tpu.memory_space<vmem>>) offsets(%arg6 : memref<128xi32, #tpu.memory_space<vmem>>) semaphore(%arg15 : memref<!tpu.dma_semaphore, #tpu.memory_space<semaphore_mem>>)
      } else {
      }
      %add3A_230 = arith.constant 4 : i32
      %add3A_231 = arith.addi %add3A_213, %add3A_230 : i32
      %lt3A_232 = arith.constant 78 : i32
      %lt3A_233 = arith.cmpi slt, %add3A_231, %lt3A_232 : i32
      %convert_element_type3A_234 = arith.extui %lt3A_233 : i1 to i32
      %cond3A_235 = arith.constant 0 : i32
      %cond3A_236 = arith.cmpi ne, %convert_element_type3A_234, %cond3A_235 : i32
      scf.if %cond3A_236 {
        %add3A_237 = arith.constant 4 : i32
        %add3A_238 = arith.addi %add3A_213, %add3A_237 : i32
        %add3A_239 = arith.addi %mul3A_2, %add3A_238 : i32
        %mul3A_240 = arith.constant 128 : i32
        %mul3A_241 = arith.muli %add3A_239, %mul3A_240 : i32
        %multiple_of3A_242 = tpu.assume_multiple %mul3A_241, 128 : i32
        %dma_start3A_243 = arith.constant 0 : i32
        %dma_start3A_244 = tpu.memref_slice %arg2[%dma_start3A_243, %multiple_of3A_242] : memref<2x320000xi32, #tpu.memory_space<hbm>> -> memref<1x128xi32, #tpu.memory_space<hbm>>
        %dma_start3A_245 = tpu.memref_squeeze %dma_start3A_244 : memref<1x128xi32, #tpu.memory_space<hbm>> -> memref<128xi32, #tpu.memory_space<hbm>>
        %dma_start3A_246 = tpu.memref_slice %arg2[%dma_start3A_243, %multiple_of3A_242] : memref<2x320000xi32, #tpu.memory_space<hbm>> -> memref<1x128xi32, #tpu.memory_space<hbm>>
        %dma_start3A_247 = tpu.memref_squeeze %dma_start3A_246 : memref<1x128xi32, #tpu.memory_space<hbm>> -> memref<128xi32, #tpu.memory_space<hbm>>
        tpu.enqueue_dma source(%dma_start3A_247 : memref<128xi32, #tpu.memory_space<hbm>>) target(%arg8 : memref<128xi32, #tpu.memory_space<vmem>>) target_semaphore(%arg19 : memref<!tpu.dma_semaphore, #tpu.memory_space<semaphore_mem>>)
        %add3A_248 = arith.addi %mul3A_2, %add3A_238 : i32
        %mul3A_249 = arith.constant 128 : i32
        %mul3A_250 = arith.muli %add3A_248, %mul3A_249 : i32
        %multiple_of3A_251 = tpu.assume_multiple %mul3A_250, 128 : i32
        %dma_start3A_252 = arith.constant 1 : i32
        %dma_start3A_253 = tpu.memref_slice %arg2[%dma_start3A_252, %multiple_of3A_251] : memref<2x320000xi32, #tpu.memory_space<hbm>> -> memref<1x128xi32, #tpu.memory_space<hbm>>
        %dma_start3A_254 = tpu.memref_squeeze %dma_start3A_253 : memref<1x128xi32, #tpu.memory_space<hbm>> -> memref<128xi32, #tpu.memory_space<hbm>>
        %dma_start3A_255 = tpu.memref_slice %arg2[%dma_start3A_252, %multiple_of3A_251] : memref<2x320000xi32, #tpu.memory_space<hbm>> -> memref<1x128xi32, #tpu.memory_space<hbm>>
        %dma_start3A_256 = tpu.memref_squeeze %dma_start3A_255 : memref<1x128xi32, #tpu.memory_space<hbm>> -> memref<128xi32, #tpu.memory_space<hbm>>
        tpu.enqueue_dma source(%dma_start3A_256 : memref<128xi32, #tpu.memory_space<hbm>>) target(%arg12 : memref<128xi32, #tpu.memory_space<vmem>>) target_semaphore(%arg19 : memref<!tpu.dma_semaphore, #tpu.memory_space<semaphore_mem>>)
      } else {
      }
    }
    %scan3A_94 = arith.constant 19 : i32
    %dma_wait3A = arith.constant 0 : i32
    %dma_wait3A_95 = arith.constant 0 : i32
    %dma_wait3A_96 = arith.constant 0 : i32
    %dma_wait3A_97 = tpu.memref_slice %arg13[%dma_wait3A, %dma_wait3A_95, %dma_wait3A_96] : memref<2x128x128xf32, #tpu.memory_space<vmem>> -> memref<1x128x128xf32, #tpu.memory_space<vmem>>
    %dma_wait3A_98 = tpu.memref_squeeze %dma_wait3A_97 : memref<1x128x128xf32, #tpu.memory_space<vmem>> -> memref<128x128xf32, #tpu.memory_space<vmem>>
    %dma_wait3A_99 = arith.constant 0 : i32
    %dma_wait3A_100 = arith.constant 0 : i32
    %dma_wait3A_101 = tpu.memref_slice %arg3[%dma_wait3A_99, %dma_wait3A_100] : memref<10240x128xf32, #tpu.memory_space<hbm>> -> memref<10240x128xf32, #tpu.memory_space<hbm>>
    tpu.wait_indirect_dma semaphore(%arg15 : memref<!tpu.dma_semaphore, #tpu.memory_space<semaphore_mem>>) src(%dma_wait3A_101 : memref<10240x128xf32, #tpu.memory_space<hbm>>) dst(%dma_wait3A_98 : memref<128x128xf32, #tpu.memory_space<vmem>>)
    %run_scoped3A_102 = arith.constant 0 : i32
    "tpu.region"() ({
      %run_scoped3A_128 = tpu.sem_alloc : memref<!tpu.dma_semaphore, #tpu.memory_space<semaphore_mem>>
      %dma_start3A_129 = arith.constant 0 : i32
      %dma_start3A_130 = arith.constant 0 : i32
      %dma_start3A_131 = tpu.memref_slice %arg13[%run_scoped3A_102, %dma_start3A_129, %dma_start3A_130] : memref<2x128x128xf32, #tpu.memory_space<vmem>> -> memref<1x128x128xf32, #tpu.memory_space<vmem>>
      %dma_start3A_132 = tpu.memref_squeeze %dma_start3A_131 : memref<1x128x128xf32, #tpu.memory_space<vmem>> -> memref<128x128xf32, #tpu.memory_space<vmem>>
      %dma_start3A_133 = arith.constant 0 : i32
      %dma_start3A_134 = arith.constant 0 : i32
      %dma_start3A_135 = tpu.memref_slice %arg14[%dma_start3A_133, %dma_start3A_134] : memref<10240x128xf32, #tpu.memory_space<vmem_shared>> -> memref<10240x128xf32, #tpu.memory_space<vmem_shared>>
      tpu.enqueue_indirect_dma source(%dma_start3A_132 : memref<128x128xf32, #tpu.memory_space<vmem>>) target(%dma_start3A_135 : memref<10240x128xf32, #tpu.memory_space<vmem_shared>>) offsets(%arg9 : memref<128xi32, #tpu.memory_space<vmem>>) semaphore(%run_scoped3A_128 : memref<!tpu.dma_semaphore, #tpu.memory_space<semaphore_mem>>) {add = true}
      %dma_wait3A_136 = arith.constant 0 : i32
      %dma_wait3A_137 = arith.constant 0 : i32
      %dma_wait3A_138 = tpu.memref_slice %arg13[%run_scoped3A_102, %dma_wait3A_136, %dma_wait3A_137] : memref<2x128x128xf32, #tpu.memory_space<vmem>> -> memref<1x128x128xf32, #tpu.memory_space<vmem>>
      %dma_wait3A_139 = tpu.memref_squeeze %dma_wait3A_138 : memref<1x128x128xf32, #tpu.memory_space<vmem>> -> memref<128x128xf32, #tpu.memory_space<vmem>>
      %dma_wait3A_140 = arith.constant 0 : i32
      %dma_wait3A_141 = arith.constant 0 : i32
      %dma_wait3A_142 = tpu.memref_slice %arg14[%dma_wait3A_140, %dma_wait3A_141] : memref<10240x128xf32, #tpu.memory_space<vmem_shared>> -> memref<10240x128xf32, #tpu.memory_space<vmem_shared>>
      tpu.wait_indirect_dma semaphore(%run_scoped3A_128 : memref<!tpu.dma_semaphore, #tpu.memory_space<semaphore_mem>>) src(%dma_wait3A_139 : memref<128x128xf32, #tpu.memory_space<vmem>>) dst(%dma_wait3A_142 : memref<10240x128xf32, #tpu.memory_space<vmem_shared>>)
      tpu.yield
    }) : () -> ()
    %dma_wait3A_103 = arith.constant 1 : i32
    %dma_wait3A_104 = arith.constant 0 : i32
    %dma_wait3A_105 = arith.constant 0 : i32
    %dma_wait3A_106 = tpu.memref_slice %arg13[%dma_wait3A_103, %dma_wait3A_104, %dma_wait3A_105] : memref<2x128x128xf32, #tpu.memory_space<vmem>> -> memref<1x128x128xf32, #tpu.memory_space<vmem>>
    %dma_wait3A_107 = tpu.memref_squeeze %dma_wait3A_106 : memref<1x128x128xf32, #tpu.memory_space<vmem>> -> memref<128x128xf32, #tpu.memory_space<vmem>>
    %dma_wait3A_108 = arith.constant 0 : i32
    %dma_wait3A_109 = arith.constant 0 : i32
    %dma_wait3A_110 = tpu.memref_slice %arg3[%dma_wait3A_108, %dma_wait3A_109] : memref<10240x128xf32, #tpu.memory_space<hbm>> -> memref<10240x128xf32, #tpu.memory_space<hbm>>
    tpu.wait_indirect_dma semaphore(%arg15 : memref<!tpu.dma_semaphore, #tpu.memory_space<semaphore_mem>>) src(%dma_wait3A_110 : memref<10240x128xf32, #tpu.memory_space<hbm>>) dst(%dma_wait3A_107 : memref<128x128xf32, #tpu.memory_space<vmem>>)
    %run_scoped3A_111 = arith.constant 1 : i32
    "tpu.region"() ({
      %run_scoped3A_128 = tpu.sem_alloc : memref<!tpu.dma_semaphore, #tpu.memory_space<semaphore_mem>>
      %dma_start3A_129 = arith.constant 0 : i32
      %dma_start3A_130 = arith.constant 0 : i32
      %dma_start3A_131 = tpu.memref_slice %arg13[%run_scoped3A_111, %dma_start3A_129, %dma_start3A_130] : memref<2x128x128xf32, #tpu.memory_space<vmem>> -> memref<1x128x128xf32, #tpu.memory_space<vmem>>
      %dma_start3A_132 = tpu.memref_squeeze %dma_start3A_131 : memref<1x128x128xf32, #tpu.memory_space<vmem>> -> memref<128x128xf32, #tpu.memory_space<vmem>>
      %dma_start3A_133 = arith.constant 0 : i32
      %dma_start3A_134 = arith.constant 0 : i32
      %dma_start3A_135 = tpu.memref_slice %arg14[%dma_start3A_133, %dma_start3A_134] : memref<10240x128xf32, #tpu.memory_space<vmem_shared>> -> memref<10240x128xf32, #tpu.memory_space<vmem_shared>>
      tpu.enqueue_indirect_dma source(%dma_start3A_132 : memref<128x128xf32, #tpu.memory_space<vmem>>) target(%dma_start3A_135 : memref<10240x128xf32, #tpu.memory_space<vmem_shared>>) offsets(%arg10 : memref<128xi32, #tpu.memory_space<vmem>>) semaphore(%run_scoped3A_128 : memref<!tpu.dma_semaphore, #tpu.memory_space<semaphore_mem>>) {add = true}
      %dma_wait3A_136 = arith.constant 0 : i32
      %dma_wait3A_137 = arith.constant 0 : i32
      %dma_wait3A_138 = tpu.memref_slice %arg13[%run_scoped3A_111, %dma_wait3A_136, %dma_wait3A_137] : memref<2x128x128xf32, #tpu.memory_space<vmem>> -> memref<1x128x128xf32, #tpu.memory_space<vmem>>
      %dma_wait3A_139 = tpu.memref_squeeze %dma_wait3A_138 : memref<1x128x128xf32, #tpu.memory_space<vmem>> -> memref<128x128xf32, #tpu.memory_space<vmem>>
      %dma_wait3A_140 = arith.constant 0 : i32
      %dma_wait3A_141 = arith.constant 0 : i32
      %dma_wait3A_142 = tpu.memref_slice %arg14[%dma_wait3A_140, %dma_wait3A_141] : memref<10240x128xf32, #tpu.memory_space<vmem_shared>> -> memref<10240x128xf32, #tpu.memory_space<vmem_shared>>
      tpu.wait_indirect_dma semaphore(%run_scoped3A_128 : memref<!tpu.dma_semaphore, #tpu.memory_space<semaphore_mem>>) src(%dma_wait3A_139 : memref<128x128xf32, #tpu.memory_space<vmem>>) dst(%dma_wait3A_142 : memref<10240x128xf32, #tpu.memory_space<vmem_shared>>)
      tpu.yield
    }) : () -> ()
    %mul3A_112 = arith.constant 2 : i32
    %mul3A_113 = arith.muli %arg1, %mul3A_112 : i32
    %add3A_114 = arith.addi %mul3A_113, %arg0 : i32
    %lt3A_115 = arith.constant 4 : i32
    %lt3A_116 = arith.cmpi slt, %add3A_114, %lt3A_115 : i32
    %convert_element_type3A_117 = arith.extui %lt3A_116 : i1 to i32
    %cond3A_118 = arith.constant 0 : i32
    %cond3A_119 = arith.cmpi ne, %convert_element_type3A_117, %cond3A_118 : i32
    scf.if %cond3A_119 {
      %mul3A_128 = arith.constant 2 : i32
      %mul3A_129 = arith.muli %arg1, %mul3A_128 : i32
      %add3A_130 = arith.constant 2496 : i32
      %add3A_131 = arith.addi %add3A_130, %mul3A_129 : i32
      %add3A_132 = arith.addi %add3A_131, %arg0 : i32
      %mul3A_133 = arith.constant 128 : i32
      %mul3A_134 = arith.muli %add3A_132, %mul3A_133 : i32
      %multiple_of3A_135 = tpu.assume_multiple %mul3A_134, 128 : i32
      %run_scoped3A_136 = arith.constant 0 : i32
      "tpu.region"() ({
        %run_scoped3A_158 = tpu.sem_alloc : memref<!tpu.dma_semaphore, #tpu.memory_space<semaphore_mem>>
        %dma_start3A_159 = tpu.memref_slice %arg2[%run_scoped3A_136, %multiple_of3A_135] : memref<2x320000xi32, #tpu.memory_space<hbm>> -> memref<1x128xi32, #tpu.memory_space<hbm>>
        %dma_start3A_160 = tpu.memref_squeeze %dma_start3A_159 : memref<1x128xi32, #tpu.memory_space<hbm>> -> memref<128xi32, #tpu.memory_space<hbm>>
        %dma_start3A_161 = tpu.memref_slice %arg2[%run_scoped3A_136, %multiple_of3A_135] : memref<2x320000xi32, #tpu.memory_space<hbm>> -> memref<1x128xi32, #tpu.memory_space<hbm>>
        %dma_start3A_162 = tpu.memref_squeeze %dma_start3A_161 : memref<1x128xi32, #tpu.memory_space<hbm>> -> memref<128xi32, #tpu.memory_space<hbm>>
        tpu.enqueue_dma source(%dma_start3A_162 : memref<128xi32, #tpu.memory_space<hbm>>) target(%arg5 : memref<128xi32, #tpu.memory_space<vmem>>) target_semaphore(%run_scoped3A_158 : memref<!tpu.dma_semaphore, #tpu.memory_space<semaphore_mem>>)
        %dma_wait3A_163 = tpu.memref_slice %arg2[%run_scoped3A_136, %multiple_of3A_135] : memref<2x320000xi32, #tpu.memory_space<hbm>> -> memref<1x128xi32, #tpu.memory_space<hbm>>
        %dma_wait3A_164 = tpu.memref_squeeze %dma_wait3A_163 : memref<1x128xi32, #tpu.memory_space<hbm>> -> memref<128xi32, #tpu.memory_space<hbm>>
        %dma_wait3A_165 = tpu.memref_slice %arg2[%run_scoped3A_136, %multiple_of3A_135] : memref<2x320000xi32, #tpu.memory_space<hbm>> -> memref<1x128xi32, #tpu.memory_space<hbm>>
        %dma_wait3A_166 = tpu.memref_squeeze %dma_wait3A_165 : memref<1x128xi32, #tpu.memory_space<hbm>> -> memref<128xi32, #tpu.memory_space<hbm>>
        tpu.wait_dma2 semaphore(%run_scoped3A_158 : memref<!tpu.dma_semaphore, #tpu.memory_space<semaphore_mem>>) src(%dma_wait3A_166 : memref<128xi32, #tpu.memory_space<hbm>>) dst(%arg5 : memref<128xi32, #tpu.memory_space<vmem>>)
        tpu.yield
      }) : () -> ()
      %mul3A_137 = arith.constant 128 : i32
      %mul3A_138 = arith.muli %add3A_132, %mul3A_137 : i32
      %multiple_of3A_139 = tpu.assume_multiple %mul3A_138, 128 : i32
      %run_scoped3A_140 = arith.constant 1 : i32
      "tpu.region"() ({
        %run_scoped3A_158 = tpu.sem_alloc : memref<!tpu.dma_semaphore, #tpu.memory_space<semaphore_mem>>
        %dma_start3A_159 = tpu.memref_slice %arg2[%run_scoped3A_140, %multiple_of3A_139] : memref<2x320000xi32, #tpu.memory_space<hbm>> -> memref<1x128xi32, #tpu.memory_space<hbm>>
        %dma_start3A_160 = tpu.memref_squeeze %dma_start3A_159 : memref<1x128xi32, #tpu.memory_space<hbm>> -> memref<128xi32, #tpu.memory_space<hbm>>
        %dma_start3A_161 = tpu.memref_slice %arg2[%run_scoped3A_140, %multiple_of3A_139] : memref<2x320000xi32, #tpu.memory_space<hbm>> -> memref<1x128xi32, #tpu.memory_space<hbm>>
        %dma_start3A_162 = tpu.memref_squeeze %dma_start3A_161 : memref<1x128xi32, #tpu.memory_space<hbm>> -> memref<128xi32, #tpu.memory_space<hbm>>
        tpu.enqueue_dma source(%dma_start3A_162 : memref<128xi32, #tpu.memory_space<hbm>>) target(%arg9 : memref<128xi32, #tpu.memory_space<vmem>>) target_semaphore(%run_scoped3A_158 : memref<!tpu.dma_semaphore, #tpu.memory_space<semaphore_mem>>)
        %dma_wait3A_163 = tpu.memref_slice %arg2[%run_scoped3A_140, %multiple_of3A_139] : memref<2x320000xi32, #tpu.memory_space<hbm>> -> memref<1x128xi32, #tpu.memory_space<hbm>>
        %dma_wait3A_164 = tpu.memref_squeeze %dma_wait3A_163 : memref<1x128xi32, #tpu.memory_space<hbm>> -> memref<128xi32, #tpu.memory_space<hbm>>
        %dma_wait3A_165 = tpu.memref_slice %arg2[%run_scoped3A_140, %multiple_of3A_139] : memref<2x320000xi32, #tpu.memory_space<hbm>> -> memref<1x128xi32, #tpu.memory_space<hbm>>
        %dma_wait3A_166 = tpu.memref_squeeze %dma_wait3A_165 : memref<1x128xi32, #tpu.memory_space<hbm>> -> memref<128xi32, #tpu.memory_space<hbm>>
        tpu.wait_dma2 semaphore(%run_scoped3A_158 : memref<!tpu.dma_semaphore, #tpu.memory_space<semaphore_mem>>) src(%dma_wait3A_166 : memref<128xi32, #tpu.memory_space<hbm>>) dst(%arg9 : memref<128xi32, #tpu.memory_space<vmem>>)
        tpu.yield
      }) : () -> ()
      %dma_start3A_141 = arith.constant 0 : i32
      %dma_start3A_142 = arith.constant 0 : i32
      %dma_start3A_143 = arith.constant 0 : i32
      %dma_start3A_144 = tpu.memref_slice %arg13[%dma_start3A_141, %dma_start3A_142, %dma_start3A_143] : memref<2x128x128xf32, #tpu.memory_space<vmem>> -> memref<1x128x128xf32, #tpu.memory_space<vmem>>
      %dma_start3A_145 = tpu.memref_squeeze %dma_start3A_144 : memref<1x128x128xf32, #tpu.memory_space<vmem>> -> memref<128x128xf32, #tpu.memory_space<vmem>>
      %dma_start3A_146 = arith.constant 0 : i32
      %dma_start3A_147 = arith.constant 0 : i32
      %dma_start3A_148 = tpu.memref_slice %arg3[%dma_start3A_146, %dma_start3A_147] : memref<10240x128xf32, #tpu.memory_space<hbm>> -> memref<10240x128xf32, #tpu.memory_space<hbm>>
      tpu.enqueue_indirect_dma source(%dma_start3A_148 : memref<10240x128xf32, #tpu.memory_space<hbm>>) target(%dma_start3A_145 : memref<128x128xf32, #tpu.memory_space<vmem>>) offsets(%arg5 : memref<128xi32, #tpu.memory_space<vmem>>) semaphore(%arg15 : memref<!tpu.dma_semaphore, #tpu.memory_space<semaphore_mem>>)
      %dma_wait3A_149 = arith.constant 0 : i32
      %dma_wait3A_150 = arith.constant 0 : i32
      %dma_wait3A_151 = arith.constant 0 : i32
      %dma_wait3A_152 = tpu.memref_slice %arg13[%dma_wait3A_149, %dma_wait3A_150, %dma_wait3A_151] : memref<2x128x128xf32, #tpu.memory_space<vmem>> -> memref<1x128x128xf32, #tpu.memory_space<vmem>>
      %dma_wait3A_153 = tpu.memref_squeeze %dma_wait3A_152 : memref<1x128x128xf32, #tpu.memory_space<vmem>> -> memref<128x128xf32, #tpu.memory_space<vmem>>
      %dma_wait3A_154 = arith.constant 0 : i32
      %dma_wait3A_155 = arith.constant 0 : i32
      %dma_wait3A_156 = tpu.memref_slice %arg3[%dma_wait3A_154, %dma_wait3A_155] : memref<10240x128xf32, #tpu.memory_space<hbm>> -> memref<10240x128xf32, #tpu.memory_space<hbm>>
      tpu.wait_indirect_dma semaphore(%arg15 : memref<!tpu.dma_semaphore, #tpu.memory_space<semaphore_mem>>) src(%dma_wait3A_156 : memref<10240x128xf32, #tpu.memory_space<hbm>>) dst(%dma_wait3A_153 : memref<128x128xf32, #tpu.memory_space<vmem>>)
      %run_scoped3A_157 = arith.constant 0 : i32
      "tpu.region"() ({
        %run_scoped3A_158 = tpu.sem_alloc : memref<!tpu.dma_semaphore, #tpu.memory_space<semaphore_mem>>
        %dma_start3A_159 = arith.constant 0 : i32
        %dma_start3A_160 = arith.constant 0 : i32
        %dma_start3A_161 = tpu.memref_slice %arg13[%run_scoped3A_157, %dma_start3A_159, %dma_start3A_160] : memref<2x128x128xf32, #tpu.memory_space<vmem>> -> memref<1x128x128xf32, #tpu.memory_space<vmem>>
        %dma_start3A_162 = tpu.memref_squeeze %dma_start3A_161 : memref<1x128x128xf32, #tpu.memory_space<vmem>> -> memref<128x128xf32, #tpu.memory_space<vmem>>
        %dma_start3A_163 = arith.constant 0 : i32
        %dma_start3A_164 = arith.constant 0 : i32
        %dma_start3A_165 = tpu.memref_slice %arg14[%dma_start3A_163, %dma_start3A_164] : memref<10240x128xf32, #tpu.memory_space<vmem_shared>> -> memref<10240x128xf32, #tpu.memory_space<vmem_shared>>
        tpu.enqueue_indirect_dma source(%dma_start3A_162 : memref<128x128xf32, #tpu.memory_space<vmem>>) target(%dma_start3A_165 : memref<10240x128xf32, #tpu.memory_space<vmem_shared>>) offsets(%arg9 : memref<128xi32, #tpu.memory_space<vmem>>) semaphore(%run_scoped3A_158 : memref<!tpu.dma_semaphore, #tpu.memory_space<semaphore_mem>>) {add = true}
        %dma_wait3A_166 = arith.constant 0 : i32
        %dma_wait3A_167 = arith.constant 0 : i32
        %dma_wait3A_168 = tpu.memref_slice %arg13[%run_scoped3A_157, %dma_wait3A_166, %dma_wait3A_167] : memref<2x128x128xf32, #tpu.memory_space<vmem>> -> memref<1x128x128xf32, #tpu.memory_space<vmem>>
        %dma_wait3A_169 = tpu.memref_squeeze %dma_wait3A_168 : memref<1x128x128xf32, #tpu.memory_space<vmem>> -> memref<128x128xf32, #tpu.memory_space<vmem>>
        %dma_wait3A_170 = arith.constant 0 : i32
        %dma_wait3A_171 = arith.constant 0 : i32
        %dma_wait3A_172 = tpu.memref_slice %arg14[%dma_wait3A_170, %dma_wait3A_171] : memref<10240x128xf32, #tpu.memory_space<vmem_shared>> -> memref<10240x128xf32, #tpu.memory_space<vmem_shared>>
        tpu.wait_indirect_dma semaphore(%run_scoped3A_158 : memref<!tpu.dma_semaphore, #tpu.memory_space<semaphore_mem>>) src(%dma_wait3A_169 : memref<128x128xf32, #tpu.memory_space<vmem>>) dst(%dma_wait3A_172 : memref<10240x128xf32, #tpu.memory_space<vmem_shared>>)
        tpu.yield
      }) : () -> ()
    } else {
    }
    %barrier3A_120 = arith.constant 0 : index
    tpu.barrier barrier_id(%barrier3A_120)
    %mul3A_121 = arith.constant 640 : i32
    %mul3A_122 = arith.muli %arg1, %mul3A_121 : i32
    %mul3A_123 = arith.constant 10240 : i32
    %mul3A_124 = arith.muli %arg0, %mul3A_123 : i32
    %mul3A_125 = arith.constant 640 : i32
    %mul3A_126 = arith.muli %arg1, %mul3A_125 : i32
    %add3A_127 = arith.addi %mul3A_124, %mul3A_126 : i32
    "tpu.region"() ({
      %run_scoped3A_128 = tpu.sem_alloc : memref<!tpu.dma_semaphore, #tpu.memory_space<semaphore_mem>>
      %dma_start3A_129 = arith.constant 0 : i32
      %dma_start3A_130 = tpu.memref_slice %arg4[%add3A_127, %dma_start3A_129] : memref<20480x128xf32, #tpu.memory_space<hbm>> -> memref<640x128xf32, #tpu.memory_space<hbm>>
      %dma_start3A_131 = arith.constant 0 : i32
      %dma_start3A_132 = tpu.memref_slice %arg14[%mul3A_122, %dma_start3A_131] : memref<10240x128xf32, #tpu.memory_space<vmem_shared>> -> memref<640x128xf32, #tpu.memory_space<vmem_shared>>
      tpu.enqueue_dma source(%dma_start3A_132 : memref<640x128xf32, #tpu.memory_space<vmem_shared>>) target(%dma_start3A_130 : memref<640x128xf32, #tpu.memory_space<hbm>>) target_semaphore(%run_scoped3A_128 : memref<!tpu.dma_semaphore, #tpu.memory_space<semaphore_mem>>)
      %dma_wait3A_133 = arith.constant 0 : i32
      %dma_wait3A_134 = tpu.memref_slice %arg4[%add3A_127, %dma_wait3A_133] : memref<20480x128xf32, #tpu.memory_space<hbm>> -> memref<640x128xf32, #tpu.memory_space<hbm>>
      %dma_wait3A_135 = arith.constant 0 : i32
      %dma_wait3A_136 = tpu.memref_slice %arg14[%mul3A_122, %dma_wait3A_135] : memref<10240x128xf32, #tpu.memory_space<vmem_shared>> -> memref<640x128xf32, #tpu.memory_space<vmem_shared>>
      tpu.wait_dma2 semaphore(%run_scoped3A_128 : memref<!tpu.dma_semaphore, #tpu.memory_space<semaphore_mem>>) src(%dma_wait3A_136 : memref<640x128xf32, #tpu.memory_space<vmem_shared>>) dst(%dma_wait3A_134 : memref<640x128xf32, #tpu.memory_space<hbm>>)
      tpu.yield
    }) : () -> ()
    return
  }
}

module attributes {stable_mosaic.version = 14 : i64} {
  func.func @body(%arg0: i32, %arg1: memref<2048x128xf32, #tpu.memory_space<vmem>>, %arg2: memref<2048x128xf32, #tpu.memory_space<vmem>>, %arg3: memref<2048xf32, #tpu.memory_space<vmem>>, %arg4: memref<2048xf32, #tpu.memory_space<vmem>>, %arg5: memref<2048x128xf32, #tpu.memory_space<vmem>>) attributes {dimension_semantics = [#tpu.dimension_semantics<arbitrary>], iteration_bounds = array<i64: 5>, scalar_prefetch = 0 : i64, scratch_operands = 0 : i64, tpu.core_type = #tpu.core_type<tc>, window_params = [{transform_indices = @transform_0, window_bounds = array<i64: 2048, 128>}, {transform_indices = @transform_1, window_bounds = array<i64: 2048, 128>}, {transform_indices = @transform_2, window_bounds = array<i64: 2048>}, {transform_indices = @transform_3, window_bounds = array<i64: 2048>}, {transform_indices = @transform_4, window_bounds = array<i64: 2048, 128>}]} {
    %get3A = arith.constant 0 : index
    %get3A_0 = vector.load %arg3[%get3A] : memref<2048xf32, #tpu.memory_space<vmem>>, vector<2048xf32>
    %get3A_1 = arith.constant 0 : index
    %get3A_2 = vector.load %arg4[%get3A_1] : memref<2048xf32, #tpu.memory_space<vmem>>, vector<2048xf32>
    %add3A = arith.addf %get3A_0, %get3A_2 : vector<2048xf32>
    %add3A_3 = arith.constant 1.000000e+00 : f32
    %add3A_4 = vector.broadcast %add3A_3 : f32 to vector<2048xf32>
    %add3A_5 = arith.addf %add3A, %add3A_4 : vector<2048xf32>
    %rsqrt3A = math.rsqrt %add3A_5 : vector<2048xf32>
    %get3A_6 = arith.constant 0 : index
    %get3A_7 = arith.constant 0 : index
    %get3A_8 = vector.load %arg1[%get3A_6, %get3A_7] : memref<2048x128xf32, #tpu.memory_space<vmem>>, vector<2048x128xf32>
    %get3A_9 = arith.constant 0 : index
    %get3A_10 = arith.constant 0 : index
    %get3A_11 = vector.load %arg2[%get3A_9, %get3A_10] : memref<2048x128xf32, #tpu.memory_space<vmem>>, vector<2048x128xf32>
    %add3A_12 = arith.addf %get3A_8, %get3A_11 : vector<2048x128xf32>
    %broadcast_in_dim3A = vector.shape_cast %rsqrt3A : vector<2048xf32> to vector<2048x1xf32>
    %mul3A = vector.broadcast %broadcast_in_dim3A : vector<2048x1xf32> to vector<2048x128xf32>
    %mul3A_13 = arith.mulf %add3A_12, %mul3A : vector<2048x128xf32>
    %swap3A = arith.constant 0 : index
    %swap3A_14 = arith.constant 0 : index
    %swap3A_15 = vector.load %arg5[%swap3A, %swap3A_14] : memref<2048x128xf32, #tpu.memory_space<vmem>>, vector<2048x128xf32>
    tpu.vector_store %arg5[%swap3A, %swap3A_14], %mul3A_13 {strides = array<i32>} : memref<2048x128xf32, #tpu.memory_space<vmem>>, vector<2048x128xf32>,
    return
  }
  func.func @transform_0(%arg0: i32) -> (i32, i32) {
    %c0_i32 = arith.constant 0 : i32
    %c0_i32_0 = arith.constant 0 : i32
    return %arg0, %c0_i32 : i32, i32
  }
  func.func @transform_1(%arg0: i32) -> (i32, i32) {
    %add3A = arith.constant 5 : i32
    %add3A_0 = arith.addi %add3A, %arg0 : i32
    %c0_i32 = arith.constant 0 : i32
    %c0_i32_1 = arith.constant 0 : i32
    return %add3A_0, %c0_i32 : i32, i32
  }
  func.func @transform_2(%arg0: i32) -> i32 {
    %c0_i32 = arith.constant 0 : i32
    return %arg0 : i32
  }
  func.func @transform_3(%arg0: i32) -> i32 {
    %add3A = arith.constant 5 : i32
    %add3A_0 = arith.addi %add3A, %arg0 : i32
    %c0_i32 = arith.constant 0 : i32
    return %add3A_0 : i32
  }
  func.func @transform_4(%arg0: i32) -> (i32, i32) {
    %c0_i32 = arith.constant 0 : i32
    %c0_i32_0 = arith.constant 0 : i32
    return %arg0, %c0_i32 : i32, i32
  }
}

module attributes {stable_mosaic.version = 14 : i64} {
  func.func @body(%arg0: i32, %arg1: memref<2048x128xf32, #tpu.memory_space<vmem>>, %arg2: memref<128x128xf32, #tpu.memory_space<vmem>>, %arg3: memref<2048xf32, #tpu.memory_space<vmem>>, %arg4: memref<2048xf32, #tpu.memory_space<vmem>>, %arg5: memref<2048x128xf32, #tpu.memory_space<vmem>>) attributes {dimension_semantics = [#tpu.dimension_semantics<arbitrary>], iteration_bounds = array<i64: 5>, scalar_prefetch = 0 : i64, scratch_operands = 0 : i64, tpu.core_type = #tpu.core_type<tc>, window_params = [{transform_indices = @transform_0, window_bounds = array<i64: 2048, 128>}, {pipeline_mode = #tpu.pipeline_mode<synchronous>, transform_indices = @transform_1, window_bounds = array<i64: 128, 128>}, {transform_indices = @transform_2, window_bounds = array<i64: 2048>}, {transform_indices = @transform_3, window_bounds = array<i64: 2048>}, {transform_indices = @transform_4, window_bounds = array<i64: 2048, 128>}]} {
    %get3A = arith.constant 0 : index
    %get3A_0 = vector.load %arg3[%get3A] : memref<2048xf32, #tpu.memory_space<vmem>>, vector<2048xf32>
    %get3A_1 = arith.constant 0 : index
    %get3A_2 = vector.load %arg4[%get3A_1] : memref<2048xf32, #tpu.memory_space<vmem>>, vector<2048xf32>
    %add3A = arith.addf %get3A_0, %get3A_2 : vector<2048xf32>
    %add3A_3 = arith.constant 1.000000e+00 : f32
    %add3A_4 = vector.broadcast %add3A_3 : f32 to vector<2048xf32>
    %add3A_5 = arith.addf %add3A, %add3A_4 : vector<2048xf32>
    %rsqrt3A = math.rsqrt %add3A_5 : vector<2048xf32>
    %get3A_6 = arith.constant 0 : index
    %get3A_7 = arith.constant 0 : index
    %get3A_8 = vector.load %arg1[%get3A_6, %get3A_7] : memref<2048x128xf32, #tpu.memory_space<vmem>>, vector<2048x128xf32>
    %get3A_9 = arith.constant 0 : index
    %get3A_10 = arith.constant 0 : index
    %get3A_11 = vector.load %arg2[%get3A_9, %get3A_10] : memref<128x128xf32, #tpu.memory_space<vmem>>, vector<128x128xf32>
    %dot_general3A = arith.constant dense<0.000000e+00> : vector<2048x128xf32>
    %dot_general3A_12 = tpu.matmul %get3A_8, %get3A_11, %dot_general3A {dimension_numbers = #tpu.dot_dimension_numbers<[1], [0], [0], [1], [0, 0, 1, 1], [], []>, transpose_lhs_hint = false} : vector<2048x128xf32>, vector<128x128xf32>, vector<2048x128xf32> -> vector<2048x128xf32>
    %broadcast_in_dim3A = vector.shape_cast %rsqrt3A : vector<2048xf32> to vector<2048x1xf32>
    %mul3A = vector.broadcast %broadcast_in_dim3A : vector<2048x1xf32> to vector<2048x128xf32>
    %mul3A_13 = arith.mulf %dot_general3A_12, %mul3A : vector<2048x128xf32>
    %swap3A = arith.constant 0 : index
    %swap3A_14 = arith.constant 0 : index
    %swap3A_15 = vector.load %arg5[%swap3A, %swap3A_14] : memref<2048x128xf32, #tpu.memory_space<vmem>>, vector<2048x128xf32>
    tpu.vector_store %arg5[%swap3A, %swap3A_14], %mul3A_13 {strides = array<i32>} : memref<2048x128xf32, #tpu.memory_space<vmem>>, vector<2048x128xf32>,
    return
  }
  func.func @transform_0(%arg0: i32) -> (i32, i32) {
    %c0_i32 = arith.constant 0 : i32
    %c0_i32_0 = arith.constant 0 : i32
    return %arg0, %c0_i32 : i32, i32
  }
  func.func @transform_1(%arg0: i32) -> (i32, i32) {
    %c0_i32 = arith.constant 0 : i32
    %c0_i32_0 = arith.constant 0 : i32
    %c0_i32_1 = arith.constant 0 : i32
    return %c0_i32, %c0_i32_0 : i32, i32
  }
  func.func @transform_2(%arg0: i32) -> i32 {
    %c0_i32 = arith.constant 0 : i32
    return %arg0 : i32
  }
  func.func @transform_3(%arg0: i32) -> i32 {
    %add3A = arith.constant 5 : i32
    %add3A_0 = arith.addi %add3A, %arg0 : i32
    %c0_i32 = arith.constant 0 : i32
    return %add3A_0 : i32
  }
  func.func @transform_4(%arg0: i32) -> (i32, i32) {
    %c0_i32 = arith.constant 0 : i32
    %c0_i32_0 = arith.constant 0 : i32
    return %arg0, %c0_i32 : i32, i32
  }
}

</mosaic_0001>

<sc_bundles>
// kernel: kernel.6.cloned.1.call-start
scs
__scs_entry_jumppad:
0x0: {  	(pc) =	sbr.rel $0x88, $3  }
0x1: {  	(tag) =	ssettag $0x0;
	lr =	simm.s32 $0x1  }
0x2: {  	[smem:$0x3F9E] =	sst lr;
	_ =	strace $0xD0000000  }
0x3: {  	_ = 	snop  }
0x4: {  	_ = 	snop  }
0x5: {  	_ = 	snop  }
0x6: {  	_ = 	snop  }
0x7: {  	_ = 	snop  }
__scs_overlays_trampoline_lowered:
0x8: {  	[smem:$0x3FAD] =	sst s0  }
0x9: {  	[smem:$0x3FAE] =	sst s1  }
0xa: {  	[smem:$0x3FAF] =	sst s2  }
0xb: {  	[smem:$0x3FB0] =	sst s3  }
0xc: {  	[smem:$0x3FB1] =	sst s4  }
0xd: {  	[smem:$0x3FB2] =	sst s5  }
0xe: {  	[smem:$0x3FB3] =	sst s6  }
0xf: {  	[smem:$0x3FB4] =	sst s7  }
0x10: {  	[smem:$0x3FB5] =	sst s8  }
0x11: {  	[smem:$0x3FB6] =	sst s9;
	s0 =	simm.s32 @!p0 $0x0  }
0x12: {  	s1 =	sld [smem:$0x3F9C];
	s0 =	simm.s32 @p0 $0x1  }
0x13: {  	[smem:$0x3FB7] =	sst s0;
	s0 =	simm.s32 @!p1 $0x0  }
0x14: {  	s2 =	sld [smem:$0x3F9B];
	s0 =	simm.s32 @p1 $0x1  }
0x15: {  	[smem:$0x3FB8] =	sst s0;
	s0 =	simm.s32 @!p2 $0x0  }
0x16: {  	s3 =	sld [smem:$0x3FDB];
	s0 =	simm.s32 @p2 $0x1  }
0x17: {  	s4 =	simm.s32 $0x1BF5;
	[smem:$0x3FBA] =	sst s0  }
0x18: {  	s0 =	sld [smem:$0x3F9D];
	_ =	swait.ge [sflag:s4], $0x0  }
0x19: {  	s7 =	sld [smem:$0x3F9E]  }
0x1a: {  	s8 =	sadd.s32 $0xFFFFE003, lr  }
0x1b: {  	s9 =	sadd.s32 $0xFFFFFEF7, lr;
	s5 =	simm.s32 $0xFFFFFFFF;
	p2 =	slt.u32 s8, $0xFFFFF086  }
0x1c: {  	p1 =	slt.u32 s9, $0xF7A;
	s5 =	simm.s32 @!p2 $0x0  }
0x1d: {  	s5 =	simm.s32 @p1 $0x1;
	p0 =	seq.s32 s7, s2  }
0x1e: {  	s7 =	smul.u32 @!p0 $0xF7A, s2;
	p2 =	seq.s32 @!p0 s5, $0x0  }
0x1f: {  	s9 =	smul.u32 $0xF7A, s1;
	s8 =	simm.s32 @!p0 $0x1BF5;
	p2 =	por !p2, p0  }
0x20: {  	[sflag:s8] =	ssyncset.s32 @!p0 $0xFFFFF086;
	s6 =	sadd.s32 @!p0 s3, s7;
	s7 =	simm.s32 @!p0 $0x108  }
0x21: {  	s3 =	sadd.s32 s3, s9;
	s6 =	sadd.s32 @!p0 $0x88, s6;
	s7 =	simm.s32 @p2 $0x1082  }
0x22: {  	[simem:s7], [sflag:s8] =	dma.local @!p0 [hbm:s6], $0xF7A  }
0x23: {  	s9 =	sor.u32 $0xD0000000, s2;
	s6 =	simm.s32 $0x108;
	_ =	swait.ge @!p0 [sflag:s8], $0x0  }
0x24: {  	s3 =	sadd.s32 $0x88, s3;
	s6 =	simm.s32 @!p1 $0x1082;
	[sflag:s4] =	ssyncset.s32 $0xFFFFF086  }
0x25: {  	[simem:s6], [sflag:s4] =	dma.local [hbm:s3], $0xF7A  }
0x26: {  	[smem:$0x3F9E] =	sst s1;
	(tag) =	ssettag s2;
	_ =	strace s9  }
0x27: {  	s1 =	sld [smem:$0x3FAE]  }
0x28: {  	s2 =	sld [smem:$0x3FAF]  }
0x29: {  	s4 =	sld [smem:$0x3FB1]  }
0x2a: {  	p0 =	seq.s32 s5, $0x0;
	s5 =	sld [smem:$0x3FB2]  }
0x2b: {  	s6 =	sld [smem:$0x3FB3]  }
0x2c: {  	s7 =	sld [smem:$0x3FB4]  }
0x2d: {  	s3 =	simm.s32 $0x108;
	s8 =	sld [smem:$0x3FB5]  }
0x2e: {  	s3 =	simm.s32 @!p0 $0x1082;
	s9 =	sld [smem:$0x3FB6]  }
0x2f: {  	lr =	sadd.s32 s0, s3;
	s0 =	sld [smem:$0x3FAD]  }
0x30: {  	s3 =	sld [smem:$0x3FB0]  }
0x31: {  	[smem:$0x3FB9] =	sst s10  }
0x32: {  	s10 =	sld [smem:$0x3FB7];
	_ =	sdelay $0x3  }
0x33: {  	p0 =	seq.s32 s10, $0x1;
	s10 =	sld [smem:$0x3FB9];
	_ =	sdelay $0x3  }
0x34: {  	[smem:$0x3FB9] =	sst s10  }
0x35: {  	s10 =	sld [smem:$0x3FB8];
	_ =	sdelay $0x3  }
0x36: {  	p1 =	seq.s32 s10, $0x1;
	s10 =	sld [smem:$0x3FB9];
	_ =	sdelay $0x3  }
0x37: {  	[smem:$0x3FB9] =	sst s10  }
0x38: {  	s10 =	sld [smem:$0x3FBA]  }
0x39: {  	_ = 	snop;
	(pc) =	sbr.ind lr, $3  }
0x3a: {  	_ = 	snop  }
0x3b: {  	_ = 	snop  }
0x3c: {  	p2 =	seq.s32 s10, $0x1;
	s10 =	sld [smem:$0x3FB9]  }
0x3d: {  	_ =	shalt  }
0x3e: {  	_ =	shalt  }
0x3f: {  	_ =	shalt  }
0x40: {  	_ =	shalt  }
0x41: {  	_ =	shalt  }
0x42: {  	_ =	shalt  }
0x43: {  	_ =	shalt  }
0x44: {  	_ =	shalt  }
0x45: {  	_ =	shalt  }
0x46: {  	_ =	shalt  }
0x47: {  	_ =	shalt  }
0x48: {  	_ =	shalt  }
0x49: {  	_ =	shalt  }
0x4a: {  	_ =	shalt  }
0x4b: {  	_ =	shalt  }
0x4c: {  	_ =	shalt  }
0x4d: {  	_ =	shalt  }
0x4e: {  	_ =	shalt  }
0x4f: {  	_ =	shalt  }
0x50: {  	_ =	shalt  }
0x51: {  	_ =	shalt  }
0x52: {  	_ =	shalt  }
0x53: {  	_ =	shalt  }
0x54: {  	_ =	shalt  }
0x55: {  	_ =	shalt  }
0x56: {  	_ =	shalt  }
0x57: {  	_ =	shalt  }
0x58: {  	_ =	shalt  }
0x59: {  	_ =	shalt  }
0x5a: {  	_ =	shalt  }
0x5b: {  	_ =	shalt  }
0x5c: {  	_ =	shalt  }
0x5d: {  	_ =	shalt  }
0x5e: {  	_ =	shalt  }
0x5f: {  	_ =	shalt  }
0x60: {  	_ =	shalt  }
0x61: {  	_ =	shalt  }
0x62: {  	_ =	shalt  }
0x63: {  	_ =	shalt  }
0x64: {  	_ =	shalt  }
0x65: {  	_ =	shalt  }
0x66: {  	_ =	shalt  }
0x67: {  	_ =	shalt  }
0x68: {  	_ =	shalt  }
0x69: {  	_ =	shalt  }
0x6a: {  	_ =	shalt  }
0x6b: {  	_ =	shalt  }
0x6c: {  	_ =	shalt  }
0x6d: {  	_ =	shalt  }
0x6e: {  	_ =	shalt  }
0x6f: {  	_ =	shalt  }
0x70: {  	_ =	shalt  }
0x71: {  	_ =	shalt  }
0x72: {  	_ =	shalt  }
0x73: {  	_ =	shalt  }
0x74: {  	_ =	shalt  }
0x75: {  	_ =	shalt  }
0x76: {  	_ =	shalt  }
0x77: {  	_ =	shalt  }
0x78: {  	_ =	shalt  }
0x79: {  	_ =	shalt  }
0x7a: {  	_ =	shalt  }
0x7b: {  	_ =	shalt  }
0x7c: {  	_ =	shalt  }
0x7d: {  	_ =	shalt  }
0x7e: {  	_ =	shalt  }
0x7f: {  	_ =	shalt  }
0x80: {  	_ =	shalt  }
0x81: {  	_ =	shalt  }
0x82: {  	_ =	shalt  }
0x83: {  	_ =	shalt  }
0x84: {  	_ =	shalt  }
0x85: {  	_ =	shalt  }
0x86: {  	_ =	shalt  }
0x87: {  	_ =	shalt  }
.Lfunc_end0:
.L_simem_size_0:
called_computation_lowered:
.L_overlay_start_0:
0x88: {  	s2 =	sld [smem:$0x3FD9]  }
0x89: {  	s3 =	sld [smem:$0x3FFE];
	_ =	sdelay $0x1  }
0x8a: {  	s1 =	srdreg.scid  }
0x8b: {  	s0 =	sand.u32 $0x1, s1  }
0x8c: {  	s18 =	sshll.u32 s0, $0xA;
	s2 =	sadd.s32 s3, s2  }
0x8d: {  	s2 =	sadd.s32 s2, s18  }
0x8e: {  	[smem:$0x3FC5] =	sst s2  }
0x8f: {  	_ = 	snop  }
0x90: {  	s2 =	sld [smem:$0x3FC8]  }
0x91: {  	s19 =	sld [smem:$0x3FD0];
	(tm) =	ssettm $0x1  }
0x92: {  	s4 =	sld [smem:$0x3FFB];
	_ =	sdelay $0x3  }
0x93: {  	_ =	strace s4  }
0x94: {  	s4 =	sld [smem:$0x3FFC];
	_ =	sdelay $0x3  }
0x95: {  	_ =	strace s4  }
0x96: {  	s4 =	sld [smem:$0x3FFD];
	_ =	sdelay $0x3  }
0x97: {  	_ =	strace s4  }
0x98: {  	_ =	strace $0x8FFFFFFF  }
0x99: {  	s20 =	sld [smem:$0x3FDB];
	_ =	sdelay $0x1  }
0x9a: {  	s5 =	simm.s32 $_scs_section_size  }
0x9b: {  	s6 =	simm.s32 $_size__tile_overlayer_lowered;
	s7 =	simm.s32 $_tile_overlayer_lowered  }
0x9c: {  	s23 =	simm.s32 $0x1BFF;
	s22 =	sshll.u32 s7, $0x1;
	s4 =	sadd.s32 s5, s20  }
0x9d: {  	s8 =	simm.s32 $0x0;
	s21 =	sshll.u32 s6, $0x1;
	s6 =	sadd.s32 s22, s4  }
0x9e: {  	[timem:s8], [sflag:s23] =	dma.local [hbm:s6], s21  }
0x9f: {  	_ =	swait.ge [sflag:s23], s21  }
0xa0: {  	s5 =	ssub.s32 $0x0, s21;
	[sflag:s23] =	ssyncset.done $0x0  }
0xa1: {  	[sflag:s23] =	ssyncadd.s32 s5;
	_ =	sdelay $0x1  }
0xa2: {  	s24 =	simm.s32 $0x1B8B  }
0xa3: {  	_ =	swait.ge [sflag:s24], $0x1  }
0xa4: {  	[sflag:s24] =	ssyncset.done $0x0  }
0xa5: {  	s25 =	simm.s32 $0x1B8E;
	[sflag:s24] =	ssyncadd.s32 $0xFFFFFFFF  }
0xa6: {  	s26 =	simm.s32 $execute0_lowered;
	[smem:$0x3FD2] =	sst s25  }
0xa7: {  	s5 =	sshll.u32 s26, $0x1;
	_ =	strace $0x80000046;
	[dreg:$0x1] =	wrdreg $0xFFFFFFFF  }
0xa8: {  	s28 =	simm.s32 $_size_execute0_lowered;
	s4 =	sadd.s32 s4, s5;
	[dreg:$0x0] =	wrdreg $0x0  }
0xa9: {  	s5 =	sshll.u32 s28, $0x1;
	[dreg:$0x2] =	wrdreg s4  }
0xaa: {  	[dreg:$0x3] =	wrdreg s5  }
0xab: {  	[dreg:$0x4] =	wrdreg $0xC0  }
0xac: {  	_ =	task [dreg:s8], $0x5FFFF  }
0xad: {  	[dreg:$0x1] =	wrdreg $0xFFFFFFFF  }
0xae: {  	[dreg:$0x0] =	wrdreg $0x60  }
0xaf: {  	[dreg:$0x2] =	wrdreg s2  }
0xb0: {  	[dreg:$0x3] =	wrdreg s19  }
0xb1: {  	[dreg:$0x4] =	wrdreg $0x2C000  }
0xb2: {  	[dreg:$0x5] =	wrdreg $0x9  }
0xb3: {  	_ =	task.clear_ibuf [dreg:s8], $0x6FFFF;
	_ =	strace $0x90000046  }
0xb4: {  	s29 =	simm.s32 $0x9;
	_ =	strace $0x80000048  }
0xb5: {  	_ =	swait.ge [sflag:s29], $0x1  }
0xb6: {  	[sflag:s29] =	ssyncadd.s32 $0xFFFFFFFF  }
0xb7: {  	_ =	strace $0x90000048  }
0xb8: {  	_ =	sfence  }
0xb9: {  	s30 =	sld [smem:$0x0];
	_ =	sdelay $0x2  }
0xba: {  	s31 =	sshll.u32 s1, $0xD;
	s1 =	sshrl.u32 s1, $0x2  }
0xbb: {  	s3 =	sand.u32 $0x4000, s31;
	s1 =	sadd.s32 s1, s30  }
0xbc: {  	s0 =	sor.u32 s3, s0;
	s1 =	sshll.u32 s1, $0x11  }
0xbd: {  	s0 =	sor.u32 s1, s0  }
0xbe: {  	s0 =	sadd.s32 $0x8F2B, s0  }
0xbf: {  	[sflag:s0] =	ssyncadd.remote.s32 $0x1  }
0xc0: {  	_ =	sfence.sel $0xFFFF  }
0xc1: {  	[dreg:$0x0] =	wrdreg $0xFFFFFFFF;
	(pc) =	sbr.abs _section_cstart, $3  }
0xc2: {  	[dreg:$0x1] =	wrdreg $0xFFFFFFFF  }
0xc3: {  	_ =	task.clear_ibuf [dreg:s8], $0x2FFFF;
	_ =	strace $0x9FFFFFFF  }
0xc4: {  	(tm) =	ssettm $0x7FFFFFFF  }
0xc5: {  	_ =	shalt  }
tec
execute0_lowered:
.L_overlay_start_1:
0x0: {  	(tag) =	ssettag $0x1  }
0x1: {  	s5 =	rddreg [dreg:$0x0]  }
0x2: {  	s4 =	rddreg [dreg:$0x1];
	s2 =	simm.s32 $0x0  }
0x3: {  	v0 =	vimm.f32 $1.000000000e+00;
	[smem:$0x7FF] =	sst s2  }
0x4: {  	s1 =	rddreg [dreg:$0x2];
	v1 =	vimm.f32 $0.0e+00;
	_ =	strace $0x80000047;
	[tilespmem:$0x2780] =	vst v0  }
0x5: {  	[tilespmem:$0x2BF0] =	vst v1  }
0x6: {  	[tilespmem:$0x2BE0] =	vst v1  }
0x7: {  	[tilespmem:$0x2BD0] =	vst v1  }
0x8: {  	[tilespmem:$0x2BC0] =	vst v1  }
0x9: {  	[tilespmem:$0x2BB0] =	vst v1  }
0xa: {  	[tilespmem:$0x2BA0] =	vst v1  }
0xb: {  	[tilespmem:$0x2B90] =	vst v1  }
0xc: {  	[tilespmem:$0x2B80] =	vst v1  }
0xd: {  	[tilespmem:$0x2B70] =	vst v1  }
0xe: {  	[tilespmem:$0x2B60] =	vst v1  }
0xf: {  	[tilespmem:$0x2B50] =	vst v1  }
0x10: {  	[tilespmem:$0x2B40] =	vst v1  }
0x11: {  	[tilespmem:$0x2B30] =	vst v1  }
0x12: {  	[tilespmem:$0x2B20] =	vst v1  }
0x13: {  	[tilespmem:$0x2B10] =	vst v1  }
0x14: {  	[tilespmem:$0x2B00] =	vst v1  }
0x15: {  	[tilespmem:$0x2AF0] =	vst v1  }
0x16: {  	[tilespmem:$0x2AE0] =	vst v1  }
0x17: {  	[tilespmem:$0x2AD0] =	vst v1  }
0x18: {  	[tilespmem:$0x2AC0] =	vst v1  }
0x19: {  	[tilespmem:$0x2AB0] =	vst v1  }
0x1a: {  	[tilespmem:$0x2AA0] =	vst v1  }
0x1b: {  	[tilespmem:$0x2A90] =	vst v1  }
0x1c: {  	[tilespmem:$0x2A80] =	vst v1  }
0x1d: {  	[tilespmem:$0x2A70] =	vst v1  }
0x1e: {  	[tilespmem:$0x2A60] =	vst v1  }
0x1f: {  	[tilespmem:$0x2A50] =	vst v1  }
0x20: {  	[tilespmem:$0x2A40] =	vst v1  }
0x21: {  	[tilespmem:$0x2A30] =	vst v1  }
0x22: {  	[tilespmem:$0x2A20] =	vst v1  }
0x23: {  	[tilespmem:$0x2A10] =	vst v1  }
0x24: {  	[tilespmem:$0x2A00] =	vst v1  }
0x25: {  	[tilespmem:$0x29F0] =	vst v1  }
0x26: {  	[tilespmem:$0x29E0] =	vst v1  }
0x27: {  	[tilespmem:$0x29D0] =	vst v1  }
0x28: {  	[tilespmem:$0x29C0] =	vst v1  }
0x29: {  	[tilespmem:$0x29B0] =	vst v1  }
0x2a: {  	[tilespmem:$0x29A0] =	vst v1  }
0x2b: {  	[tilespmem:$0x2990] =	vst v1  }
0x2c: {  	[tilespmem:$0x2980] =	vst v1  }
0x2d: {  	[tilespmem:$0x2970] =	vst v0  }
0x2e: {  	[tilespmem:$0x2960] =	vst v0  }
0x2f: {  	[tilespmem:$0x2950] =	vst v0  }
0x30: {  	[tilespmem:$0x2940] =	vst v0  }
0x31: {  	[tilespmem:$0x2930] =	vst v0  }
0x32: {  	[tilespmem:$0x2920] =	vst v0  }
0x33: {  	[tilespmem:$0x2910] =	vst v0  }
0x34: {  	[tilespmem:$0x2900] =	vst v0  }
0x35: {  	[tilespmem:$0x28F0] =	vst v0  }
0x36: {  	[tilespmem:$0x28E0] =	vst v0  }
0x37: {  	[tilespmem:$0x28D0] =	vst v0  }
0x38: {  	[tilespmem:$0x28C0] =	vst v0  }
0x39: {  	[tilespmem:$0x28B0] =	vst v0  }
0x3a: {  	[tilespmem:$0x28A0] =	vst v0  }
0x3b: {  	[tilespmem:$0x2890] =	vst v0  }
0x3c: {  	[tilespmem:$0x2880] =	vst v0  }
0x3d: {  	[tilespmem:$0x2870] =	vst v0  }
0x3e: {  	s0 =	srdreg.scid;
	s12 =	simm.s32 $0x2980;
	[tilespmem:$0x2860] =	vst v0  }
0x3f: {  	s3 =	stileid.u32;
	s13 =	simm.s32 $0x100;
	[tilespmem:$0x2850] =	vst v0;
	[dreg:$0x7] =	wrdreg s12  }
0x40: {  	s14 =	simm.s32 $0x400;
	s15 =	simm.s32 $0x600;
	[tilespmem:$0x2840] =	vst v0;
	[dreg:$0x8] =	wrdreg s13  }
0x41: {  	s16 =	simm.s32 $0x800;
	s17 =	simm.s32 $0xA00;
	[tilespmem:$0x2830] =	vst v0;
	[dreg:$0x9] =	wrdreg s14  }
0x42: {  	s18 =	simm.s32 $0xC00;
	s20 =	simm.s32 $0xE00;
	[tilespmem:$0x2820] =	vst v0;
	[dreg:$0xa] =	wrdreg s15  }
0x43: {  	s0 =	sand.u32 $0x1, s0;
	s7 =	smul.u32 $0x280, s3;
	[tilespmem:$0x2810] =	vst v0;
	[dreg:$0xb] =	wrdreg s16  }
0x44: {  	s6 =	sshll.u32 s0, $0x4;
	s9 =	smul.u32 $0x2800, s0;
	[tilespmem:$0x2800] =	vst v0;
	[dreg:$0xc] =	wrdreg s17  }
0x45: {  	s30 =	sshll.u32 s3, $0x6;
	[tilespmem:$0x27F0] =	vst v0;
	[dreg:$0xd] =	wrdreg s18;
	s6 =	sor.u32 s3, s6  }
0x46: {  	[tilespmem:$0x27E0] =	vst v0;
	[dreg:$0xe] =	wrdreg s20;
	s6 =	smul.u32 $0x9C0, s6;
	s10 =	sadd.s32 s7, s9  }
0x47: {  	s8 =	sshll.u32 s0, $0x5;
	[tilespmem:$0x27D0] =	vst v0;
	s19 =	rddreg [dreg:$0x7];
	s11 =	sshrl.u32 s10, $0x3  }
0x48: {  	[tilespmem:$0x27C0] =	vst v0;
	s6 =	sadd.s32 s6, s5;
	s5 =	sadd.s32 s8, s5;
	s4 =	sadd.s32 s4, s11  }
0x49: {  	[tilespmem:$0x27B0] =	vst v0;
	s6 =	sadd.s32 $0x10, s6;
	s5 =	sadd.s32 s30, s5;
	[dreg:$0x6] =	wrdreg s4  }
0x4a: {  	[tilespmem:$0x27A0] =	vst v0;
	[dreg:$0x4] =	wrdreg s6;
	s5 =	sadd.s32 $0x13810, s5  }
0x4b: {  	[tilespmem:$0x2790] =	vst v0;
	s4 =	simm.s32 $0x2;
	[dreg:$0x5] =	wrdreg s5;
	s5 =	sadd.s32 s7, s1  }
0x4c: {  	[spmem:s5] =	stream.linear.scatter [tilespmem:s19], [sflag:$0x2], $0x280, $0x38;
	[tilespmem:$0x2E80] =	vst v63  }
0x4d: {  	p0 =	sgt.u32 s3, $0x1;
	_ =	swait.ge [sflag:s4], $0x280  }
0x4e: {  	s6 =	simm.s32 $0x80;
	s21 =	rddreg [dreg:$0x4];
	[sflag:s4] =	ssyncset.done $0x0  }
0x4f: {  	s7 =	simm.s32 @p0 $0x1;
	s22 =	rddreg [dreg:$0x8];
	[sflag:s4] =	ssyncadd.s32 $0xFFFFFD80  }
0x50: {  	[tilespmem:s2], [sflag:$0x1] =	stream.strided.gather [hbm4b:s21+s6], $0x2700, s22, s6, $0x38;
	[tilespmem:$0x2E80] =	vst v63  }
0x51: {  	_ =	swait.ge @p0 [sflag:s7], $0x2700  }
0x52: {  	s3 =	simm.s32 @!p0 $0x0;
	s9 =	simm.s32 @!p0 $0x2700;
	[sflag:s7] =	ssyncset.done @p0 $0x0  }
0x53: {  	s10 =	simm.s32 @!p0 $0x1;
	s11 =	rddreg [dreg:$0x5];
	[sflag:s7] =	ssyncadd.s32 @p0 $0xFFFFD900  }
0x54: {  	[tilespmem:s9], [sflag:$0x1] =	stream.linear.gather @!p0 [hbm4b:s11+s3], $0x80, $0x38;
	[tilespmem:$0x2E80] =	vst v63  }
0x55: {  	_ =	swait.ge @!p0 [sflag:s10], $0x2700  }
0x56: {  	[sflag:s10] =	ssyncset.done @!p0 $0x0  }
0x57: {  	[sflag:s10] =	ssyncadd.s32 @!p0 $0xFFFFD900  }
0x58: {  	_ =	swait.ge @!p0 [sflag:s10], $0x80  }
0x59: {  	[sflag:s10] =	ssyncset.done @!p0 $0x0  }
0x5a: {  	[sflag:s10] =	ssyncadd.s32 @!p0 $0xFFFFFF80  }
0x5b: {  	s12 =	simm.s32 $0x2780;
	s11 =	simm.s32 $0x200;
	[bflag:$0x0] =	sbarrier.arrive $0xFFFF  }
0x5c: {  	[spmem:s1] =	stream.indirect.scatter.add.f32 [tilespmem:s12], [sflag:$0x2], $0x1, s2, s11, $0xb8;
	[tilespmem:$0x2E80] =	vst v63  }
0x5d: {  	_ =	swait.ge [sflag:s4], $0x200  }
0x5e: {  	[sflag:s4] =	ssyncset.done $0x0  }
0x5f: {  	[sflag:s4] =	ssyncadd.s32 $0xFFFFFE00  }
0x60: {  	[spmem:s1] =	stream.indirect.scatter.add.f32 [tilespmem:s12], [sflag:$0x2], $0x1, s11, s11, $0xb8;
	[tilespmem:$0x2E80] =	vst v63  }
0x61: {  	_ =	swait.ge [sflag:s4], $0x200  }
0x62: {  	[sflag:s4] =	ssyncset.done $0x0  }
0x63: {  	s13 =	rddreg [dreg:$0x9];
	[sflag:s4] =	ssyncadd.s32 $0xFFFFFE00  }
0x64: {  	[spmem:s1] =	stream.indirect.scatter.add.f32 [tilespmem:s12], [sflag:$0x2], $0x1, s13, s11, $0xb8;
	[tilespmem:$0x2E80] =	vst v63  }
0x65: {  	_ =	swait.ge [sflag:s4], $0x200  }
0x66: {  	[sflag:s4] =	ssyncset.done $0x0  }
0x67: {  	s23 =	rddreg [dreg:$0xa];
	[sflag:s4] =	ssyncadd.s32 $0xFFFFFE00  }
0x68: {  	[spmem:s1] =	stream.indirect.scatter.add.f32 [tilespmem:s12], [sflag:$0x2], $0x1, s23, s11, $0xb8;
	[tilespmem:$0x2E80] =	vst v63  }
0x69: {  	_ =	swait.ge [sflag:s4], $0x200  }
0x6a: {  	[sflag:s4] =	ssyncset.done $0x0  }
0x6b: {  	s24 =	rddreg [dreg:$0xb];
	[sflag:s4] =	ssyncadd.s32 $0xFFFFFE00  }
0x6c: {  	[spmem:s1] =	stream.indirect.scatter.add.f32 [tilespmem:s12], [sflag:$0x2], $0x1, s24, s11, $0xb8;
	[tilespmem:$0x2E80] =	vst v63  }
0x6d: {  	_ =	swait.ge [sflag:s4], $0x200  }
0x6e: {  	[sflag:s4] =	ssyncset.done $0x0  }
0x6f: {  	s25 =	rddreg [dreg:$0xc];
	[sflag:s4] =	ssyncadd.s32 $0xFFFFFE00  }
0x70: {  	[spmem:s1] =	stream.indirect.scatter.add.f32 [tilespmem:s12], [sflag:$0x2], $0x1, s25, s11, $0xb8;
	[tilespmem:$0x2E80] =	vst v63  }
0x71: {  	_ =	swait.ge [sflag:s4], $0x200  }
0x72: {  	[sflag:s4] =	ssyncset.done $0x0  }
0x73: {  	s26 =	rddreg [dreg:$0xd];
	[sflag:s4] =	ssyncadd.s32 $0xFFFFFE00  }
0x74: {  	[spmem:s1] =	stream.indirect.scatter.add.f32 [tilespmem:s12], [sflag:$0x2], $0x1, s26, s11, $0xb8;
	[tilespmem:$0x2E80] =	vst v63  }
0x75: {  	_ =	swait.ge [sflag:s4], $0x200  }
0x76: {  	[sflag:s4] =	ssyncset.done $0x0  }
0x77: {  	s3 =	rddreg [dreg:$0xe];
	[sflag:s4] =	ssyncadd.s32 $0xFFFFFE00  }
0x78: {  	[spmem:s1] =	stream.indirect.scatter.add.f32 [tilespmem:s12], [sflag:$0x2], $0x1, s3, s11, $0xb8;
	[tilespmem:$0x2E80] =	vst v63  }
0x79: {  	_ =	swait.ge [sflag:s4], $0x200  }
0x7a: {  	[sflag:s4] =	ssyncset.done $0x0  }
0x7b: {  	s13 =	simm.s32 $0x1000;
	[sflag:s4] =	ssyncadd.s32 $0xFFFFFE00  }
0x7c: {  	[spmem:s1] =	stream.indirect.scatter.add.f32 [tilespmem:s12], [sflag:$0x2], $0x1, s13, s11, $0xb8;
	[tilespmem:$0x2E80] =	vst v63  }
0x7d: {  	_ =	swait.ge [sflag:s4], $0x200  }
0x7e: {  	[sflag:s4] =	ssyncset.done $0x0  }
0x7f: {  	s14 =	simm.s32 $0x1200;
	[sflag:s4] =	ssyncadd.s32 $0xFFFFFE00  }
0x80: {  	[spmem:s1] =	stream.indirect.scatter.add.f32 [tilespmem:s12], [sflag:$0x2], $0x1, s14, s11, $0xb8;
	[tilespmem:$0x2E80] =	vst v63  }
0x81: {  	_ =	swait.ge [sflag:s4], $0x200  }
0x82: {  	[sflag:s4] =	ssyncset.done $0x0  }
0x83: {  	s15 =	simm.s32 $0x1400;
	[sflag:s4] =	ssyncadd.s32 $0xFFFFFE00  }
0x84: {  	[spmem:s1] =	stream.indirect.scatter.add.f32 [tilespmem:s12], [sflag:$0x2], $0x1, s15, s11, $0xb8;
	[tilespmem:$0x2E80] =	vst v63  }
0x85: {  	_ =	swait.ge [sflag:s4], $0x200  }
0x86: {  	[sflag:s4] =	ssyncset.done $0x0  }
0x87: {  	s16 =	simm.s32 $0x1600;
	[sflag:s4] =	ssyncadd.s32 $0xFFFFFE00  }
0x88: {  	[spmem:s1] =	stream.indirect.scatter.add.f32 [tilespmem:s12], [sflag:$0x2], $0x1, s16, s11, $0xb8;
	[tilespmem:$0x2E80] =	vst v63  }
0x89: {  	_ =	swait.ge [sflag:s4], $0x200  }
0x8a: {  	[sflag:s4] =	ssyncset.done $0x0  }
0x8b: {  	s17 =	simm.s32 $0x1800;
	[sflag:s4] =	ssyncadd.s32 $0xFFFFFE00  }
0x8c: {  	[spmem:s1] =	stream.indirect.scatter.add.f32 [tilespmem:s12], [sflag:$0x2], $0x1, s17, s11, $0xb8;
	[tilespmem:$0x2E80] =	vst v63  }
0x8d: {  	_ =	swait.ge [sflag:s4], $0x200  }
0x8e: {  	[sflag:s4] =	ssyncset.done $0x0  }
0x8f: {  	s18 =	simm.s32 $0x1A00;
	[sflag:s4] =	ssyncadd.s32 $0xFFFFFE00  }
0x90: {  	[spmem:s1] =	stream.indirect.scatter.add.f32 [tilespmem:s12], [sflag:$0x2], $0x1, s18, s11, $0xb8;
	[tilespmem:$0x2E80] =	vst v63  }
0x91: {  	_ =	swait.ge [sflag:s4], $0x200  }
0x92: {  	[sflag:s4] =	ssyncset.done $0x0  }
0x93: {  	s19 =	simm.s32 $0x1C00;
	[sflag:s4] =	ssyncadd.s32 $0xFFFFFE00  }
0x94: {  	[spmem:s1] =	stream.indirect.scatter.add.f32 [tilespmem:s12], [sflag:$0x2], $0x1, s19, s11, $0xb8;
	[tilespmem:$0x2E80] =	vst v63  }
0x95: {  	_ =	swait.ge [sflag:s4], $0x200  }
0x96: {  	[sflag:s4] =	ssyncset.done $0x0  }
0x97: {  	s20 =	simm.s32 $0x1E00;
	[sflag:s4] =	ssyncadd.s32 $0xFFFFFE00  }
0x98: {  	[spmem:s1] =	stream.indirect.scatter.add.f32 [tilespmem:s12], [sflag:$0x2], $0x1, s20, s11, $0xb8;
	[tilespmem:$0x2E80] =	vst v63  }
0x99: {  	_ =	swait.ge [sflag:s4], $0x200  }
0x9a: {  	[sflag:s4] =	ssyncset.done $0x0  }
0x9b: {  	s21 =	simm.s32 $0x2000;
	[sflag:s4] =	ssyncadd.s32 $0xFFFFFE00  }
0x9c: {  	[spmem:s1] =	stream.indirect.scatter.add.f32 [tilespmem:s12], [sflag:$0x2], $0x1, s21, s11, $0xb8;
	[tilespmem:$0x2E80] =	vst v63  }
0x9d: {  	_ =	swait.ge [sflag:s4], $0x200  }
0x9e: {  	[sflag:s4] =	ssyncset.done $0x0  }
0x9f: {  	s22 =	simm.s32 $0x2200;
	[sflag:s4] =	ssyncadd.s32 $0xFFFFFE00  }
0xa0: {  	[spmem:s1] =	stream.indirect.scatter.add.f32 [tilespmem:s12], [sflag:$0x2], $0x1, s22, s11, $0xb8;
	[tilespmem:$0x2E80] =	vst v63  }
0xa1: {  	_ =	swait.ge [sflag:s4], $0x200  }
0xa2: {  	[sflag:s4] =	ssyncset.done $0x0  }
0xa3: {  	s23 =	simm.s32 $0x2400;
	[sflag:s4] =	ssyncadd.s32 $0xFFFFFE00  }
0xa4: {  	[spmem:s1] =	stream.indirect.scatter.add.f32 [tilespmem:s12], [sflag:$0x2], $0x1, s23, s11, $0xb8;
	[tilespmem:$0x2E80] =	vst v63  }
0xa5: {  	_ =	swait.ge [sflag:s4], $0x200  }
0xa6: {  	[sflag:s4] =	ssyncset.done $0x0  }
0xa7: {  	s24 =	simm.s32 $0x2600;
	[sflag:s4] =	ssyncadd.s32 $0xFFFFFE00  }
0xa8: {  	[spmem:s1] =	stream.indirect.scatter.add.f32 [tilespmem:s12], [sflag:$0x2], $0x1, s24, s6, $0xb8;
	[tilespmem:$0x2E80] =	vst v63  }
0xa9: {  	_ =	swait.ge [sflag:s4], $0x80  }
0xaa: {  	[sflag:s4] =	ssyncset.done $0x0  }
0xab: {  	s0 =	ssub.s32 $0x2, s0;
	s25 =	simm.s32 $0x2680;
	[sflag:s4] =	ssyncadd.s32 $0xFFFFFF80  }
0xac: {  	[spmem:s1] =	stream.indirect.scatter.add.f32 [tilespmem:s12], [sflag:$0x2], $0x1, s25, s6, $0xb8;
	[tilespmem:$0x2E80] =	vst v63  }
0xad: {  	s28 =	simm.s32 @!p0 $0x2780;
	s31 =	sshrl.u32 s0, $0x1;
	_ =	swait.ge [sflag:s4], $0x80  }
0xae: {  	s29 =	simm.s32 @!p0 $0x2;
	s0 =	ssub.s32 s0, s31;
	[sflag:s4] =	ssyncset.done $0x0  }
0xaf: {  	s0 =	smax.u32 s0, $0x1;
	s26 =	simm.s32 @!p0 $0x80;
	[sflag:s4] =	ssyncadd.s32 $0xFFFFFF80  }
0xb0: {  	[spmem:s1] =	stream.indirect.scatter.add.f32 @!p0 [tilespmem:s28], [sflag:$0x2], $0x1, s9, s26, $0xb8;
	[tilespmem:$0x2E80] =	vst v63  }
0xb1: {  	s0 =	sadd.s32 $0xFFFFFFFF, s0;
	_ =	swait.ge @!p0 [sflag:s29], $0x80  }
0xb2: {  	p1 =	sne.s32 s0, $0x0;
	[sflag:s29] =	ssyncset.done @!p0 $0x0  }
.Ltmp0:
0xb3: {  	[sflag:s29] =	ssyncadd.s32 @!p0 $0xFFFFFF80;
	(pc) =	sbr.rel @!p1 .LBB2_2-.Ltmp0, $4  }
0xb4: {  	[bflag:$0x0] =	sbarrier.arrive $0xFFFF  }
0xb5: {  	s30 =	sor.u32 $0x1C02, s30;
	s31 =	sshrl.u32 s5, $0x3;
	s8 =	rddreg [dreg:$0x6]  }
0xb6: {  	[hbm:s8], [sflag:s30] =	dma.local [spmem:s31], $0x50  }
0xb7: {  	_ =	swait.ge [sflag:s4], $0x50  }
.LBB2_1:
0xb8: {  	[sflag:s4] =	ssyncset.done $0x0  }
0xb9: {  	[sflag:s4] =	ssyncadd.s32 $0xFFFFFFB0  }
0xba: {  	[tilespmem:$0x2780] =	vst v0  }
0xbb: {  	[tilespmem:$0x2BF0] =	vst v1  }
0xbc: {  	[tilespmem:$0x2BE0] =	vst v1  }
0xbd: {  	[tilespmem:$0x2BD0] =	vst v1  }
0xbe: {  	[tilespmem:$0x2BC0] =	vst v1  }
0xbf: {  	[tilespmem:$0x2BB0] =	vst v1  }
0xc0: {  	[tilespmem:$0x2BA0] =	vst v1  }
0xc1: {  	[tilespmem:$0x2B90] =	vst v1  }
0xc2: {  	[tilespmem:$0x2B80] =	vst v1  }
0xc3: {  	[tilespmem:$0x2B70] =	vst v1  }
0xc4: {  	[tilespmem:$0x2B60] =	vst v1  }
0xc5: {  	[tilespmem:$0x2B50] =	vst v1  }
0xc6: {  	[tilespmem:$0x2B40] =	vst v1  }
0xc7: {  	[tilespmem:$0x2B30] =	vst v1  }
0xc8: {  	[tilespmem:$0x2B20] =	vst v1  }
0xc9: {  	[tilespmem:$0x2B10] =	vst v1  }
0xca: {  	[tilespmem:$0x2B00] =	vst v1  }
0xcb: {  	[tilespmem:$0x2AF0] =	vst v1  }
0xcc: {  	[tilespmem:$0x2AE0] =	vst v1  }
0xcd: {  	[tilespmem:$0x2AD0] =	vst v1  }
0xce: {  	[tilespmem:$0x2AC0] =	vst v1  }
0xcf: {  	[tilespmem:$0x2AB0] =	vst v1  }
0xd0: {  	[tilespmem:$0x2AA0] =	vst v1  }
0xd1: {  	[tilespmem:$0x2A90] =	vst v1  }
0xd2: {  	[tilespmem:$0x2A80] =	vst v1  }
0xd3: {  	[tilespmem:$0x2A70] =	vst v1  }
0xd4: {  	[tilespmem:$0x2A60] =	vst v1  }
0xd5: {  	[tilespmem:$0x2A50] =	vst v1  }
0xd6: {  	[tilespmem:$0x2A40] =	vst v1  }
0xd7: {  	[tilespmem:$0x2A30] =	vst v1  }
0xd8: {  	[tilespmem:$0x2A20] =	vst v1  }
0xd9: {  	[tilespmem:$0x2A10] =	vst v1  }
0xda: {  	[tilespmem:$0x2A00] =	vst v1  }
0xdb: {  	[tilespmem:$0x29F0] =	vst v1  }
0xdc: {  	[tilespmem:$0x29E0] =	vst v1  }
0xdd: {  	[tilespmem:$0x29D0] =	vst v1  }
0xde: {  	[tilespmem:$0x29C0] =	vst v1  }
0xdf: {  	[tilespmem:$0x29B0] =	vst v1  }
0xe0: {  	[tilespmem:$0x29A0] =	vst v1  }
0xe1: {  	[tilespmem:$0x2990] =	vst v1  }
0xe2: {  	[tilespmem:$0x2980] =	vst v1  }
0xe3: {  	[tilespmem:$0x2970] =	vst v0  }
0xe4: {  	[tilespmem:$0x2960] =	vst v0  }
0xe5: {  	[tilespmem:$0x2950] =	vst v0  }
0xe6: {  	[tilespmem:$0x2940] =	vst v0  }
0xe7: {  	[tilespmem:$0x2930] =	vst v0  }
0xe8: {  	[tilespmem:$0x2920] =	vst v0  }
0xe9: {  	[tilespmem:$0x2910] =	vst v0  }
0xea: {  	[tilespmem:$0x2900] =	vst v0  }
0xeb: {  	[tilespmem:$0x28F0] =	vst v0  }
0xec: {  	[tilespmem:$0x28E0] =	vst v0  }
0xed: {  	[tilespmem:$0x28D0] =	vst v0  }
0xee: {  	[tilespmem:$0x28C0] =	vst v0  }
0xef: {  	[tilespmem:$0x28B0] =	vst v0  }
0xf0: {  	[tilespmem:$0x28A0] =	vst v0  }
0xf1: {  	[tilespmem:$0x2890] =	vst v0  }
0xf2: {  	[tilespmem:$0x2880] =	vst v0  }
0xf3: {  	[tilespmem:$0x2870] =	vst v0  }
0xf4: {  	[tilespmem:$0x2860] =	vst v0  }
0xf5: {  	[tilespmem:$0x2850] =	vst v0  }
0xf6: {  	[tilespmem:$0x2840] =	vst v0  }
0xf7: {  	[tilespmem:$0x2830] =	vst v0  }
0xf8: {  	[tilespmem:$0x2820] =	vst v0  }
0xf9: {  	[tilespmem:$0x2810] =	vst v0  }
0xfa: {  	[tilespmem:$0x2800] =	vst v0  }
0xfb: {  	[tilespmem:$0x27F0] =	vst v0  }
0xfc: {  	[tilespmem:$0x27E0] =	vst v0  }
0xfd: {  	[tilespmem:$0x27D0] =	vst v0  }
0xfe: {  	[tilespmem:$0x27C0] =	vst v0  }
0xff: {  	[tilespmem:$0x27B0] =	vst v0  }
0x100: {  	[tilespmem:$0x27A0] =	vst v0  }
0x101: {  	s3 =	rddreg [dreg:$0x7];
	[tilespmem:$0x2790] =	vst v0  }
0x102: {  	[spmem:s5] =	stream.linear.scatter [tilespmem:s3], [sflag:$0x2], $0x280, $0x38;
	[tilespmem:$0x2E80] =	vst v63  }
0x103: {  	_ =	swait.ge [sflag:s4], $0x280  }
0x104: {  	s3 =	rddreg [dreg:$0x4];
	[sflag:s4] =	ssyncset.done $0x0  }
0x105: {  	s8 =	rddreg [dreg:$0x8];
	[sflag:s4] =	ssyncadd.s32 $0xFFFFFD80  }
0x106: {  	[tilespmem:s2], [sflag:$0x1] =	stream.strided.gather [hbm4b:s3+s6], $0x2700, s8, s6, $0x38;
	[tilespmem:$0x2E80] =	vst v63  }
0x107: {  	_ =	swait.ge @p0 [sflag:s7], $0x2700  }
0x108: {  	[sflag:s7] =	ssyncset.done @p0 $0x0  }
0x109: {  	s8 =	simm.s32 @!p0 $0x0;
	s3 =	rddreg [dreg:$0x5];
	[sflag:s7] =	ssyncadd.s32 @p0 $0xFFFFD900  }
0x10a: {  	[tilespmem:s9], [sflag:$0x1] =	stream.linear.gather @!p0 [hbm4b:s3+s8], $0x80, $0x38;
	[tilespmem:$0x2E80] =	vst v63  }
0x10b: {  	_ =	swait.ge @!p0 [sflag:s10], $0x2700  }
0x10c: {  	[sflag:s10] =	ssyncset.done @!p0 $0x0  }
0x10d: {  	[sflag:s10] =	ssyncadd.s32 @!p0 $0xFFFFD900  }
0x10e: {  	_ =	swait.ge @!p0 [sflag:s10], $0x80  }
0x10f: {  	[sflag:s10] =	ssyncset.done @!p0 $0x0  }
0x110: {  	[sflag:s10] =	ssyncadd.s32 @!p0 $0xFFFFFF80  }
0x111: {  	[bflag:$0x0] =	sbarrier.arrive $0xFFFF  }
0x112: {  	[spmem:s1] =	stream.indirect.scatter.add.f32 [tilespmem:s12], [sflag:$0x2], $0x1, s2, s11, $0xb8;
	[tilespmem:$0x2E80] =	vst v63  }
0x113: {  	_ =	swait.ge [sflag:s4], $0x200  }
0x114: {  	[sflag:s4] =	ssyncset.done $0x0  }
0x115: {  	[sflag:s4] =	ssyncadd.s32 $0xFFFFFE00  }
0x116: {  	[spmem:s1] =	stream.indirect.scatter.add.f32 [tilespmem:s12], [sflag:$0x2], $0x1, s11, s11, $0xb8;
	[tilespmem:$0x2E80] =	vst v63  }
0x117: {  	_ =	swait.ge [sflag:s4], $0x200  }
0x118: {  	[sflag:s4] =	ssyncset.done $0x0  }
0x119: {  	s8 =	rddreg [dreg:$0x9];
	[sflag:s4] =	ssyncadd.s32 $0xFFFFFE00  }
0x11a: {  	[spmem:s1] =	stream.indirect.scatter.add.f32 [tilespmem:s12], [sflag:$0x2], $0x1, s8, s11, $0xb8;
	[tilespmem:$0x2E80] =	vst v63  }
0x11b: {  	_ =	swait.ge [sflag:s4], $0x200  }
0x11c: {  	[sflag:s4] =	ssyncset.done $0x0  }
0x11d: {  	s8 =	rddreg [dreg:$0xa];
	[sflag:s4] =	ssyncadd.s32 $0xFFFFFE00  }
0x11e: {  	[spmem:s1] =	stream.indirect.scatter.add.f32 [tilespmem:s12], [sflag:$0x2], $0x1, s8, s11, $0xb8;
	[tilespmem:$0x2E80] =	vst v63  }
0x11f: {  	_ =	swait.ge [sflag:s4], $0x200  }
0x120: {  	[sflag:s4] =	ssyncset.done $0x0  }
0x121: {  	s8 =	rddreg [dreg:$0xb];
	[sflag:s4] =	ssyncadd.s32 $0xFFFFFE00  }
0x122: {  	[spmem:s1] =	stream.indirect.scatter.add.f32 [tilespmem:s12], [sflag:$0x2], $0x1, s8, s11, $0xb8;
	[tilespmem:$0x2E80] =	vst v63  }
0x123: {  	_ =	swait.ge [sflag:s4], $0x200  }
0x124: {  	[sflag:s4] =	ssyncset.done $0x0  }
0x125: {  	s8 =	rddreg [dreg:$0xc];
	[sflag:s4] =	ssyncadd.s32 $0xFFFFFE00  }
0x126: {  	[spmem:s1] =	stream.indirect.scatter.add.f32 [tilespmem:s12], [sflag:$0x2], $0x1, s8, s11, $0xb8;
	[tilespmem:$0x2E80] =	vst v63  }
0x127: {  	_ =	swait.ge [sflag:s4], $0x200  }
0x128: {  	[sflag:s4] =	ssyncset.done $0x0  }
0x129: {  	s8 =	rddreg [dreg:$0xd];
	[sflag:s4] =	ssyncadd.s32 $0xFFFFFE00  }
0x12a: {  	[spmem:s1] =	stream.indirect.scatter.add.f32 [tilespmem:s12], [sflag:$0x2], $0x1, s8, s11, $0xb8;
	[tilespmem:$0x2E80] =	vst v63  }
0x12b: {  	_ =	swait.ge [sflag:s4], $0x200  }
0x12c: {  	[sflag:s4] =	ssyncset.done $0x0  }
0x12d: {  	s8 =	rddreg [dreg:$0xe];
	[sflag:s4] =	ssyncadd.s32 $0xFFFFFE00  }
0x12e: {  	[spmem:s1] =	stream.indirect.scatter.add.f32 [tilespmem:s12], [sflag:$0x2], $0x1, s8, s11, $0xb8;
	[tilespmem:$0x2E80] =	vst v63  }
0x12f: {  	_ =	swait.ge [sflag:s4], $0x200  }
0x130: {  	[sflag:s4] =	ssyncset.done $0x0  }
0x131: {  	[sflag:s4] =	ssyncadd.s32 $0xFFFFFE00  }
0x132: {  	[spmem:s1] =	stream.indirect.scatter.add.f32 [tilespmem:s12], [sflag:$0x2], $0x1, s13, s11, $0xb8;
	[tilespmem:$0x2E80] =	vst v63  }
0x133: {  	_ =	swait.ge [sflag:s4], $0x200  }
0x134: {  	[sflag:s4] =	ssyncset.done $0x0  }
0x135: {  	[sflag:s4] =	ssyncadd.s32 $0xFFFFFE00  }
0x136: {  	[spmem:s1] =	stream.indirect.scatter.add.f32 [tilespmem:s12], [sflag:$0x2], $0x1, s14, s11, $0xb8;
	[tilespmem:$0x2E80] =	vst v63  }
0x137: {  	_ =	swait.ge [sflag:s4], $0x200  }
0x138: {  	[sflag:s4] =	ssyncset.done $0x0  }
0x139: {  	[sflag:s4] =	ssyncadd.s32 $0xFFFFFE00  }
0x13a: {  	[spmem:s1] =	stream.indirect.scatter.add.f32 [tilespmem:s12], [sflag:$0x2], $0x1, s15, s11, $0xb8;
	[tilespmem:$0x2E80] =	vst v63  }
0x13b: {  	_ =	swait.ge [sflag:s4], $0x200  }
0x13c: {  	[sflag:s4] =	ssyncset.done $0x0  }
0x13d: {  	[sflag:s4] =	ssyncadd.s32 $0xFFFFFE00  }
0x13e: {  	[spmem:s1] =	stream.indirect.scatter.add.f32 [tilespmem:s12], [sflag:$0x2], $0x1, s16, s11, $0xb8;
	[tilespmem:$0x2E80] =	vst v63  }
0x13f: {  	_ =	swait.ge [sflag:s4], $0x200  }
0x140: {  	[sflag:s4] =	ssyncset.done $0x0  }
0x141: {  	[sflag:s4] =	ssyncadd.s32 $0xFFFFFE00  }
0x142: {  	[spmem:s1] =	stream.indirect.scatter.add.f32 [tilespmem:s12], [sflag:$0x2], $0x1, s17, s11, $0xb8;
	[tilespmem:$0x2E80] =	vst v63  }
0x143: {  	_ =	swait.ge [sflag:s4], $0x200  }
0x144: {  	[sflag:s4] =	ssyncset.done $0x0  }
0x145: {  	[sflag:s4] =	ssyncadd.s32 $0xFFFFFE00  }
0x146: {  	[spmem:s1] =	stream.indirect.scatter.add.f32 [tilespmem:s12], [sflag:$0x2], $0x1, s18, s11, $0xb8;
	[tilespmem:$0x2E80] =	vst v63  }
0x147: {  	_ =	swait.ge [sflag:s4], $0x200  }
0x148: {  	[sflag:s4] =	ssyncset.done $0x0  }
0x149: {  	[sflag:s4] =	ssyncadd.s32 $0xFFFFFE00  }
0x14a: {  	[spmem:s1] =	stream.indirect.scatter.add.f32 [tilespmem:s12], [sflag:$0x2], $0x1, s19, s11, $0xb8;
	[tilespmem:$0x2E80] =	vst v63  }
0x14b: {  	_ =	swait.ge [sflag:s4], $0x200  }
0x14c: {  	[sflag:s4] =	ssyncset.done $0x0  }
0x14d: {  	[sflag:s4] =	ssyncadd.s32 $0xFFFFFE00  }
0x14e: {  	[spmem:s1] =	stream.indirect.scatter.add.f32 [tilespmem:s12], [sflag:$0x2], $0x1, s20, s11, $0xb8;
	[tilespmem:$0x2E80] =	vst v63  }
0x14f: {  	_ =	swait.ge [sflag:s4], $0x200  }
0x150: {  	[sflag:s4] =	ssyncset.done $0x0  }
0x151: {  	[sflag:s4] =	ssyncadd.s32 $0xFFFFFE00  }
0x152: {  	[spmem:s1] =	stream.indirect.scatter.add.f32 [tilespmem:s12], [sflag:$0x2], $0x1, s21, s11, $0xb8;
	[tilespmem:$0x2E80] =	vst v63  }
0x153: {  	_ =	swait.ge [sflag:s4], $0x200  }
0x154: {  	[sflag:s4] =	ssyncset.done $0x0  }
0x155: {  	[sflag:s4] =	ssyncadd.s32 $0xFFFFFE00  }
0x156: {  	[spmem:s1] =	stream.indirect.scatter.add.f32 [tilespmem:s12], [sflag:$0x2], $0x1, s22, s11, $0xb8;
	[tilespmem:$0x2E80] =	vst v63  }
0x157: {  	_ =	swait.ge [sflag:s4], $0x200  }
0x158: {  	[sflag:s4] =	ssyncset.done $0x0  }
0x159: {  	[sflag:s4] =	ssyncadd.s32 $0xFFFFFE00  }
0x15a: {  	[spmem:s1] =	stream.indirect.scatter.add.f32 [tilespmem:s12], [sflag:$0x2], $0x1, s23, s11, $0xb8;
	[tilespmem:$0x2E80] =	vst v63  }
0x15b: {  	_ =	swait.ge [sflag:s4], $0x200  }
0x15c: {  	[sflag:s4] =	ssyncset.done $0x0  }
0x15d: {  	[sflag:s4] =	ssyncadd.s32 $0xFFFFFE00  }
0x15e: {  	[spmem:s1] =	stream.indirect.scatter.add.f32 [tilespmem:s12], [sflag:$0x2], $0x1, s24, s6, $0xb8;
	[tilespmem:$0x2E80] =	vst v63  }
0x15f: {  	_ =	swait.ge [sflag:s4], $0x80  }
0x160: {  	[sflag:s4] =	ssyncset.done $0x0  }
0x161: {  	[sflag:s4] =	ssyncadd.s32 $0xFFFFFF80  }
0x162: {  	[spmem:s1] =	stream.indirect.scatter.add.f32 [tilespmem:s12], [sflag:$0x2], $0x1, s25, s6, $0xb8;
	[tilespmem:$0x2E80] =	vst v63  }
0x163: {  	_ =	swait.ge [sflag:s4], $0x80  }
0x164: {  	[sflag:s4] =	ssyncset.done $0x0  }
0x165: {  	[sflag:s4] =	ssyncadd.s32 $0xFFFFFF80  }
0x166: {  	[spmem:s1] =	stream.indirect.scatter.add.f32 @!p0 [tilespmem:s28], [sflag:$0x2], $0x1, s9, s26, $0xb8;
	[tilespmem:$0x2E80] =	vst v63  }
0x167: {  	s0 =	sadd.s32 $0xFFFFFFFF, s0;
	_ =	swait.ge @!p0 [sflag:s29], $0x80  }
0x168: {  	p1 =	sne.s32 s0, $0x0;
	[sflag:s29] =	ssyncset.done @!p0 $0x0  }
.Ltmp1:
0x169: {  	[sflag:s29] =	ssyncadd.s32 @!p0 $0xFFFFFF80;
	(pc) =	sbr.rel @p1 .LBB2_1-.Ltmp1, $4  }
0x16a: {  	[bflag:$0x0] =	sbarrier.arrive $0xFFFF  }
0x16b: {  	s8 =	rddreg [dreg:$0x6]  }
0x16c: {  	[hbm:s8], [sflag:s30] =	dma.local [spmem:s31], $0x50  }
0x16d: {  	_ =	swait.ge [sflag:s4], $0x50  }
.LBB2_2:
0x16e: {  	[sflag:s4] =	ssyncset.done $0x0  }
0x16f: {  	[sflag:s4] =	ssyncadd.s32 $0xFFFFFFB0  }
0x170: {  	_ =	sfence.sel $0x180000  }
0x171: {  	[bflag:$0x0] =	sbarrier.arrive $0xFFFF  }
0x172: {  	_ =	strace $0x90000047  }
0x173: {  	s0 =	stileid.u32;
	[bflag:$0x2] =	sbarrier.arrive $0xFFFF  }
0x174: {  	p0 =	sne.s32 s0, $0x0;
	s0 =	rddreg [dreg:$0x3]  }
0x175: {  	s0 =	sadd.s32 @!p0 $0x100000, s0  }
0x176: {  	[sflag:s0] =	ssyncadd.tile.s32 @!p0 $0x1;
	_ =	shalt  }
.Lfunc_end2:
_tile_overlayer_lowered:
.L_overlay_start_2:
0x177: {  	(tag) =	ssettag $0x2  }
0x178: {  	s0 =	rddreg [dreg:$0x0];
	s2 =	stileid.u32  }
0x179: {  	s1 =	rddreg [dreg:$0x1];
	p0 =	sne.s32 s2, $0x0  }
0x17a: {  	s3 =	rddreg [dreg:$0x2];
	[bflag:$0x3] =	sbarrier.arrive $0xFFFF;
	s2 =	simm.s32 @!p0 $0x1C02  }
0x17b: {  	[timem:s3], [sflag:s2] =	dma.local @!p0 [hbm:s0], s1  }
0x17c: {  	s0 =	simm.s32 @!p0 $0x2  }
0x17d: {  	_ =	swait.ge @!p0 [sflag:s0], s1  }
0x17e: {  	s1 =	ssub.s32 @!p0 $0x0, s1;
	[sflag:s0] =	ssyncset.done @!p0 $0x0  }
0x17f: {  	[sflag:s0] =	ssyncadd.s32 @!p0 s1  }
0x180: {  	[bflag:$0x3] =	sbarrier.arrive $0xFFFF  }
0x181: {  	_ =	shalt  }

// kernel: kernel.9.cloned.1.call-start
scs
__scs_entry_jumppad:
0x0: {  	(pc) =	sbr.rel $0x88, $3  }
0x1: {  	(tag) =	ssettag $0x0;
	lr =	simm.s32 $0x1  }
0x2: {  	[smem:$0x3F9E] =	sst lr;
	_ =	strace $0xD0000000  }
0x3: {  	_ = 	snop  }
0x4: {  	_ = 	snop  }
0x5: {  	_ = 	snop  }
0x6: {  	_ = 	snop  }
0x7: {  	_ = 	snop  }
__scs_overlays_trampoline_lowered:
0x8: {  	[smem:$0x3FAD] =	sst s0  }
0x9: {  	[smem:$0x3FAE] =	sst s1  }
0xa: {  	[smem:$0x3FAF] =	sst s2  }
0xb: {  	[smem:$0x3FB0] =	sst s3  }
0xc: {  	[smem:$0x3FB1] =	sst s4  }
0xd: {  	[smem:$0x3FB2] =	sst s5  }
0xe: {  	[smem:$0x3FB3] =	sst s6  }
0xf: {  	[smem:$0x3FB4] =	sst s7  }
0x10: {  	[smem:$0x3FB5] =	sst s8  }
0x11: {  	[smem:$0x3FB6] =	sst s9;
	s0 =	simm.s32 @!p0 $0x0  }
0x12: {  	s1 =	sld [smem:$0x3F9C];
	s0 =	simm.s32 @p0 $0x1  }
0x13: {  	[smem:$0x3FB7] =	sst s0;
	s0 =	simm.s32 @!p1 $0x0  }
0x14: {  	s2 =	sld [smem:$0x3F9B];
	s0 =	simm.s32 @p1 $0x1  }
0x15: {  	[smem:$0x3FB8] =	sst s0;
	s0 =	simm.s32 @!p2 $0x0  }
0x16: {  	s3 =	sld [smem:$0x3FDB];
	s0 =	simm.s32 @p2 $0x1  }
0x17: {  	s4 =	simm.s32 $0x1BF5;
	[smem:$0x3FBA] =	sst s0  }
0x18: {  	s0 =	sld [smem:$0x3F9D];
	_ =	swait.ge [sflag:s4], $0x0  }
0x19: {  	s7 =	sld [smem:$0x3F9E]  }
0x1a: {  	s8 =	sadd.s32 $0xFFFFE003, lr  }
0x1b: {  	s9 =	sadd.s32 $0xFFFFFEF7, lr;
	s5 =	simm.s32 $0xFFFFFFFF;
	p2 =	slt.u32 s8, $0xFFFFF086  }
0x1c: {  	p1 =	slt.u32 s9, $0xF7A;
	s5 =	simm.s32 @!p2 $0x0  }
0x1d: {  	s5 =	simm.s32 @p1 $0x1;
	p0 =	seq.s32 s7, s2  }
0x1e: {  	s7 =	smul.u32 @!p0 $0xF7A, s2;
	p2 =	seq.s32 @!p0 s5, $0x0  }
0x1f: {  	s9 =	smul.u32 $0xF7A, s1;
	s8 =	simm.s32 @!p0 $0x1BF5;
	p2 =	por !p2, p0  }
0x20: {  	[sflag:s8] =	ssyncset.s32 @!p0 $0xFFFFF086;
	s6 =	sadd.s32 @!p0 s3, s7;
	s7 =	simm.s32 @!p0 $0x108  }
0x21: {  	s3 =	sadd.s32 s3, s9;
	s6 =	sadd.s32 @!p0 $0x88, s6;
	s7 =	simm.s32 @p2 $0x1082  }
0x22: {  	[simem:s7], [sflag:s8] =	dma.local @!p0 [hbm:s6], $0xF7A  }
0x23: {  	s9 =	sor.u32 $0xD0000000, s2;
	s6 =	simm.s32 $0x108;
	_ =	swait.ge @!p0 [sflag:s8], $0x0  }
0x24: {  	s3 =	sadd.s32 $0x88, s3;
	s6 =	simm.s32 @!p1 $0x1082;
	[sflag:s4] =	ssyncset.s32 $0xFFFFF086  }
0x25: {  	[simem:s6], [sflag:s4] =	dma.local [hbm:s3], $0xF7A  }
0x26: {  	[smem:$0x3F9E] =	sst s1;
	(tag) =	ssettag s2;
	_ =	strace s9  }
0x27: {  	s1 =	sld [smem:$0x3FAE]  }
0x28: {  	s2 =	sld [smem:$0x3FAF]  }
0x29: {  	s4 =	sld [smem:$0x3FB1]  }
0x2a: {  	p0 =	seq.s32 s5, $0x0;
	s5 =	sld [smem:$0x3FB2]  }
0x2b: {  	s6 =	sld [smem:$0x3FB3]  }
0x2c: {  	s7 =	sld [smem:$0x3FB4]  }
0x2d: {  	s3 =	simm.s32 $0x108;
	s8 =	sld [smem:$0x3FB5]  }
0x2e: {  	s3 =	simm.s32 @!p0 $0x1082;
	s9 =	sld [smem:$0x3FB6]  }
0x2f: {  	lr =	sadd.s32 s0, s3;
	s0 =	sld [smem:$0x3FAD]  }
0x30: {  	s3 =	sld [smem:$0x3FB0]  }
0x31: {  	[smem:$0x3FB9] =	sst s10  }
0x32: {  	s10 =	sld [smem:$0x3FB7];
	_ =	sdelay $0x3  }
0x33: {  	p0 =	seq.s32 s10, $0x1;
	s10 =	sld [smem:$0x3FB9];
	_ =	sdelay $0x3  }
0x34: {  	[smem:$0x3FB9] =	sst s10  }
0x35: {  	s10 =	sld [smem:$0x3FB8];
	_ =	sdelay $0x3  }
0x36: {  	p1 =	seq.s32 s10, $0x1;
	s10 =	sld [smem:$0x3FB9];
	_ =	sdelay $0x3  }
0x37: {  	[smem:$0x3FB9] =	sst s10  }
0x38: {  	s10 =	sld [smem:$0x3FBA]  }
0x39: {  	_ = 	snop;
	(pc) =	sbr.ind lr, $3  }
0x3a: {  	_ = 	snop  }
0x3b: {  	_ = 	snop  }
0x3c: {  	p2 =	seq.s32 s10, $0x1;
	s10 =	sld [smem:$0x3FB9]  }
0x3d: {  	_ =	shalt  }
0x3e: {  	_ =	shalt  }
0x3f: {  	_ =	shalt  }
0x40: {  	_ =	shalt  }
0x41: {  	_ =	shalt  }
0x42: {  	_ =	shalt  }
0x43: {  	_ =	shalt  }
0x44: {  	_ =	shalt  }
0x45: {  	_ =	shalt  }
0x46: {  	_ =	shalt  }
0x47: {  	_ =	shalt  }
0x48: {  	_ =	shalt  }
0x49: {  	_ =	shalt  }
0x4a: {  	_ =	shalt  }
0x4b: {  	_ =	shalt  }
0x4c: {  	_ =	shalt  }
0x4d: {  	_ =	shalt  }
0x4e: {  	_ =	shalt  }
0x4f: {  	_ =	shalt  }
0x50: {  	_ =	shalt  }
0x51: {  	_ =	shalt  }
0x52: {  	_ =	shalt  }
0x53: {  	_ =	shalt  }
0x54: {  	_ =	shalt  }
0x55: {  	_ =	shalt  }
0x56: {  	_ =	shalt  }
0x57: {  	_ =	shalt  }
0x58: {  	_ =	shalt  }
0x59: {  	_ =	shalt  }
0x5a: {  	_ =	shalt  }
0x5b: {  	_ =	shalt  }
0x5c: {  	_ =	shalt  }
0x5d: {  	_ =	shalt  }
0x5e: {  	_ =	shalt  }
0x5f: {  	_ =	shalt  }
0x60: {  	_ =	shalt  }
0x61: {  	_ =	shalt  }
0x62: {  	_ =	shalt  }
0x63: {  	_ =	shalt  }
0x64: {  	_ =	shalt  }
0x65: {  	_ =	shalt  }
0x66: {  	_ =	shalt  }
0x67: {  	_ =	shalt  }
0x68: {  	_ =	shalt  }
0x69: {  	_ =	shalt  }
0x6a: {  	_ =	shalt  }
0x6b: {  	_ =	shalt  }
0x6c: {  	_ =	shalt  }
0x6d: {  	_ =	shalt  }
0x6e: {  	_ =	shalt  }
0x6f: {  	_ =	shalt  }
0x70: {  	_ =	shalt  }
0x71: {  	_ =	shalt  }
0x72: {  	_ =	shalt  }
0x73: {  	_ =	shalt  }
0x74: {  	_ =	shalt  }
0x75: {  	_ =	shalt  }
0x76: {  	_ =	shalt  }
0x77: {  	_ =	shalt  }
0x78: {  	_ =	shalt  }
0x79: {  	_ =	shalt  }
0x7a: {  	_ =	shalt  }
0x7b: {  	_ =	shalt  }
0x7c: {  	_ =	shalt  }
0x7d: {  	_ =	shalt  }
0x7e: {  	_ =	shalt  }
0x7f: {  	_ =	shalt  }
0x80: {  	_ =	shalt  }
0x81: {  	_ =	shalt  }
0x82: {  	_ =	shalt  }
0x83: {  	_ =	shalt  }
0x84: {  	_ =	shalt  }
0x85: {  	_ =	shalt  }
0x86: {  	_ =	shalt  }
0x87: {  	_ =	shalt  }
.Lfunc_end0:
.L_simem_size_0:
called_computation.1_lowered:
.L_overlay_start_0:
0x88: {  	s2 =	sld [smem:$0x3FD9]  }
0x89: {  	s3 =	sld [smem:$0x3FFE];
	_ =	sdelay $0x1  }
0x8a: {  	s1 =	srdreg.scid  }
0x8b: {  	s0 =	sand.u32 $0x1, s1  }
0x8c: {  	s17 =	sshll.u32 s0, $0xA;
	s2 =	sadd.s32 s3, s2  }
0x8d: {  	s2 =	sadd.s32 s2, s17  }
0x8e: {  	[smem:$0x3FC5] =	sst s2  }
0x8f: {  	_ = 	snop  }
0x90: {  	s2 =	sld [smem:$0x3FC8];
	(tm) =	ssettm $0x1  }
0x91: {  	s18 =	sld [smem:$0x3FFB];
	_ =	sdelay $0x3  }
0x92: {  	_ =	strace s18  }
0x93: {  	s3 =	sld [smem:$0x3FFC];
	_ =	sdelay $0x3  }
0x94: {  	_ =	strace s3  }
0x95: {  	s3 =	sld [smem:$0x3FFD];
	_ =	sdelay $0x3  }
0x96: {  	_ =	strace s3  }
0x97: {  	_ =	strace $0x8FFFFFFF  }
0x98: {  	s19 =	sld [smem:$0x3FDB];
	_ =	sdelay $0x1  }
0x99: {  	s4 =	simm.s32 $_scs_section_size  }
0x9a: {  	s5 =	simm.s32 $_size__tile_overlayer_lowered;
	s6 =	simm.s32 $_tile_overlayer_lowered  }
0x9b: {  	s22 =	simm.s32 $0x1BFF;
	s21 =	sshll.u32 s6, $0x1;
	s3 =	sadd.s32 s4, s19  }
0x9c: {  	s7 =	simm.s32 $0x0;
	s20 =	sshll.u32 s5, $0x1;
	s5 =	sadd.s32 s21, s3  }
0x9d: {  	[timem:s7], [sflag:s22] =	dma.local [hbm:s5], s20  }
0x9e: {  	_ =	swait.ge [sflag:s22], s20  }
0x9f: {  	s4 =	ssub.s32 $0x0, s20;
	[sflag:s22] =	ssyncset.done $0x0  }
0xa0: {  	[sflag:s22] =	ssyncadd.s32 s4;
	_ =	sdelay $0x1  }
0xa1: {  	s23 =	simm.s32 $0x1B8B  }
0xa2: {  	_ =	swait.ge [sflag:s23], $0x1  }
0xa3: {  	[sflag:s23] =	ssyncset.done $0x0  }
0xa4: {  	s25 =	simm.s32 $0x1B8E;
	s24 =	sld [smem:$0x3FFE];
	[sflag:s23] =	ssyncadd.s32 $0xFFFFFFFF  }
0xa5: {  	s26 =	simm.s32 $execute0_lowered;
	[smem:$0x3FD2] =	sst s25  }
0xa6: {  	s5 =	sshll.u32 s26, $0x1;
	_ =	strace $0x80000049;
	[dreg:$0x1] =	wrdreg $0xFFFFFFFF  }
0xa7: {  	s28 =	simm.s32 $_size_execute0_lowered;
	s3 =	sadd.s32 s3, s5;
	[dreg:$0x0] =	wrdreg $0x0  }
0xa8: {  	s5 =	sshll.u32 s28, $0x1;
	[dreg:$0x2] =	wrdreg s3  }
0xa9: {  	[dreg:$0x3] =	wrdreg s5  }
0xaa: {  	[dreg:$0x4] =	wrdreg $0xC0  }
0xab: {  	_ =	task [dreg:s7], $0x5FFFF  }
0xac: {  	[dreg:$0x1] =	wrdreg $0xFFFFFFFF  }
0xad: {  	[dreg:$0x0] =	wrdreg $0x60  }
0xae: {  	[dreg:$0x2] =	wrdreg s2  }
0xaf: {  	[dreg:$0x3] =	wrdreg s24  }
0xb0: {  	[dreg:$0x4] =	wrdreg $0x84000  }
0xb1: {  	[dreg:$0x5] =	wrdreg $0x9  }
0xb2: {  	_ =	task.clear_ibuf [dreg:s7], $0x6FFFF;
	_ =	strace $0x90000049  }
0xb3: {  	s29 =	simm.s32 $0x9;
	_ =	strace $0x8000004B  }
0xb4: {  	_ =	swait.ge [sflag:s29], $0x1  }
0xb5: {  	[sflag:s29] =	ssyncadd.s32 $0xFFFFFFFF  }
0xb6: {  	_ =	strace $0x9000004B  }
0xb7: {  	_ =	sfence  }
0xb8: {  	s30 =	sld [smem:$0x0];
	_ =	sdelay $0x2  }
0xb9: {  	s31 =	sshll.u32 s1, $0xD;
	s1 =	sshrl.u32 s1, $0x2  }
0xba: {  	s3 =	sand.u32 $0x4000, s31;
	s1 =	sadd.s32 s1, s30  }
0xbb: {  	s0 =	sor.u32 s3, s0;
	s1 =	sshll.u32 s1, $0x11  }
0xbc: {  	s0 =	sor.u32 s1, s0  }
0xbd: {  	s0 =	sadd.s32 $0x8F2B, s0  }
0xbe: {  	[sflag:s0] =	ssyncadd.remote.s32 $0x1  }
0xbf: {  	_ =	sfence.sel $0xFFFF  }
0xc0: {  	[dreg:$0x0] =	wrdreg $0xFFFFFFFF;
	(pc) =	sbr.abs _section_cstart, $3  }
0xc1: {  	[dreg:$0x1] =	wrdreg $0xFFFFFFFF  }
0xc2: {  	_ =	task.clear_ibuf [dreg:s7], $0x2FFFF;
	_ =	strace $0x9FFFFFFF  }
0xc3: {  	(tm) =	ssettm $0x7FFFFFFF  }
tec
execute0_lowered:
.L_overlay_start_1:
0x0: {  	(tag) =	ssettag $0x1  }
0x1: {  	s0 =	rddreg [dreg:$0x0]  }
0x2: {  	s1 =	rddreg [dreg:$0x1]  }
0x3: {  	s3 =	srdreg.scid;
	s12 =	stileid.u32  }
0x4: {  	s2 =	rddreg [dreg:$0x2];
	s28 =	simm.s32 $0x200;
	s7 =	smul.u32 $0x2800, s12  }
0x5: {  	s29 =	simm.s32 $0x80;
	s30 =	simm.s32 $0x280;
	s9 =	smul.u32 $0x50000, s12  }
0x6: {  	s31 =	simm.s32 $0x4400;
	s6 =	sand.u32 $0x1, s3;
	s26 =	smul.u32 $0x9C0, s12  }
0x7: {  	s3 =	simm.s32 $0x0;
	p2 =	slt.u32 s12, $0x8;
	s4 =	smul.u32 $0x28000, s6  }
0x8: {  	[smem:$0x7FF] =	sst s3;
	s8 =	ssub.s32 $0x2, s6;
	s13 =	sshll.u32 s6, $0x4  }
0x9: {  	p1 =	seq.s32 s6, $0x0;
	p0 =	por !p2, !p2;
	s21 =	sshll.u32 s6, $0x5  }
0xa: {  	s6 =	smul.u32 $0x9C00, s6;
	_ =	strace $0x8000004A;
	s11 =	sshrl.u32 s8, $0x1  }
0xb: {  	s9 =	sshrl.u32 s9, $0x2;
	p0 =	por @!p1 p2, p2;
	s5 =	sadd.s32 s7, s4  }
0xc: {  	s4 =	sadd.s32 $0x1200, s1;
	s1 =	sadd.s32 s5, s1;
	s5 =	sor.u32 s12, s13  }
0xd: {  	s7 =	sadd.s32 s4, s7;
	s10 =	smul.u32 $0x4E00, s5;
	s5 =	sadd.s32 s9, s2  }
0xe: {  	p1 =	sgt.u32 s12, $0x1;
	[dreg:$0x4] =	wrdreg s7;
	s14 =	sadd.s32 $0x4000, s5  }
0xf: {  	s8 =	ssub.s32 s8, s11;
	s15 =	sadd.s32 $0x8000, s5;
	[dreg:$0x5] =	wrdreg s14  }
0x10: {  	s9 =	sadd.s32 $0xC000, s5;
	[dreg:$0x6] =	wrdreg s15;
	s16 =	sshrl.u32 s10, $0x3  }
0x11: {  	s17 =	sadd.s32 $0x10000, s5;
	[dreg:$0x7] =	wrdreg s9;
	s11 =	sadd.s32 s0, s16  }
0x12: {  	s13 =	simm.s32 $0x3;
	[dreg:$0x8] =	wrdreg s17;
	s7 =	sadd.s32 $0x10, s11  }
0x13: {  	s9 =	simm.s32 $0x4;
	s18 =	sadd.s32 $0x20, s11;
	[dreg:$0x9] =	wrdreg s7  }
0x14: {  	s10 =	simm.s32 $0x5;
	s19 =	sadd.s32 $0x30, s11;
	[dreg:$0xa] =	wrdreg s18  }
0x15: {  	s14 =	simm.s32 $0x0;
	s20 =	sadd.s32 $0x40, s11;
	[dreg:$0xb] =	wrdreg s19  }
0x16: {  	s16 =	sshll.u32 s12, $0x6;
	s22 =	sadd.s32 $0x50, s11;
	[dreg:$0xc] =	wrdreg s20  }
0x17: {  	s12 =	simm.s32 $0x2;
	s23 =	sadd.s32 $0x60, s11;
	[dreg:$0xd] =	wrdreg s22  }
0x18: {  	s24 =	sadd.s32 $0x70, s11;
	s7 =	sor.u32 s21, s16;
	[dreg:$0xe] =	wrdreg s23  }
0x19: {  	[dreg:$0xf] =	wrdreg s24;
	s22 =	sadd.s32 $0x29200, s1;
	s23 =	smax.u32 s8, $0x1  }
.Ltmp0:
0x1a: {  	s1 =	simm.s32 $0x100;
	s8 =	simm.s32 $0x1;
	(pc) =	sbr.rel .LBB2_1-.Ltmp0, $4  }
0x1b: {  	s7 =	sadd.s32 s7, s0;
	s0 =	sadd.s32 s6, s0;
	s6 =	simm.s32 $0x180  }
0x1c: {  	s25 =	sadd.s32 $0x13800, s7;
	s7 =	sadd.s32 $0x13810, s7;
	s24 =	sadd.s32 s26, s0  }
0x1d: {  	s26 =	simm.s32 $0x6;
	s0 =	simm.s32 $0x300;
	[dreg:$0x10] =	wrdreg s25  }
0x1e: {  	v0 =	vimm.f32 $0.0e+00;
	[dreg:$0x11] =	wrdreg s7;
	s25 =	simm.s32 $0x400;
	s7 =	simm.s32 $0x380  }
.LBB2_9:
0x1f: {  	_ =	swait.ge [sflag:s8], $0x4000  }
0x20: {  	[sflag:s8] =	ssyncset.done $0x0  }
0x21: {  	[sflag:s8] =	ssyncadd.s32 $0xFFFFC000  }
0x22: {  	[spmem:s2] =	stream.indirect.scatter.add.f32 [tilespmem:s25], [sflag:$0x6], $0x80, s28, s29, $0xb8;
	[tilespmem:$0x1C400] =	vst v63  }
0x23: {  	_ =	swait.ge [sflag:s26], $0x4000  }
0x24: {  	[sflag:s26] =	ssyncset.done $0x0  }
0x25: {  	[sflag:s26] =	ssyncadd.s32 $0xFFFFC000  }
0x26: {  	_ =	swait.ge [sflag:s8], $0x4000  }
0x27: {  	[sflag:s8] =	ssyncset.done $0x0  }
0x28: {  	[sflag:s8] =	ssyncadd.s32 $0xFFFFC000  }
0x29: {  	[spmem:s2] =	stream.indirect.scatter.add.f32 [tilespmem:s31], [sflag:$0x6], $0x80, s30, s29, $0xb8;
	[tilespmem:$0x1C400] =	vst v63  }
0x2a: {  	_ =	swait.ge [sflag:s26], $0x4000  }
0x2b: {  	[sflag:s26] =	ssyncset.done $0x0  }
0x2c: {  	s15 =	simm.s32 @!p1 $0x0;
	s17 =	rddreg [dreg:$0x10];
	[sflag:s26] =	ssyncadd.s32 $0xFFFFC000  }
0x2d: {  	[tilespmem:s15], [sflag:$0x6] =	stream.linear.gather @!p1 [hbm4b:s17+s15], $0x80, $0x38;
	[tilespmem:$0x1C400] =	vst v63  }
0x2e: {  	s17 =	simm.s32 @!p1 $0x6  }
0x2f: {  	_ =	swait.ge @!p1 [sflag:s17], $0x80  }
0x30: {  	[sflag:s17] =	ssyncset.done @!p1 $0x0  }
0x31: {  	s18 =	simm.s32 @!p1 $0x200;
	s19 =	rddreg [dreg:$0x11];
	[sflag:s17] =	ssyncadd.s32 @!p1 $0xFFFFFF80  }
0x32: {  	[tilespmem:s18], [sflag:$0x6] =	stream.linear.gather @!p1 [hbm4b:s19+s15], $0x80, $0x38;
	[tilespmem:$0x1C400] =	vst v63  }
0x33: {  	_ =	swait.ge @!p1 [sflag:s17], $0x80  }
0x34: {  	[sflag:s17] =	ssyncset.done @!p1 $0x0  }
0x35: {  	s20 =	simm.s32 @!p1 $0x400;
	s19 =	simm.s32 @!p1 $0x80;
	[sflag:s17] =	ssyncadd.s32 @!p1 $0xFFFFFF80  }
0x36: {  	[tilespmem:s20], [sflag:$0x1] =	stream.indirect.gather @!p1 [hbm4b:s4+s19], $0x80, s15, s19, $0xb8;
	[tilespmem:$0x1C400] =	vst v63  }
0x37: {  	s15 =	simm.s32 @!p1 $0x1  }
0x38: {  	_ =	swait.ge @!p1 [sflag:s15], $0x4000  }
0x39: {  	[sflag:s15] =	ssyncset.done @!p1 $0x0  }
0x3a: {  	[sflag:s15] =	ssyncadd.s32 @!p1 $0xFFFFC000  }
0x3b: {  	[spmem:s2] =	stream.indirect.scatter.add.f32 @!p1 [tilespmem:s20], [sflag:$0x6], $0x80, s18, s19, $0xb8;
	[tilespmem:$0x1C400] =	vst v63  }
0x3c: {  	_ =	swait.ge @!p1 [sflag:s17], $0x4000  }
0x3d: {  	s14 =	sadd.s32 $0x1, s14;
	[sflag:s17] =	ssyncset.done @!p1 $0x0  }
0x3e: {  	s21 =	sshrl.u32 s5, $0x3;
	p2 =	sne.s32 s14, s23;
	[sflag:s17] =	ssyncadd.s32 @!p1 $0xFFFFC000  }
.Ltmp1:
0x3f: {  	s20 =	sor.u32 $0x1C06, s16;
	[bflag:$0x0] =	sbarrier.arrive $0xFFFF;
	(pc) =	sbr.rel @!p2 .LBB2_10-.Ltmp1, $4  }
0x40: {  	[hbm:s22], [sflag:s20] =	dma.local [spmem:s21], $0x2800  }
0x41: {  	_ =	swait.ge [sflag:s26], $0x2800  }
0x42: {  	[sflag:s26] =	ssyncset.done $0x0  }
0x43: {  	[sflag:s26] =	ssyncadd.s32 $0xFFFFD800  }
.LBB2_1:
.Ltmp2:
0x44: {  	(pc) =	sbr.rel @!p0 .LBB2_5-.Ltmp2, $1  }
0x45: {  	_ =	sdelay $0x3  }
0x46: {  	s15 =	sshra.s32 s3, $0x2;
	s17 =	sadd.s32 $0x200, s3  }
.LBB2_3:
0x47: {  	p2 =	sne.s32 s17, $0xFE00;
	[tilespmem:s15+$0x470] =	vst v0  }
0x48: {  	[tilespmem:s15+$0x400] =	vst v0  }
0x49: {  	[tilespmem:s15+$0x410] =	vst v0  }
.Ltmp3:
0x4a: {  	[tilespmem:s15+$0x420] =	vst v0;
	(pc) =	sbr.rel @p2 .LBB2_3-.Ltmp3, $4  }
0x4b: {  	[tilespmem:s15+$0x430] =	vst v0  }
0x4c: {  	[tilespmem:s15+$0x440] =	vst v0  }
0x4d: {  	[tilespmem:s15+$0x450] =	vst v0  }
0x4e: {  	[tilespmem:s15+$0x460] =	vst v0;
	s15 =	sshra.s32 s17, $0x2;
	s17 =	sadd.s32 $0x200, s17  }
0x4f: {  	[tilespmem:s15+$0x470] =	vst v0  }
0x50: {  	[tilespmem:s15+$0x400] =	vst v0  }
0x51: {  	[tilespmem:s15+$0x410] =	vst v0  }
0x52: {  	[tilespmem:s15+$0x420] =	vst v0  }
0x53: {  	[tilespmem:s15+$0x430] =	vst v0  }
0x54: {  	[tilespmem:s15+$0x440] =	vst v0  }
0x55: {  	[tilespmem:s15+$0x450] =	vst v0  }
0x56: {  	[tilespmem:s15+$0x460] =	vst v0  }
0x57: {  	[spmem:s5] =	stream.linear.scatter [tilespmem:s25], [sflag:$0x6], $0x4000, $0x38;
	[tilespmem:$0x1C400] =	vst v63  }
0x58: {  	_ =	swait.ge [sflag:s26], $0x4000  }
0x59: {  	[sflag:s26] =	ssyncset.done $0x0  }
0x5a: {  	s18 =	rddreg [dreg:$0x5];
	[sflag:s26] =	ssyncadd.s32 $0xFFFFC000  }
0x5b: {  	[spmem:s18] =	stream.linear.scatter [tilespmem:s25], [sflag:$0x6], $0x4000, $0x38;
	[tilespmem:$0x1C400] =	vst v63  }
0x5c: {  	_ =	swait.ge [sflag:s26], $0x4000  }
0x5d: {  	[sflag:s26] =	ssyncset.done $0x0  }
0x5e: {  	s19 =	rddreg [dreg:$0x6];
	[sflag:s26] =	ssyncadd.s32 $0xFFFFC000  }
0x5f: {  	[spmem:s19] =	stream.linear.scatter [tilespmem:s25], [sflag:$0x6], $0x4000, $0x38;
	[tilespmem:$0x1C400] =	vst v63  }
0x60: {  	_ =	swait.ge [sflag:s26], $0x4000  }
0x61: {  	[sflag:s26] =	ssyncset.done $0x0  }
0x62: {  	s20 =	rddreg [dreg:$0x7];
	[sflag:s26] =	ssyncadd.s32 $0xFFFFC000  }
0x63: {  	[spmem:s20] =	stream.linear.scatter [tilespmem:s25], [sflag:$0x6], $0x4000, $0x38;
	[tilespmem:$0x1C400] =	vst v63  }
0x64: {  	_ =	swait.ge [sflag:s26], $0x4000  }
0x65: {  	[sflag:s26] =	ssyncset.done $0x0  }
.Ltmp4:
0x66: {  	s21 =	rddreg [dreg:$0x8];
	[sflag:s26] =	ssyncadd.s32 $0xFFFFC000;
	(pc) =	sbr.rel .LBB2_6-.Ltmp4, $4  }
0x67: {  	[spmem:s21] =	stream.linear.scatter [tilespmem:s25], [sflag:$0x6], $0x4000, $0x38;
	[tilespmem:$0x1C400] =	vst v63  }
0x68: {  	_ =	swait.ge [sflag:s26], $0x4000  }
0x69: {  	[sflag:s26] =	ssyncset.done $0x0  }
0x6a: {  	[sflag:s26] =	ssyncadd.s32 $0xFFFFC000  }
.LBB2_5:
0x6b: {  	s15 =	sor.u32 $0x1C06, s16;
	s17 =	sshrl.u32 s5, $0x3;
	s18 =	rddreg [dreg:$0x4]  }
0x6c: {  	[spmem:s17], [sflag:s15] =	dma.local [hbm:s18], $0x2800  }
0x6d: {  	_ =	swait.ge [sflag:s26], $0x2800  }
0x6e: {  	[sflag:s26] =	ssyncset.done $0x0  }
0x6f: {  	[sflag:s26] =	ssyncadd.s32 $0xFFFFD800  }
.LBB2_6:
0x70: {  	[bflag:$0x0] =	sbarrier.arrive $0xFFFF;
	s15 =	simm.s32 $0x0  }
0x71: {  	[tilespmem:s15], [sflag:$0x6] =	stream.linear.gather [hbm4b:s11+s15], $0x80, $0x38;
	[tilespmem:$0x1C400] =	vst v63  }
0x72: {  	_ =	swait.ge [sflag:s26], $0x80  }
0x73: {  	[sflag:s26] =	ssyncset.done $0x0  }
0x74: {  	s17 =	rddreg [dreg:$0x9];
	[sflag:s26] =	ssyncadd.s32 $0xFFFFFF80  }
0x75: {  	[tilespmem:s28], [sflag:$0x6] =	stream.linear.gather [hbm4b:s17+s15], $0x80, $0x38;
	[tilespmem:$0x1C400] =	vst v63  }
0x76: {  	_ =	swait.ge [sflag:s26], $0x80  }
0x77: {  	[sflag:s26] =	ssyncset.done $0x0  }
0x78: {  	[sflag:s26] =	ssyncadd.s32 $0xFFFFFF80  }
0x79: {  	[tilespmem:s25], [sflag:$0x1] =	stream.indirect.gather [hbm4b:s4+s29], $0x80, s15, s29, $0xb8;
	[tilespmem:$0x1C400] =	vst v63  }
0x7a: {  	s20 =	rddreg [dreg:$0xa]  }
0x7b: {  	[tilespmem:s29], [sflag:$0x6] =	stream.linear.gather [hbm4b:s20+s15], $0x80, $0x38;
	[tilespmem:$0x1C400] =	vst v63  }
0x7c: {  	_ =	swait.ge [sflag:s26], $0x80  }
0x7d: {  	[sflag:s26] =	ssyncset.done $0x0  }
0x7e: {  	s21 =	rddreg [dreg:$0xb];
	[sflag:s26] =	ssyncadd.s32 $0xFFFFFF80  }
0x7f: {  	[tilespmem:s30], [sflag:$0x6] =	stream.linear.gather [hbm4b:s21+s15], $0x80, $0x38;
	[tilespmem:$0x1C400] =	vst v63  }
0x80: {  	_ =	swait.ge [sflag:s26], $0x80  }
0x81: {  	[sflag:s26] =	ssyncset.done $0x0  }
0x82: {  	[sflag:s26] =	ssyncadd.s32 $0xFFFFFF80  }
0x83: {  	[tilespmem:s31], [sflag:$0x1] =	stream.indirect.gather [hbm4b:s4+s29], $0x80, s29, s29, $0xb8;
	[tilespmem:$0x1C400] =	vst v63  }
0x84: {  	s18 =	rddreg [dreg:$0xc]  }
0x85: {  	[tilespmem:s1], [sflag:$0x4] =	stream.linear.gather [hbm4b:s18+s15], $0x80, $0x38;
	[tilespmem:$0x1C400] =	vst v63  }
0x86: {  	s19 =	rddreg [dreg:$0xd]  }
0x87: {  	[tilespmem:s0], [sflag:$0x4] =	stream.linear.gather [hbm4b:s19+s15], $0x80, $0x38;
	[tilespmem:$0x1C400] =	vst v63  }
0x88: {  	s20 =	rddreg [dreg:$0xe]  }
0x89: {  	[tilespmem:s6], [sflag:$0x5] =	stream.linear.gather [hbm4b:s20+s15], $0x80, $0x38;
	[tilespmem:$0x1C400] =	vst v63  }
0x8a: {  	s21 =	rddreg [dreg:$0xf]  }
0x8b: {  	[tilespmem:s7], [sflag:$0x5] =	stream.linear.gather [hbm4b:s21+s15], $0x80, $0x38;
	[tilespmem:$0x1C400] =	vst v63  }
.LBB2_7:
0x8c: {  	_ =	swait.ge [sflag:s8], $0x4000  }
0x8d: {  	[sflag:s8] =	ssyncset.done $0x0  }
0x8e: {  	[sflag:s8] =	ssyncadd.s32 $0xFFFFC000  }
0x8f: {  	[spmem:s2] =	stream.indirect.scatter.add.f32 [tilespmem:s25], [sflag:$0x6], $0x80, s28, s29, $0xb8;
	[tilespmem:$0x1C400] =	vst v63  }
0x90: {  	_ =	swait.ge [sflag:s26], $0x4000  }
0x91: {  	[sflag:s26] =	ssyncset.done $0x0  }
0x92: {  	[sflag:s26] =	ssyncadd.s32 $0xFFFFC000  }
0x93: {  	_ =	swait.ge [sflag:s9], $0x80  }
0x94: {  	[sflag:s9] =	ssyncset.done $0x0  }
0x95: {  	[sflag:s9] =	ssyncadd.s32 $0xFFFFFF80  }
0x96: {  	_ =	swait.ge [sflag:s9], $0x80  }
0x97: {  	[sflag:s9] =	ssyncset.done $0x0  }
0x98: {  	s17 =	sadd.s32 s15, s24;
	[sflag:s9] =	ssyncadd.s32 $0xFFFFFF80  }
0x99: {  	[tilespmem:s25], [sflag:$0x1] =	stream.indirect.gather [hbm4b:s4+s29], $0x80, s1, s29, $0xb8;
	[tilespmem:$0x1C400] =	vst v63  }
0x9a: {  	s18 =	sadd.s32 $0x80, s17  }
0x9b: {  	[tilespmem:s3], [sflag:$0x2] =	stream.linear.gather [hbm4b:s18+s3], $0x80, $0x38;
	[tilespmem:$0x1C400] =	vst v63  }
0x9c: {  	s19 =	sadd.s32 $0x90, s17  }
0x9d: {  	[tilespmem:s28], [sflag:$0x2] =	stream.linear.gather [hbm4b:s19+s3], $0x80, $0x38;
	[tilespmem:$0x1C400] =	vst v63  }
0x9e: {  	_ =	swait.ge [sflag:s8], $0x4000  }
0x9f: {  	[sflag:s8] =	ssyncset.done $0x0  }
0xa0: {  	[sflag:s8] =	ssyncadd.s32 $0xFFFFC000  }
0xa1: {  	[spmem:s2] =	stream.indirect.scatter.add.f32 [tilespmem:s31], [sflag:$0x6], $0x80, s30, s29, $0xb8;
	[tilespmem:$0x1C400] =	vst v63  }
0xa2: {  	_ =	swait.ge [sflag:s26], $0x4000  }
0xa3: {  	[sflag:s26] =	ssyncset.done $0x0  }
0xa4: {  	[sflag:s26] =	ssyncadd.s32 $0xFFFFC000  }
0xa5: {  	_ =	swait.ge [sflag:s10], $0x80  }
0xa6: {  	[sflag:s10] =	ssyncset.done $0x0  }
0xa7: {  	[sflag:s10] =	ssyncadd.s32 $0xFFFFFF80  }
0xa8: {  	_ =	swait.ge [sflag:s10], $0x80  }
0xa9: {  	[sflag:s10] =	ssyncset.done $0x0  }
0xaa: {  	[sflag:s10] =	ssyncadd.s32 $0xFFFFFF80  }
0xab: {  	[tilespmem:s31], [sflag:$0x1] =	stream.indirect.gather [hbm4b:s4+s29], $0x80, s6, s29, $0xb8;
	[tilespmem:$0x1C400] =	vst v63  }
0xac: {  	s20 =	sadd.s32 $0xA0, s17  }
0xad: {  	[tilespmem:s29], [sflag:$0x3] =	stream.linear.gather [hbm4b:s20+s3], $0x80, $0x38;
	[tilespmem:$0x1C400] =	vst v63  }
0xae: {  	s21 =	sadd.s32 $0xB0, s17  }
0xaf: {  	[tilespmem:s30], [sflag:$0x3] =	stream.linear.gather [hbm4b:s21+s3], $0x80, $0x38;
	[tilespmem:$0x1C400] =	vst v63  }
0xb0: {  	_ =	swait.ge [sflag:s8], $0x4000  }
0xb1: {  	[sflag:s8] =	ssyncset.done $0x0  }
0xb2: {  	[sflag:s8] =	ssyncadd.s32 $0xFFFFC000  }
0xb3: {  	[spmem:s2] =	stream.indirect.scatter.add.f32 [tilespmem:s25], [sflag:$0x6], $0x80, s0, s29, $0xb8;
	[tilespmem:$0x1C400] =	vst v63  }
0xb4: {  	_ =	swait.ge [sflag:s26], $0x4000  }
0xb5: {  	[sflag:s26] =	ssyncset.done $0x0  }
0xb6: {  	[sflag:s26] =	ssyncadd.s32 $0xFFFFC000  }
0xb7: {  	_ =	swait.ge [sflag:s12], $0x80  }
0xb8: {  	[sflag:s12] =	ssyncset.done $0x0  }
0xb9: {  	[sflag:s12] =	ssyncadd.s32 $0xFFFFFF80  }
0xba: {  	_ =	swait.ge [sflag:s12], $0x80  }
0xbb: {  	p2 =	seq.s32 s15, $0x900;
	[sflag:s12] =	ssyncset.done $0x0  }
0xbc: {  	s18 =	sadd.s32 @!p2 s15, s24;
	[sflag:s12] =	ssyncadd.s32 $0xFFFFFF80  }
0xbd: {  	[tilespmem:s25], [sflag:$0x1] =	stream.indirect.gather [hbm4b:s4+s29], $0x80, s3, s29, $0xb8;
	[tilespmem:$0x1C400] =	vst v63  }
0xbe: {  	s19 =	sadd.s32 @!p2 $0xC0, s18;
	s20 =	simm.s32 @!p2 $0x0;
	s21 =	simm.s32 @!p2 $0x100  }
0xbf: {  	[tilespmem:s21], [sflag:$0x4] =	stream.linear.gather @!p2 [hbm4b:s19+s20], $0x80, $0x38;
	[tilespmem:$0x1C400] =	vst v63  }
0xc0: {  	s18 =	sadd.s32 @!p2 $0xD0, s18;
	s19 =	simm.s32 @!p2 $0x300  }
0xc1: {  	[tilespmem:s19], [sflag:$0x4] =	stream.linear.gather @!p2 [hbm4b:s18+s20], $0x80, $0x38;
	[tilespmem:$0x1C400] =	vst v63  }
0xc2: {  	_ =	swait.ge [sflag:s8], $0x4000  }
0xc3: {  	[sflag:s8] =	ssyncset.done $0x0  }
0xc4: {  	[sflag:s8] =	ssyncadd.s32 $0xFFFFC000  }
0xc5: {  	[spmem:s2] =	stream.indirect.scatter.add.f32 [tilespmem:s31], [sflag:$0x6], $0x80, s7, s29, $0xb8;
	[tilespmem:$0x1C400] =	vst v63  }
0xc6: {  	_ =	swait.ge [sflag:s26], $0x4000  }
0xc7: {  	[sflag:s26] =	ssyncset.done $0x0  }
0xc8: {  	[sflag:s26] =	ssyncadd.s32 $0xFFFFC000  }
0xc9: {  	_ =	swait.ge [sflag:s13], $0x80  }
0xca: {  	[sflag:s13] =	ssyncset.done $0x0  }
.Ltmp5:
0xcb: {  	[sflag:s13] =	ssyncadd.s32 $0xFFFFFF80;
	(pc) =	sbr.rel @p2 .LBB2_9-.Ltmp5, $4  }
0xcc: {  	_ =	swait.ge [sflag:s13], $0x80  }
0xcd: {  	[sflag:s13] =	ssyncset.done $0x0  }
0xce: {  	[sflag:s13] =	ssyncadd.s32 $0xFFFFFF80  }
0xcf: {  	[tilespmem:s31], [sflag:$0x1] =	stream.indirect.gather [hbm4b:s4+s29], $0x80, s29, s29, $0xb8;
	[tilespmem:$0x1C400] =	vst v63  }
.Ltmp6:
0xd0: {  	(pc) =	sbr.rel .LBB2_7-.Ltmp6, $4  }
0xd1: {  	s18 =	sadd.s32 $0xE0, s17  }
0xd2: {  	[tilespmem:s6], [sflag:$0x5] =	stream.linear.gather [hbm4b:s18+s3], $0x80, $0x38;
	[tilespmem:$0x1C400] =	vst v63  }
0xd3: {  	s21 =	sadd.s32 $0xF0, s17;
	s15 =	sadd.s32 $0x80, s15  }
0xd4: {  	[tilespmem:s7], [sflag:$0x5] =	stream.linear.gather [hbm4b:s21+s3], $0x80, $0x38;
	[tilespmem:$0x1C400] =	vst v63  }
.LBB2_10:
0xd5: {  	_ =	sfence.sel $0x180000  }
0xd6: {  	[bflag:$0x0] =	sbarrier.arrive $0xFFFF  }
0xd7: {  	_ =	strace $0x9000004A  }
0xd8: {  	s0 =	stileid.u32;
	[bflag:$0x2] =	sbarrier.arrive $0xFFFF  }
0xd9: {  	p0 =	sne.s32 s0, $0x0;
	s0 =	rddreg [dreg:$0x3]  }
0xda: {  	s0 =	sadd.s32 @!p0 $0x100000, s0  }
0xdb: {  	[sflag:s0] =	ssyncadd.tile.s32 @!p0 $0x1;
	_ =	shalt  }
.Lfunc_end2:
_tile_overlayer_lowered:
.L_overlay_start_2:
0xdc: {  	(tag) =	ssettag $0x2  }
0xdd: {  	s0 =	rddreg [dreg:$0x0];
	s2 =	stileid.u32  }
0xde: {  	s1 =	rddreg [dreg:$0x1];
	p0 =	sne.s32 s2, $0x0  }
0xdf: {  	s3 =	rddreg [dreg:$0x2];
	[bflag:$0x3] =	sbarrier.arrive $0xFFFF;
	s2 =	simm.s32 @!p0 $0x1C06  }
0xe0: {  	[timem:s3], [sflag:s2] =	dma.local @!p0 [hbm:s0], s1  }
0xe1: {  	s0 =	simm.s32 @!p0 $0x6  }
0xe2: {  	_ =	swait.ge @!p0 [sflag:s0], s1  }
0xe3: {  	s1 =	ssub.s32 @!p0 $0x0, s1;
	[sflag:s0] =	ssyncset.done @!p0 $0x0  }
0xe4: {  	[sflag:s0] =	ssyncadd.s32 @!p0 s1  }
0xe5: {  	[bflag:$0x3] =	sbarrier.arrive $0xFFFF  }
0xe6: {  	_ =	shalt  }

</sc_bundles>
